<compile_context>
chip_gen: v7x
topology: tpu7x:2x2x1
jax: 0.10.2.dev20260603
libtpu: 0.0.44.dev20260713+nightly
codegen_flags: <defaults>
</compile_context>

<pallas_src>
import functools

import jax
import jax.numpy as jnp
from jax import lax
from jax.experimental import pallas as pl
from jax.experimental.pallas import tpu as pltpu
from jax.experimental.pallas import tpu_sc as plsc

B = 16
N = 4096
D = 128
S = 16
MAX_OBJECTS = 8
LN_EPS = 1e-5

NB_SC = 6
NB_TC = B - NB_SC

NC = 2
NS = 16
CH = 128
CPB = N // CH
BPC = NB_SC // NC
NCHW = BPC * CPB // NS
NBUF = 4


def _sc_segment_sums(features, segment_ids):
    mesh = plsc.VectorSubcoreMesh(core_axis_name="c", subcore_axis_name="s")

    @functools.partial(
        pl.kernel,
        out_type=jax.ShapeDtypeStruct((NB_SC * S, D), jnp.float32),
        mesh=mesh,
        scratch_types=[
            pltpu.VMEM((NBUF, CH, D), jnp.float32),
            pltpu.VMEM((NCHW * CH,), jnp.int32),
            pltpu.VMEM((NCHW, CH), jnp.int32),
            pltpu.VMEM((8, D), jnp.float32),
            pltpu.VMEM_SHARED((BPC * S, D), jnp.float32),
            pltpu.SemaphoreType.DMA,
            pltpu.SemaphoreType.DMA,
        ],
    )
    def sc_kernel(feat_hbm, sid_hbm, out_hbm, featb, sidb, idxb, stage, acc,
                  gsem, ssem):
        c = lax.axis_index("c")
        s = lax.axis_index("s")
        g0 = (c * NS + s) * NCHW

        zeros16 = jnp.zeros((16,), jnp.float32)
        for i in range(8):
            for j in range(D // 16):
                stage[i, pl.ds(j * 16, 16)] = zeros16

        @pl.when(s < (BPC * S) // 8)
        def _zero():
            pltpu.sync_copy(stage, acc.at[pl.ds(s * 8, 8)])

        sid_cps = []
        for k in range(NCHW):
            g = g0 + k
            sid_cps.append(pltpu.async_copy(
                sid_hbm.at[g // CPB, pl.ds((g % CPB) * CH, CH)],
                sidb.at[pl.ds(k * CH, CH)], ssem,
            ))
        for cp in sid_cps:
            cp.wait()
        for k in range(NCHW):
            lb = (g0 + k) // CPB % BPC
            for j in range(CH // 16):
                idxb[k, pl.ds(j * 16, 16)] = (
                    sidb[pl.ds(k * CH + j * 16, 16)] + lb * S
                )

        plsc.subcore_barrier()

        def _gather(k, slot):
            g = g0 + k
            return pltpu.async_copy(
                feat_hbm.at[g // CPB, pl.ds((g % CPB) * CH, CH)],
                featb.at[slot], gsem,
            )

        cps = [_gather(k, k) for k in range(min(NBUF, NCHW))]
        scatters = [None] * NBUF
        for k in range(NCHW):
            slot = k % NBUF
            cps[slot].wait()
            scatters[slot] = pltpu.async_copy(
                featb.at[slot], acc.at[idxb.at[k]], ssem, add=True
            )
            nk = k + NBUF
            if nk < NCHW:
                scatters[slot].wait()
                scatters[slot] = None
                cps[slot] = _gather(nk, slot)
        for sc in scatters:
            if sc is not None:
                sc.wait()

        plsc.subcore_barrier()

        @pl.when(s < (BPC * S) // 8)
        def _writeback():
            pltpu.sync_copy(acc.at[pl.ds(s * 8, 8)], stage)
            pltpu.sync_copy(stage, out_hbm.at[pl.ds(c * BPC * S + s * 8, 8)])

    return sc_kernel(features, segment_ids)


def _dot_exact_bf16(a_bf16, b_f32):
    b_hi = b_f32.astype(jnp.bfloat16)
    b_lo = (b_f32 - b_hi.astype(jnp.float32)).astype(jnp.bfloat16)
    hi = lax.dot(a_bf16, b_hi, preferred_element_type=jnp.float32)
    lo = lax.dot(a_bf16, b_lo, preferred_element_type=jnp.float32)
    return hi + lo


def _finish(sums, counts, w, bias, lnw, lnb, nb):
    seg_iota = lax.broadcasted_iota(jnp.int32, (nb, S), 1)
    key = counts * S + (S - 1 - seg_iota)
    rank = jnp.sum(
        (key[:, :, None] > key[:, None, :]).astype(jnp.int32), axis=1
    )
    means = sums / jnp.maximum(counts, 1)[:, :, None].astype(jnp.float32)
    slot_iota = lax.broadcasted_iota(jnp.int32, (nb, MAX_OBJECTS, S), 1)
    sel = jnp.logical_and(
        rank[:, None, :] == slot_iota, (counts > 0)[:, None, :]
    ).astype(jnp.bfloat16)
    pooled = jnp.concatenate(
        [_dot_exact_bf16(sel[b_], means[b_]) for b_ in range(nb)], axis=0
    )
    p_hi = pooled.astype(jnp.bfloat16)
    p_lo = (pooled - p_hi.astype(jnp.float32)).astype(jnp.bfloat16)
    w_hi = w.astype(jnp.bfloat16)
    w_lo = (w - w_hi.astype(jnp.float32)).astype(jnp.bfloat16)
    dn = (((1,), (1,)), ((), ()))
    out = (
        lax.dot_general(p_hi, w_hi, dn, preferred_element_type=jnp.float32)
        + lax.dot_general(p_hi, w_lo, dn, preferred_element_type=jnp.float32)
        + lax.dot_general(p_lo, w_hi, dn, preferred_element_type=jnp.float32)
        + bias[None, :]
    )
    mu = jnp.mean(out, axis=-1, keepdims=True)
    xc = out - mu
    var = jnp.mean(xc * xc, axis=-1, keepdims=True)
    return xc * lax.rsqrt(var + LN_EPS) * lnw[None, :] + lnb[None, :]


def _tc_batch_body(feat_ref, sid_ref, sums_ref, cnt_ref):
    f = feat_ref[0]
    i = pl.program_id(0)
    sid = sid_ref[pl.ds(NB_SC + i, 1), :]
    ohm = sid == lax.broadcasted_iota(jnp.int32, (S, N), 0)
    sums_ref[...] = _dot_exact_bf16(ohm.astype(jnp.bfloat16), f)[None]
    cnt_ref[...] = jnp.sum(ohm.astype(jnp.int32), axis=1, keepdims=True).reshape(
        1, 1, S
    )


def _tc_finish_body(sc_sums_ref, tc_sums_ref, tc_cnt_ref, sid_ref, w_ref,
                    b_ref, lnw_ref, lnb_ref, out_ref):
    sums = jnp.concatenate(
        [sc_sums_ref[...].reshape(NB_SC, S, D), tc_sums_ref[...]], axis=0
    )
    sid = sid_ref[0:NB_SC, :]
    cols = [
        jnp.sum((sid == s_).astype(jnp.int32), axis=1, keepdims=True)
        for s_ in range(S)
    ]
    counts = jnp.concatenate(
        [jnp.concatenate(cols, axis=1), tc_cnt_ref[...].reshape(NB_TC, S)],
        axis=0,
    )
    out_ref[...] = _finish(
        sums, counts, w_ref[...], b_ref[...], lnw_ref[...], lnb_ref[...], B
    ).reshape(B, MAX_OBJECTS, D)


def kernel(features, segment_ids, W_proj, b_proj, ln_w, ln_b):
    segment_ids = segment_ids.astype(jnp.int32)
    sc_sums = _sc_segment_sums(features, segment_ids)

    tc_sums, tc_cnt = pl.pallas_call(
        _tc_batch_body,
        grid=(NB_TC,),
        in_specs=[
            pl.BlockSpec((1, N, D), lambda i: (NB_SC + i, 0, 0)),
            pl.BlockSpec((B, N), lambda i: (0, 0)),
        ],
        out_specs=[
            pl.BlockSpec((1, S, D), lambda i: (i, 0, 0)),
            pl.BlockSpec((1, 1, S), lambda i: (i, 0, 0)),
        ],
        out_shape=[
            jax.ShapeDtypeStruct((NB_TC, S, D), jnp.float32),
            jax.ShapeDtypeStruct((NB_TC, 1, S), jnp.int32),
        ],
    )(features, segment_ids)

    out = pl.pallas_call(
        _tc_finish_body,
        grid=(1,),
        in_specs=[
            pl.BlockSpec((NB_SC * S, D), lambda i: (0, 0)),
            pl.BlockSpec((NB_TC, S, D), lambda i: (0, 0, 0)),
            pl.BlockSpec((NB_TC, 1, S), lambda i: (0, 0, 0)),
            pl.BlockSpec((B, N), lambda i: (0, 0)),
            pl.BlockSpec((D, D), lambda i: (0, 0)),
            pl.BlockSpec((D,), lambda i: (0,)),
            pl.BlockSpec((D,), lambda i: (0,)),
            pl.BlockSpec((D,), lambda i: (0,)),
        ],
        out_specs=pl.BlockSpec((B, MAX_OBJECTS, D), lambda i: (0, 0, 0)),
        out_shape=jax.ShapeDtypeStruct((B, MAX_OBJECTS, D), jnp.float32),
    )(sc_sums, tc_sums, tc_cnt, segment_ids, W_proj, b_proj, ln_w, ln_b)
    return out

# --- scband reference (transcript-rebuilt; emitter-appended) ---
"""Pipeline reference for scband-binding-readout-23270132810200 (READ-ONLY COPY).

The authoritative reference and input builder live on the scoring server;
editing this copy changes nothing except your own understanding.
"""

import jax, jax.numpy as jnp
import numpy as np

B = 16
N = 4096
D = 128
NUM_SEGS = 16
MAX_OBJECTS = 8
LN_EPS = 1e-5


def setup_inputs(seed: int = 0) -> dict:
    key = jax.random.key(seed)
    k1, k2, k3, k4 = jax.random.split(key, 4)
    features = jax.random.normal(k1, (B, N, D), dtype=jnp.float32)
    segment_ids = jax.random.randint(k2, (B, N), 0, NUM_SEGS)
    # obj_proj: nn.Linear(dim, dim) -> weight (D, D), bias (D,)
    bound = 1.0 / np.sqrt(D)
    W_proj = jax.random.uniform(k3, (D, D), dtype=jnp.float32, minval=-bound, maxval=bound)
    b_proj = jax.random.uniform(k4, (D,), dtype=jnp.float32, minval=-bound, maxval=bound)
    # obj_norm: nn.LayerNorm(dim)
    ln_w = jnp.ones((D,), dtype=jnp.float32)
    ln_b = jnp.zeros((D,), dtype=jnp.float32)
    return {"features": features, "segment_ids": segment_ids, "W_proj": W_proj,
            "b_proj": b_proj, "ln_w": ln_w, "ln_b": ln_b}


def reference(features, segment_ids, W_proj, b_proj, ln_w, ln_b):
    # mean-pool per segment, order segments by size (largest first, stable ->
    # ascending segment id among ties, matching torch's sorted unique + stable sort),
    # keep top MAX_OBJECTS slots, zero-fill empty/unused slots.
    def per_batch(f, sid):
        sums = jax.ops.segment_sum(f, sid, num_segments=NUM_SEGS)
        counts = jax.ops.segment_sum(jnp.ones((f.shape[0],), dtype=jnp.int32), sid,
                                     num_segments=NUM_SEGS)
        means = sums / jnp.maximum(counts, 1)[:, None].astype(f.dtype)
        order = jnp.argsort(-counts)  # stable sort: largest first, ties by seg id
        sel = order[:MAX_OBJECTS]
        pooled = means[sel]
        mask = (counts[sel] > 0).astype(f.dtype)
        return pooled * mask[:, None]

    out = jax.vmap(per_batch)(features, segment_ids)  # (B, MAX_OBJECTS, D)
    out = out @ W_proj.T + b_proj
    mu = jnp.mean(out, axis=-1, keepdims=True)
    var = jnp.var(out, axis=-1, keepdims=True)
    out = (out - mu) / jnp.sqrt(var + LN_EPS) * ln_w + ln_b
    return out

if __name__ == "__main__":
    import jax
    _d = setup_inputs()
    print(jax.jit(kernel)(*tuple(_d.values())))

</pallas_src>

<mosaic_0001>
#map = affine_map<(d0, d1) -> (0, 0, 0)>
#map1 = affine_map<(d0, d1) -> (0, 0)>
module attributes {stable_mosaic.version = 14 : i64} {
  func.func @sc_kernel(%arg0: i32, %arg1: i32, %arg2: memref<16x4096x128xf32, #tpu.memory_space<hbm>>, %arg3: memref<16x4096xi32, #tpu.memory_space<hbm>>, %arg4: memref<96x128xf32, #tpu.memory_space<hbm>>, %arg5: memref<4x128x128xf32, #tpu.memory_space<vmem>>, %arg6: memref<768xi32, #tpu.memory_space<vmem>>, %arg7: memref<6x128xi32, #tpu.memory_space<vmem>>, %arg8: memref<8x128xf32, #tpu.memory_space<vmem>>, %arg9: memref<48x128xf32, #tpu.memory_space<vmem_shared>>, %arg10: memref<!tpu.dma_semaphore, #tpu.memory_space<semaphore_mem>>, %arg11: memref<!tpu.dma_semaphore, #tpu.memory_space<semaphore_mem>>) attributes {dimension_semantics = [#tpu.dimension_semantics<core_parallel>, #tpu.dimension_semantics<subcore_parallel>], iteration_bounds = array<i64: 2, 16>, scalar_prefetch = 0 : i64, scratch_operands = 7 : i64, tpu.core_type = #tpu.core_type<sc_vector_subcore>, window_params = [{transform_indices = #map}, {transform_indices = #map1}, {transform_indices = #map1}]} {
    %mul3A = arith.constant 16 : i32
    %mul3A_0 = arith.muli %arg0, %mul3A : i32
    %add3A = arith.addi %mul3A_0, %arg1 : i32
    %mul3A_1 = arith.constant 6 : i32
    %mul3A_2 = arith.muli %add3A, %mul3A_1 : i32
    %broadcast_in_dim3A = arith.constant 0.000000e+00 : f32
    %broadcast_in_dim3A_3 = vector.broadcast %broadcast_in_dim3A : f32 to vector<16xf32>
    %swap3A = arith.constant 0 : i32
    %swap3A_4 = arith.index_cast %swap3A : i32 to index
    %swap3A_5 = arith.constant 0 : index
    %swap3A_6 = tpu.vector_load %arg8[%swap3A_4, %swap3A_5] {strides = array<i32>} : memref<8x128xf32, #tpu.memory_space<vmem>>, vector<1x16xf32>,
    %swap3A_7 = vector.shape_cast %swap3A_6 : vector<1x16xf32> to vector<16xf32>
    %swap3A_8 = vector.shape_cast %broadcast_in_dim3A_3 : vector<16xf32> to vector<1x16xf32>
    tpu.vector_store %arg8[%swap3A_4, %swap3A_5], %swap3A_8 {strides = array<i32>} : memref<8x128xf32, #tpu.memory_space<vmem>>, vector<1x16xf32>,
    %swap3A_9 = arith.constant 0 : i32
    %swap3A_10 = arith.index_cast %swap3A_9 : i32 to index
    %swap3A_11 = arith.constant 16 : index
    %swap3A_12 = tpu.vector_load %arg8[%swap3A_10, %swap3A_11] {strides = array<i32>} : memref<8x128xf32, #tpu.memory_space<vmem>>, vector<1x16xf32>,
    %swap3A_13 = vector.shape_cast %swap3A_12 : vector<1x16xf32> to vector<16xf32>
    %swap3A_14 = vector.shape_cast %broadcast_in_dim3A_3 : vector<16xf32> to vector<1x16xf32>
    tpu.vector_store %arg8[%swap3A_10, %swap3A_11], %swap3A_14 {strides = array<i32>} : memref<8x128xf32, #tpu.memory_space<vmem>>, vector<1x16xf32>,
    %swap3A_15 = arith.constant 0 : i32
    %swap3A_16 = arith.index_cast %swap3A_15 : i32 to index
    %swap3A_17 = arith.constant 32 : index
    %swap3A_18 = tpu.vector_load %arg8[%swap3A_16, %swap3A_17] {strides = array<i32>} : memref<8x128xf32, #tpu.memory_space<vmem>>, vector<1x16xf32>,
    %swap3A_19 = vector.shape_cast %swap3A_18 : vector<1x16xf32> to vector<16xf32>
    %swap3A_20 = vector.shape_cast %broadcast_in_dim3A_3 : vector<16xf32> to vector<1x16xf32>
    tpu.vector_store %arg8[%swap3A_16, %swap3A_17], %swap3A_20 {strides = array<i32>} : memref<8x128xf32, #tpu.memory_space<vmem>>, vector<1x16xf32>,
    %swap3A_21 = arith.constant 0 : i32
    %swap3A_22 = arith.index_cast %swap3A_21 : i32 to index
    %swap3A_23 = arith.constant 48 : index
    %swap3A_24 = tpu.vector_load %arg8[%swap3A_22, %swap3A_23] {strides = array<i32>} : memref<8x128xf32, #tpu.memory_space<vmem>>, vector<1x16xf32>,
    %swap3A_25 = vector.shape_cast %swap3A_24 : vector<1x16xf32> to vector<16xf32>
    %swap3A_26 = vector.shape_cast %broadcast_in_dim3A_3 : vector<16xf32> to vector<1x16xf32>
    tpu.vector_store %arg8[%swap3A_22, %swap3A_23], %swap3A_26 {strides = array<i32>} : memref<8x128xf32, #tpu.memory_space<vmem>>, vector<1x16xf32>,
    %swap3A_27 = arith.constant 0 : i32
    %swap3A_28 = arith.index_cast %swap3A_27 : i32 to index
    %swap3A_29 = arith.constant 64 : index
    %swap3A_30 = tpu.vector_load %arg8[%swap3A_28, %swap3A_29] {strides = array<i32>} : memref<8x128xf32, #tpu.memory_space<vmem>>, vector<1x16xf32>,
    %swap3A_31 = vector.shape_cast %swap3A_30 : vector<1x16xf32> to vector<16xf32>
    %swap3A_32 = vector.shape_cast %broadcast_in_dim3A_3 : vector<16xf32> to vector<1x16xf32>
    tpu.vector_store %arg8[%swap3A_28, %swap3A_29], %swap3A_32 {strides = array<i32>} : memref<8x128xf32, #tpu.memory_space<vmem>>, vector<1x16xf32>,
    %swap3A_33 = arith.constant 0 : i32
    %swap3A_34 = arith.index_cast %swap3A_33 : i32 to index
    %swap3A_35 = arith.constant 80 : index
    %swap3A_36 = tpu.vector_load %arg8[%swap3A_34, %swap3A_35] {strides = array<i32>} : memref<8x128xf32, #tpu.memory_space<vmem>>, vector<1x16xf32>,
    %swap3A_37 = vector.shape_cast %swap3A_36 : vector<1x16xf32> to vector<16xf32>
    %swap3A_38 = vector.shape_cast %broadcast_in_dim3A_3 : vector<16xf32> to vector<1x16xf32>
    tpu.vector_store %arg8[%swap3A_34, %swap3A_35], %swap3A_38 {strides = array<i32>} : memref<8x128xf32, #tpu.memory_space<vmem>>, vector<1x16xf32>,
    %swap3A_39 = arith.constant 0 : i32
    %swap3A_40 = arith.index_cast %swap3A_39 : i32 to index
    %swap3A_41 = arith.constant 96 : index
    %swap3A_42 = tpu.vector_load %arg8[%swap3A_40, %swap3A_41] {strides = array<i32>} : memref<8x128xf32, #tpu.memory_space<vmem>>, vector<1x16xf32>,
    %swap3A_43 = vector.shape_cast %swap3A_42 : vector<1x16xf32> to vector<16xf32>
    %swap3A_44 = vector.shape_cast %broadcast_in_dim3A_3 : vector<16xf32> to vector<1x16xf32>
    tpu.vector_store %arg8[%swap3A_40, %swap3A_41], %swap3A_44 {strides = array<i32>} : memref<8x128xf32, #tpu.memory_space<vmem>>, vector<1x16xf32>,
    %swap3A_45 = arith.constant 0 : i32
    %swap3A_46 = arith.index_cast %swap3A_45 : i32 to index
    %swap3A_47 = arith.constant 112 : index
    %swap3A_48 = tpu.vector_load %arg8[%swap3A_46, %swap3A_47] {strides = array<i32>} : memref<8x128xf32, #tpu.memory_space<vmem>>, vector<1x16xf32>,
    %swap3A_49 = vector.shape_cast %swap3A_48 : vector<1x16xf32> to vector<16xf32>
    %swap3A_50 = vector.shape_cast %broadcast_in_dim3A_3 : vector<16xf32> to vector<1x16xf32>
    tpu.vector_store %arg8[%swap3A_46, %swap3A_47], %swap3A_50 {strides = array<i32>} : memref<8x128xf32, #tpu.memory_space<vmem>>, vector<1x16xf32>,
    %swap3A_51 = arith.constant 1 : i32
    %swap3A_52 = arith.index_cast %swap3A_51 : i32 to index
    %swap3A_53 = arith.constant 0 : index
    %swap3A_54 = tpu.vector_load %arg8[%swap3A_52, %swap3A_53] {strides = array<i32>} : memref<8x128xf32, #tpu.memory_space<vmem>>, vector<1x16xf32>,
    %swap3A_55 = vector.shape_cast %swap3A_54 : vector<1x16xf32> to vector<16xf32>
    %swap3A_56 = vector.shape_cast %broadcast_in_dim3A_3 : vector<16xf32> to vector<1x16xf32>
    tpu.vector_store %arg8[%swap3A_52, %swap3A_53], %swap3A_56 {strides = array<i32>} : memref<8x128xf32, #tpu.memory_space<vmem>>, vector<1x16xf32>,
    %swap3A_57 = arith.constant 1 : i32
    %swap3A_58 = arith.index_cast %swap3A_57 : i32 to index
    %swap3A_59 = arith.constant 16 : index
    %swap3A_60 = tpu.vector_load %arg8[%swap3A_58, %swap3A_59] {strides = array<i32>} : memref<8x128xf32, #tpu.memory_space<vmem>>, vector<1x16xf32>,
    %swap3A_61 = vector.shape_cast %swap3A_60 : vector<1x16xf32> to vector<16xf32>
    %swap3A_62 = vector.shape_cast %broadcast_in_dim3A_3 : vector<16xf32> to vector<1x16xf32>
    tpu.vector_store %arg8[%swap3A_58, %swap3A_59], %swap3A_62 {strides = array<i32>} : memref<8x128xf32, #tpu.memory_space<vmem>>, vector<1x16xf32>,
    %swap3A_63 = arith.constant 1 : i32
    %swap3A_64 = arith.index_cast %swap3A_63 : i32 to index
    %swap3A_65 = arith.constant 32 : index
    %swap3A_66 = tpu.vector_load %arg8[%swap3A_64, %swap3A_65] {strides = array<i32>} : memref<8x128xf32, #tpu.memory_space<vmem>>, vector<1x16xf32>,
    %swap3A_67 = vector.shape_cast %swap3A_66 : vector<1x16xf32> to vector<16xf32>
    %swap3A_68 = vector.shape_cast %broadcast_in_dim3A_3 : vector<16xf32> to vector<1x16xf32>
    tpu.vector_store %arg8[%swap3A_64, %swap3A_65], %swap3A_68 {strides = array<i32>} : memref<8x128xf32, #tpu.memory_space<vmem>>, vector<1x16xf32>,
    %swap3A_69 = arith.constant 1 : i32
    %swap3A_70 = arith.index_cast %swap3A_69 : i32 to index
    %swap3A_71 = arith.constant 48 : index
    %swap3A_72 = tpu.vector_load %arg8[%swap3A_70, %swap3A_71] {strides = array<i32>} : memref<8x128xf32, #tpu.memory_space<vmem>>, vector<1x16xf32>,
    %swap3A_73 = vector.shape_cast %swap3A_72 : vector<1x16xf32> to vector<16xf32>
    %swap3A_74 = vector.shape_cast %broadcast_in_dim3A_3 : vector<16xf32> to vector<1x16xf32>
    tpu.vector_store %arg8[%swap3A_70, %swap3A_71], %swap3A_74 {strides = array<i32>} : memref<8x128xf32, #tpu.memory_space<vmem>>, vector<1x16xf32>,
    %swap3A_75 = arith.constant 1 : i32
    %swap3A_76 = arith.index_cast %swap3A_75 : i32 to index
    %swap3A_77 = arith.constant 64 : index
    %swap3A_78 = tpu.vector_load %arg8[%swap3A_76, %swap3A_77] {strides = array<i32>} : memref<8x128xf32, #tpu.memory_space<vmem>>, vector<1x16xf32>,
    %swap3A_79 = vector.shape_cast %swap3A_78 : vector<1x16xf32> to vector<16xf32>
    %swap3A_80 = vector.shape_cast %broadcast_in_dim3A_3 : vector<16xf32> to vector<1x16xf32>
    tpu.vector_store %arg8[%swap3A_76, %swap3A_77], %swap3A_80 {strides = array<i32>} : memref<8x128xf32, #tpu.memory_space<vmem>>, vector<1x16xf32>,
    %swap3A_81 = arith.constant 1 : i32
    %swap3A_82 = arith.index_cast %swap3A_81 : i32 to index
    %swap3A_83 = arith.constant 80 : index
    %swap3A_84 = tpu.vector_load %arg8[%swap3A_82, %swap3A_83] {strides = array<i32>} : memref<8x128xf32, #tpu.memory_space<vmem>>, vector<1x16xf32>,
    %swap3A_85 = vector.shape_cast %swap3A_84 : vector<1x16xf32> to vector<16xf32>
    %swap3A_86 = vector.shape_cast %broadcast_in_dim3A_3 : vector<16xf32> to vector<1x16xf32>
    tpu.vector_store %arg8[%swap3A_82, %swap3A_83], %swap3A_86 {strides = array<i32>} : memref<8x128xf32, #tpu.memory_space<vmem>>, vector<1x16xf32>,
    %swap3A_87 = arith.constant 1 : i32
    %swap3A_88 = arith.index_cast %swap3A_87 : i32 to index
    %swap3A_89 = arith.constant 96 : index
    %swap3A_90 = tpu.vector_load %arg8[%swap3A_88, %swap3A_89] {strides = array<i32>} : memref<8x128xf32, #tpu.memory_space<vmem>>, vector<1x16xf32>,
    %swap3A_91 = vector.shape_cast %swap3A_90 : vector<1x16xf32> to vector<16xf32>
    %swap3A_92 = vector.shape_cast %broadcast_in_dim3A_3 : vector<16xf32> to vector<1x16xf32>
    tpu.vector_store %arg8[%swap3A_88, %swap3A_89], %swap3A_92 {strides = array<i32>} : memref<8x128xf32, #tpu.memory_space<vmem>>, vector<1x16xf32>,
    %swap3A_93 = arith.constant 1 : i32
    %swap3A_94 = arith.index_cast %swap3A_93 : i32 to index
    %swap3A_95 = arith.constant 112 : index
    %swap3A_96 = tpu.vector_load %arg8[%swap3A_94, %swap3A_95] {strides = array<i32>} : memref<8x128xf32, #tpu.memory_space<vmem>>, vector<1x16xf32>,
    %swap3A_97 = vector.shape_cast %swap3A_96 : vector<1x16xf32> to vector<16xf32>
    %swap3A_98 = vector.shape_cast %broadcast_in_dim3A_3 : vector<16xf32> to vector<1x16xf32>
    tpu.vector_store %arg8[%swap3A_94, %swap3A_95], %swap3A_98 {strides = array<i32>} : memref<8x128xf32, #tpu.memory_space<vmem>>, vector<1x16xf32>,
    %swap3A_99 = arith.constant 2 : i32
    %swap3A_100 = arith.index_cast %swap3A_99 : i32 to index
    %swap3A_101 = arith.constant 0 : index
    %swap3A_102 = tpu.vector_load %arg8[%swap3A_100, %swap3A_101] {strides = array<i32>} : memref<8x128xf32, #tpu.memory_space<vmem>>, vector<1x16xf32>,
    %swap3A_103 = vector.shape_cast %swap3A_102 : vector<1x16xf32> to vector<16xf32>
    %swap3A_104 = vector.shape_cast %broadcast_in_dim3A_3 : vector<16xf32> to vector<1x16xf32>
    tpu.vector_store %arg8[%swap3A_100, %swap3A_101], %swap3A_104 {strides = array<i32>} : memref<8x128xf32, #tpu.memory_space<vmem>>, vector<1x16xf32>,
    %swap3A_105 = arith.constant 2 : i32
    %swap3A_106 = arith.index_cast %swap3A_105 : i32 to index
    %swap3A_107 = arith.constant 16 : index
    %swap3A_108 = tpu.vector_load %arg8[%swap3A_106, %swap3A_107] {strides = array<i32>} : memref<8x128xf32, #tpu.memory_space<vmem>>, vector<1x16xf32>,
    %swap3A_109 = vector.shape_cast %swap3A_108 : vector<1x16xf32> to vector<16xf32>
    %swap3A_110 = vector.shape_cast %broadcast_in_dim3A_3 : vector<16xf32> to vector<1x16xf32>
    tpu.vector_store %arg8[%swap3A_106, %swap3A_107], %swap3A_110 {strides = array<i32>} : memref<8x128xf32, #tpu.memory_space<vmem>>, vector<1x16xf32>,
    %swap3A_111 = arith.constant 2 : i32
    %swap3A_112 = arith.index_cast %swap3A_111 : i32 to index
    %swap3A_113 = arith.constant 32 : index
    %swap3A_114 = tpu.vector_load %arg8[%swap3A_112, %swap3A_113] {strides = array<i32>} : memref<8x128xf32, #tpu.memory_space<vmem>>, vector<1x16xf32>,
    %swap3A_115 = vector.shape_cast %swap3A_114 : vector<1x16xf32> to vector<16xf32>
    %swap3A_116 = vector.shape_cast %broadcast_in_dim3A_3 : vector<16xf32> to vector<1x16xf32>
    tpu.vector_store %arg8[%swap3A_112, %swap3A_113], %swap3A_116 {strides = array<i32>} : memref<8x128xf32, #tpu.memory_space<vmem>>, vector<1x16xf32>,
    %swap3A_117 = arith.constant 2 : i32
    %swap3A_118 = arith.index_cast %swap3A_117 : i32 to index
    %swap3A_119 = arith.constant 48 : index
    %swap3A_120 = tpu.vector_load %arg8[%swap3A_118, %swap3A_119] {strides = array<i32>} : memref<8x128xf32, #tpu.memory_space<vmem>>, vector<1x16xf32>,
    %swap3A_121 = vector.shape_cast %swap3A_120 : vector<1x16xf32> to vector<16xf32>
    %swap3A_122 = vector.shape_cast %broadcast_in_dim3A_3 : vector<16xf32> to vector<1x16xf32>
    tpu.vector_store %arg8[%swap3A_118, %swap3A_119], %swap3A_122 {strides = array<i32>} : memref<8x128xf32, #tpu.memory_space<vmem>>, vector<1x16xf32>,
    %swap3A_123 = arith.constant 2 : i32
    %swap3A_124 = arith.index_cast %swap3A_123 : i32 to index
    %swap3A_125 = arith.constant 64 : index
    %swap3A_126 = tpu.vector_load %arg8[%swap3A_124, %swap3A_125] {strides = array<i32>} : memref<8x128xf32, #tpu.memory_space<vmem>>, vector<1x16xf32>,
    %swap3A_127 = vector.shape_cast %swap3A_126 : vector<1x16xf32> to vector<16xf32>
    %swap3A_128 = vector.shape_cast %broadcast_in_dim3A_3 : vector<16xf32> to vector<1x16xf32>
    tpu.vector_store %arg8[%swap3A_124, %swap3A_125], %swap3A_128 {strides = array<i32>} : memref<8x128xf32, #tpu.memory_space<vmem>>, vector<1x16xf32>,
    %swap3A_129 = arith.constant 2 : i32
    %swap3A_130 = arith.index_cast %swap3A_129 : i32 to index
    %swap3A_131 = arith.constant 80 : index
    %swap3A_132 = tpu.vector_load %arg8[%swap3A_130, %swap3A_131] {strides = array<i32>} : memref<8x128xf32, #tpu.memory_space<vmem>>, vector<1x16xf32>,
    %swap3A_133 = vector.shape_cast %swap3A_132 : vector<1x16xf32> to vector<16xf32>
    %swap3A_134 = vector.shape_cast %broadcast_in_dim3A_3 : vector<16xf32> to vector<1x16xf32>
    tpu.vector_store %arg8[%swap3A_130, %swap3A_131], %swap3A_134 {strides = array<i32>} : memref<8x128xf32, #tpu.memory_space<vmem>>, vector<1x16xf32>,
    %swap3A_135 = arith.constant 2 : i32
    %swap3A_136 = arith.index_cast %swap3A_135 : i32 to index
    %swap3A_137 = arith.constant 96 : index
    %swap3A_138 = tpu.vector_load %arg8[%swap3A_136, %swap3A_137] {strides = array<i32>} : memref<8x128xf32, #tpu.memory_space<vmem>>, vector<1x16xf32>,
    %swap3A_139 = vector.shape_cast %swap3A_138 : vector<1x16xf32> to vector<16xf32>
    %swap3A_140 = vector.shape_cast %broadcast_in_dim3A_3 : vector<16xf32> to vector<1x16xf32>
    tpu.vector_store %arg8[%swap3A_136, %swap3A_137], %swap3A_140 {strides = array<i32>} : memref<8x128xf32, #tpu.memory_space<vmem>>, vector<1x16xf32>,
    %swap3A_141 = arith.constant 2 : i32
    %swap3A_142 = arith.index_cast %swap3A_141 : i32 to index
    %swap3A_143 = arith.constant 112 : index
    %swap3A_144 = tpu.vector_load %arg8[%swap3A_142, %swap3A_143] {strides = array<i32>} : memref<8x128xf32, #tpu.memory_space<vmem>>, vector<1x16xf32>,
    %swap3A_145 = vector.shape_cast %swap3A_144 : vector<1x16xf32> to vector<16xf32>
    %swap3A_146 = vector.shape_cast %broadcast_in_dim3A_3 : vector<16xf32> to vector<1x16xf32>
    tpu.vector_store %arg8[%swap3A_142, %swap3A_143], %swap3A_146 {strides = array<i32>} : memref<8x128xf32, #tpu.memory_space<vmem>>, vector<1x16xf32>,
    %swap3A_147 = arith.constant 3 : i32
    %swap3A_148 = arith.index_cast %swap3A_147 : i32 to index
    %swap3A_149 = arith.constant 0 : index
    %swap3A_150 = tpu.vector_load %arg8[%swap3A_148, %swap3A_149] {strides = array<i32>} : memref<8x128xf32, #tpu.memory_space<vmem>>, vector<1x16xf32>,
    %swap3A_151 = vector.shape_cast %swap3A_150 : vector<1x16xf32> to vector<16xf32>
    %swap3A_152 = vector.shape_cast %broadcast_in_dim3A_3 : vector<16xf32> to vector<1x16xf32>
    tpu.vector_store %arg8[%swap3A_148, %swap3A_149], %swap3A_152 {strides = array<i32>} : memref<8x128xf32, #tpu.memory_space<vmem>>, vector<1x16xf32>,
    %swap3A_153 = arith.constant 3 : i32
    %swap3A_154 = arith.index_cast %swap3A_153 : i32 to index
    %swap3A_155 = arith.constant 16 : index
    %swap3A_156 = tpu.vector_load %arg8[%swap3A_154, %swap3A_155] {strides = array<i32>} : memref<8x128xf32, #tpu.memory_space<vmem>>, vector<1x16xf32>,
    %swap3A_157 = vector.shape_cast %swap3A_156 : vector<1x16xf32> to vector<16xf32>
    %swap3A_158 = vector.shape_cast %broadcast_in_dim3A_3 : vector<16xf32> to vector<1x16xf32>
    tpu.vector_store %arg8[%swap3A_154, %swap3A_155], %swap3A_158 {strides = array<i32>} : memref<8x128xf32, #tpu.memory_space<vmem>>, vector<1x16xf32>,
    %swap3A_159 = arith.constant 3 : i32
    %swap3A_160 = arith.index_cast %swap3A_159 : i32 to index
    %swap3A_161 = arith.constant 32 : index
    %swap3A_162 = tpu.vector_load %arg8[%swap3A_160, %swap3A_161] {strides = array<i32>} : memref<8x128xf32, #tpu.memory_space<vmem>>, vector<1x16xf32>,
    %swap3A_163 = vector.shape_cast %swap3A_162 : vector<1x16xf32> to vector<16xf32>
    %swap3A_164 = vector.shape_cast %broadcast_in_dim3A_3 : vector<16xf32> to vector<1x16xf32>
    tpu.vector_store %arg8[%swap3A_160, %swap3A_161], %swap3A_164 {strides = array<i32>} : memref<8x128xf32, #tpu.memory_space<vmem>>, vector<1x16xf32>,
    %swap3A_165 = arith.constant 3 : i32
    %swap3A_166 = arith.index_cast %swap3A_165 : i32 to index
    %swap3A_167 = arith.constant 48 : index
    %swap3A_168 = tpu.vector_load %arg8[%swap3A_166, %swap3A_167] {strides = array<i32>} : memref<8x128xf32, #tpu.memory_space<vmem>>, vector<1x16xf32>,
    %swap3A_169 = vector.shape_cast %swap3A_168 : vector<1x16xf32> to vector<16xf32>
    %swap3A_170 = vector.shape_cast %broadcast_in_dim3A_3 : vector<16xf32> to vector<1x16xf32>
    tpu.vector_store %arg8[%swap3A_166, %swap3A_167], %swap3A_170 {strides = array<i32>} : memref<8x128xf32, #tpu.memory_space<vmem>>, vector<1x16xf32>,
    %swap3A_171 = arith.constant 3 : i32
    %swap3A_172 = arith.index_cast %swap3A_171 : i32 to index
    %swap3A_173 = arith.constant 64 : index
    %swap3A_174 = tpu.vector_load %arg8[%swap3A_172, %swap3A_173] {strides = array<i32>} : memref<8x128xf32, #tpu.memory_space<vmem>>, vector<1x16xf32>,
    %swap3A_175 = vector.shape_cast %swap3A_174 : vector<1x16xf32> to vector<16xf32>
    %swap3A_176 = vector.shape_cast %broadcast_in_dim3A_3 : vector<16xf32> to vector<1x16xf32>
    tpu.vector_store %arg8[%swap3A_172, %swap3A_173], %swap3A_176 {strides = array<i32>} : memref<8x128xf32, #tpu.memory_space<vmem>>, vector<1x16xf32>,
    %swap3A_177 = arith.constant 3 : i32
    %swap3A_178 = arith.index_cast %swap3A_177 : i32 to index
    %swap3A_179 = arith.constant 80 : index
    %swap3A_180 = tpu.vector_load %arg8[%swap3A_178, %swap3A_179] {strides = array<i32>} : memref<8x128xf32, #tpu.memory_space<vmem>>, vector<1x16xf32>,
    %swap3A_181 = vector.shape_cast %swap3A_180 : vector<1x16xf32> to vector<16xf32>
    %swap3A_182 = vector.shape_cast %broadcast_in_dim3A_3 : vector<16xf32> to vector<1x16xf32>
    tpu.vector_store %arg8[%swap3A_178, %swap3A_179], %swap3A_182 {strides = array<i32>} : memref<8x128xf32, #tpu.memory_space<vmem>>, vector<1x16xf32>,
    %swap3A_183 = arith.constant 3 : i32
    %swap3A_184 = arith.index_cast %swap3A_183 : i32 to index
    %swap3A_185 = arith.constant 96 : index
    %swap3A_186 = tpu.vector_load %arg8[%swap3A_184, %swap3A_185] {strides = array<i32>} : memref<8x128xf32, #tpu.memory_space<vmem>>, vector<1x16xf32>,
    %swap3A_187 = vector.shape_cast %swap3A_186 : vector<1x16xf32> to vector<16xf32>
    %swap3A_188 = vector.shape_cast %broadcast_in_dim3A_3 : vector<16xf32> to vector<1x16xf32>
    tpu.vector_store %arg8[%swap3A_184, %swap3A_185], %swap3A_188 {strides = array<i32>} : memref<8x128xf32, #tpu.memory_space<vmem>>, vector<1x16xf32>,
    %swap3A_189 = arith.constant 3 : i32
    %swap3A_190 = arith.index_cast %swap3A_189 : i32 to index
    %swap3A_191 = arith.constant 112 : index
    %swap3A_192 = tpu.vector_load %arg8[%swap3A_190, %swap3A_191] {strides = array<i32>} : memref<8x128xf32, #tpu.memory_space<vmem>>, vector<1x16xf32>,
    %swap3A_193 = vector.shape_cast %swap3A_192 : vector<1x16xf32> to vector<16xf32>
    %swap3A_194 = vector.shape_cast %broadcast_in_dim3A_3 : vector<16xf32> to vector<1x16xf32>
    tpu.vector_store %arg8[%swap3A_190, %swap3A_191], %swap3A_194 {strides = array<i32>} : memref<8x128xf32, #tpu.memory_space<vmem>>, vector<1x16xf32>,
    %swap3A_195 = arith.constant 4 : i32
    %swap3A_196 = arith.index_cast %swap3A_195 : i32 to index
    %swap3A_197 = arith.constant 0 : index
    %swap3A_198 = tpu.vector_load %arg8[%swap3A_196, %swap3A_197] {strides = array<i32>} : memref<8x128xf32, #tpu.memory_space<vmem>>, vector<1x16xf32>,
    %swap3A_199 = vector.shape_cast %swap3A_198 : vector<1x16xf32> to vector<16xf32>
    %swap3A_200 = vector.shape_cast %broadcast_in_dim3A_3 : vector<16xf32> to vector<1x16xf32>
    tpu.vector_store %arg8[%swap3A_196, %swap3A_197], %swap3A_200 {strides = array<i32>} : memref<8x128xf32, #tpu.memory_space<vmem>>, vector<1x16xf32>,
    %swap3A_201 = arith.constant 4 : i32
    %swap3A_202 = arith.index_cast %swap3A_201 : i32 to index
    %swap3A_203 = arith.constant 16 : index
    %swap3A_204 = tpu.vector_load %arg8[%swap3A_202, %swap3A_203] {strides = array<i32>} : memref<8x128xf32, #tpu.memory_space<vmem>>, vector<1x16xf32>,
    %swap3A_205 = vector.shape_cast %swap3A_204 : vector<1x16xf32> to vector<16xf32>
    %swap3A_206 = vector.shape_cast %broadcast_in_dim3A_3 : vector<16xf32> to vector<1x16xf32>
    tpu.vector_store %arg8[%swap3A_202, %swap3A_203], %swap3A_206 {strides = array<i32>} : memref<8x128xf32, #tpu.memory_space<vmem>>, vector<1x16xf32>,
    %swap3A_207 = arith.constant 4 : i32
    %swap3A_208 = arith.index_cast %swap3A_207 : i32 to index
    %swap3A_209 = arith.constant 32 : index
    %swap3A_210 = tpu.vector_load %arg8[%swap3A_208, %swap3A_209] {strides = array<i32>} : memref<8x128xf32, #tpu.memory_space<vmem>>, vector<1x16xf32>,
    %swap3A_211 = vector.shape_cast %swap3A_210 : vector<1x16xf32> to vector<16xf32>
    %swap3A_212 = vector.shape_cast %broadcast_in_dim3A_3 : vector<16xf32> to vector<1x16xf32>
    tpu.vector_store %arg8[%swap3A_208, %swap3A_209], %swap3A_212 {strides = array<i32>} : memref<8x128xf32, #tpu.memory_space<vmem>>, vector<1x16xf32>,
    %swap3A_213 = arith.constant 4 : i32
    %swap3A_214 = arith.index_cast %swap3A_213 : i32 to index
    %swap3A_215 = arith.constant 48 : index
    %swap3A_216 = tpu.vector_load %arg8[%swap3A_214, %swap3A_215] {strides = array<i32>} : memref<8x128xf32, #tpu.memory_space<vmem>>, vector<1x16xf32>,
    %swap3A_217 = vector.shape_cast %swap3A_216 : vector<1x16xf32> to vector<16xf32>
    %swap3A_218 = vector.shape_cast %broadcast_in_dim3A_3 : vector<16xf32> to vector<1x16xf32>
    tpu.vector_store %arg8[%swap3A_214, %swap3A_215], %swap3A_218 {strides = array<i32>} : memref<8x128xf32, #tpu.memory_space<vmem>>, vector<1x16xf32>,
    %swap3A_219 = arith.constant 4 : i32
    %swap3A_220 = arith.index_cast %swap3A_219 : i32 to index
    %swap3A_221 = arith.constant 64 : index
    %swap3A_222 = tpu.vector_load %arg8[%swap3A_220, %swap3A_221] {strides = array<i32>} : memref<8x128xf32, #tpu.memory_space<vmem>>, vector<1x16xf32>,
    %swap3A_223 = vector.shape_cast %swap3A_222 : vector<1x16xf32> to vector<16xf32>
    %swap3A_224 = vector.shape_cast %broadcast_in_dim3A_3 : vector<16xf32> to vector<1x16xf32>
    tpu.vector_store %arg8[%swap3A_220, %swap3A_221], %swap3A_224 {strides = array<i32>} : memref<8x128xf32, #tpu.memory_space<vmem>>, vector<1x16xf32>,
    %swap3A_225 = arith.constant 4 : i32
    %swap3A_226 = arith.index_cast %swap3A_225 : i32 to index
    %swap3A_227 = arith.constant 80 : index
    %swap3A_228 = tpu.vector_load %arg8[%swap3A_226, %swap3A_227] {strides = array<i32>} : memref<8x128xf32, #tpu.memory_space<vmem>>, vector<1x16xf32>,
    %swap3A_229 = vector.shape_cast %swap3A_228 : vector<1x16xf32> to vector<16xf32>
    %swap3A_230 = vector.shape_cast %broadcast_in_dim3A_3 : vector<16xf32> to vector<1x16xf32>
    tpu.vector_store %arg8[%swap3A_226, %swap3A_227], %swap3A_230 {strides = array<i32>} : memref<8x128xf32, #tpu.memory_space<vmem>>, vector<1x16xf32>,
    %swap3A_231 = arith.constant 4 : i32
    %swap3A_232 = arith.index_cast %swap3A_231 : i32 to index
    %swap3A_233 = arith.constant 96 : index
    %swap3A_234 = tpu.vector_load %arg8[%swap3A_232, %swap3A_233] {strides = array<i32>} : memref<8x128xf32, #tpu.memory_space<vmem>>, vector<1x16xf32>,
    %swap3A_235 = vector.shape_cast %swap3A_234 : vector<1x16xf32> to vector<16xf32>
    %swap3A_236 = vector.shape_cast %broadcast_in_dim3A_3 : vector<16xf32> to vector<1x16xf32>
    tpu.vector_store %arg8[%swap3A_232, %swap3A_233], %swap3A_236 {strides = array<i32>} : memref<8x128xf32, #tpu.memory_space<vmem>>, vector<1x16xf32>,
    %swap3A_237 = arith.constant 4 : i32
    %swap3A_238 = arith.index_cast %swap3A_237 : i32 to index
    %swap3A_239 = arith.constant 112 : index
    %swap3A_240 = tpu.vector_load %arg8[%swap3A_238, %swap3A_239] {strides = array<i32>} : memref<8x128xf32, #tpu.memory_space<vmem>>, vector<1x16xf32>,
    %swap3A_241 = vector.shape_cast %swap3A_240 : vector<1x16xf32> to vector<16xf32>
    %swap3A_242 = vector.shape_cast %broadcast_in_dim3A_3 : vector<16xf32> to vector<1x16xf32>
    tpu.vector_store %arg8[%swap3A_238, %swap3A_239], %swap3A_242 {strides = array<i32>} : memref<8x128xf32, #tpu.memory_space<vmem>>, vector<1x16xf32>,
    %swap3A_243 = arith.constant 5 : i32
    %swap3A_244 = arith.index_cast %swap3A_243 : i32 to index
    %swap3A_245 = arith.constant 0 : index
    %swap3A_246 = tpu.vector_load %arg8[%swap3A_244, %swap3A_245] {strides = array<i32>} : memref<8x128xf32, #tpu.memory_space<vmem>>, vector<1x16xf32>,
    %swap3A_247 = vector.shape_cast %swap3A_246 : vector<1x16xf32> to vector<16xf32>
    %swap3A_248 = vector.shape_cast %broadcast_in_dim3A_3 : vector<16xf32> to vector<1x16xf32>
    tpu.vector_store %arg8[%swap3A_244, %swap3A_245], %swap3A_248 {strides = array<i32>} : memref<8x128xf32, #tpu.memory_space<vmem>>, vector<1x16xf32>,
    %swap3A_249 = arith.constant 5 : i32
    %swap3A_250 = arith.index_cast %swap3A_249 : i32 to index
    %swap3A_251 = arith.constant 16 : index
    %swap3A_252 = tpu.vector_load %arg8[%swap3A_250, %swap3A_251] {strides = array<i32>} : memref<8x128xf32, #tpu.memory_space<vmem>>, vector<1x16xf32>,
    %swap3A_253 = vector.shape_cast %swap3A_252 : vector<1x16xf32> to vector<16xf32>
    %swap3A_254 = vector.shape_cast %broadcast_in_dim3A_3 : vector<16xf32> to vector<1x16xf32>
    tpu.vector_store %arg8[%swap3A_250, %swap3A_251], %swap3A_254 {strides = array<i32>} : memref<8x128xf32, #tpu.memory_space<vmem>>, vector<1x16xf32>,
    %swap3A_255 = arith.constant 5 : i32
    %swap3A_256 = arith.index_cast %swap3A_255 : i32 to index
    %swap3A_257 = arith.constant 32 : index
    %swap3A_258 = tpu.vector_load %arg8[%swap3A_256, %swap3A_257] {strides = array<i32>} : memref<8x128xf32, #tpu.memory_space<vmem>>, vector<1x16xf32>,
    %swap3A_259 = vector.shape_cast %swap3A_258 : vector<1x16xf32> to vector<16xf32>
    %swap3A_260 = vector.shape_cast %broadcast_in_dim3A_3 : vector<16xf32> to vector<1x16xf32>
    tpu.vector_store %arg8[%swap3A_256, %swap3A_257], %swap3A_260 {strides = array<i32>} : memref<8x128xf32, #tpu.memory_space<vmem>>, vector<1x16xf32>,
    %swap3A_261 = arith.constant 5 : i32
    %swap3A_262 = arith.index_cast %swap3A_261 : i32 to index
    %swap3A_263 = arith.constant 48 : index
    %swap3A_264 = tpu.vector_load %arg8[%swap3A_262, %swap3A_263] {strides = array<i32>} : memref<8x128xf32, #tpu.memory_space<vmem>>, vector<1x16xf32>,
    %swap3A_265 = vector.shape_cast %swap3A_264 : vector<1x16xf32> to vector<16xf32>
    %swap3A_266 = vector.shape_cast %broadcast_in_dim3A_3 : vector<16xf32> to vector<1x16xf32>
    tpu.vector_store %arg8[%swap3A_262, %swap3A_263], %swap3A_266 {strides = array<i32>} : memref<8x128xf32, #tpu.memory_space<vmem>>, vector<1x16xf32>,
    %swap3A_267 = arith.constant 5 : i32
    %swap3A_268 = arith.index_cast %swap3A_267 : i32 to index
    %swap3A_269 = arith.constant 64 : index
    %swap3A_270 = tpu.vector_load %arg8[%swap3A_268, %swap3A_269] {strides = array<i32>} : memref<8x128xf32, #tpu.memory_space<vmem>>, vector<1x16xf32>,
    %swap3A_271 = vector.shape_cast %swap3A_270 : vector<1x16xf32> to vector<16xf32>
    %swap3A_272 = vector.shape_cast %broadcast_in_dim3A_3 : vector<16xf32> to vector<1x16xf32>
    tpu.vector_store %arg8[%swap3A_268, %swap3A_269], %swap3A_272 {strides = array<i32>} : memref<8x128xf32, #tpu.memory_space<vmem>>, vector<1x16xf32>,
    %swap3A_273 = arith.constant 5 : i32
    %swap3A_274 = arith.index_cast %swap3A_273 : i32 to index
    %swap3A_275 = arith.constant 80 : index
    %swap3A_276 = tpu.vector_load %arg8[%swap3A_274, %swap3A_275] {strides = array<i32>} : memref<8x128xf32, #tpu.memory_space<vmem>>, vector<1x16xf32>,
    %swap3A_277 = vector.shape_cast %swap3A_276 : vector<1x16xf32> to vector<16xf32>
    %swap3A_278 = vector.shape_cast %broadcast_in_dim3A_3 : vector<16xf32> to vector<1x16xf32>
    tpu.vector_store %arg8[%swap3A_274, %swap3A_275], %swap3A_278 {strides = array<i32>} : memref<8x128xf32, #tpu.memory_space<vmem>>, vector<1x16xf32>,
    %swap3A_279 = arith.constant 5 : i32
    %swap3A_280 = arith.index_cast %swap3A_279 : i32 to index
    %swap3A_281 = arith.constant 96 : index
    %swap3A_282 = tpu.vector_load %arg8[%swap3A_280, %swap3A_281] {strides = array<i32>} : memref<8x128xf32, #tpu.memory_space<vmem>>, vector<1x16xf32>,
    %swap3A_283 = vector.shape_cast %swap3A_282 : vector<1x16xf32> to vector<16xf32>
    %swap3A_284 = vector.shape_cast %broadcast_in_dim3A_3 : vector<16xf32> to vector<1x16xf32>
    tpu.vector_store %arg8[%swap3A_280, %swap3A_281], %swap3A_284 {strides = array<i32>} : memref<8x128xf32, #tpu.memory_space<vmem>>, vector<1x16xf32>,
    %swap3A_285 = arith.constant 5 : i32
    %swap3A_286 = arith.index_cast %swap3A_285 : i32 to index
    %swap3A_287 = arith.constant 112 : index
    %swap3A_288 = tpu.vector_load %arg8[%swap3A_286, %swap3A_287] {strides = array<i32>} : memref<8x128xf32, #tpu.memory_space<vmem>>, vector<1x16xf32>,
    %swap3A_289 = vector.shape_cast %swap3A_288 : vector<1x16xf32> to vector<16xf32>
    %swap3A_290 = vector.shape_cast %broadcast_in_dim3A_3 : vector<16xf32> to vector<1x16xf32>
    tpu.vector_store %arg8[%swap3A_286, %swap3A_287], %swap3A_290 {strides = array<i32>} : memref<8x128xf32, #tpu.memory_space<vmem>>, vector<1x16xf32>,
    %swap3A_291 = arith.constant 6 : i32
    %swap3A_292 = arith.index_cast %swap3A_291 : i32 to index
    %swap3A_293 = arith.constant 0 : index
    %swap3A_294 = tpu.vector_load %arg8[%swap3A_292, %swap3A_293] {strides = array<i32>} : memref<8x128xf32, #tpu.memory_space<vmem>>, vector<1x16xf32>,
    %swap3A_295 = vector.shape_cast %swap3A_294 : vector<1x16xf32> to vector<16xf32>
    %swap3A_296 = vector.shape_cast %broadcast_in_dim3A_3 : vector<16xf32> to vector<1x16xf32>
    tpu.vector_store %arg8[%swap3A_292, %swap3A_293], %swap3A_296 {strides = array<i32>} : memref<8x128xf32, #tpu.memory_space<vmem>>, vector<1x16xf32>,
    %swap3A_297 = arith.constant 6 : i32
    %swap3A_298 = arith.index_cast %swap3A_297 : i32 to index
    %swap3A_299 = arith.constant 16 : index
    %swap3A_300 = tpu.vector_load %arg8[%swap3A_298, %swap3A_299] {strides = array<i32>} : memref<8x128xf32, #tpu.memory_space<vmem>>, vector<1x16xf32>,
    %swap3A_301 = vector.shape_cast %swap3A_300 : vector<1x16xf32> to vector<16xf32>
    %swap3A_302 = vector.shape_cast %broadcast_in_dim3A_3 : vector<16xf32> to vector<1x16xf32>
    tpu.vector_store %arg8[%swap3A_298, %swap3A_299], %swap3A_302 {strides = array<i32>} : memref<8x128xf32, #tpu.memory_space<vmem>>, vector<1x16xf32>,
    %swap3A_303 = arith.constant 6 : i32
    %swap3A_304 = arith.index_cast %swap3A_303 : i32 to index
    %swap3A_305 = arith.constant 32 : index
    %swap3A_306 = tpu.vector_load %arg8[%swap3A_304, %swap3A_305] {strides = array<i32>} : memref<8x128xf32, #tpu.memory_space<vmem>>, vector<1x16xf32>,
    %swap3A_307 = vector.shape_cast %swap3A_306 : vector<1x16xf32> to vector<16xf32>
    %swap3A_308 = vector.shape_cast %broadcast_in_dim3A_3 : vector<16xf32> to vector<1x16xf32>
    tpu.vector_store %arg8[%swap3A_304, %swap3A_305], %swap3A_308 {strides = array<i32>} : memref<8x128xf32, #tpu.memory_space<vmem>>, vector<1x16xf32>,
    %swap3A_309 = arith.constant 6 : i32
    %swap3A_310 = arith.index_cast %swap3A_309 : i32 to index
    %swap3A_311 = arith.constant 48 : index
    %swap3A_312 = tpu.vector_load %arg8[%swap3A_310, %swap3A_311] {strides = array<i32>} : memref<8x128xf32, #tpu.memory_space<vmem>>, vector<1x16xf32>,
    %swap3A_313 = vector.shape_cast %swap3A_312 : vector<1x16xf32> to vector<16xf32>
    %swap3A_314 = vector.shape_cast %broadcast_in_dim3A_3 : vector<16xf32> to vector<1x16xf32>
    tpu.vector_store %arg8[%swap3A_310, %swap3A_311], %swap3A_314 {strides = array<i32>} : memref<8x128xf32, #tpu.memory_space<vmem>>, vector<1x16xf32>,
    %swap3A_315 = arith.constant 6 : i32
    %swap3A_316 = arith.index_cast %swap3A_315 : i32 to index
    %swap3A_317 = arith.constant 64 : index
    %swap3A_318 = tpu.vector_load %arg8[%swap3A_316, %swap3A_317] {strides = array<i32>} : memref<8x128xf32, #tpu.memory_space<vmem>>, vector<1x16xf32>,
    %swap3A_319 = vector.shape_cast %swap3A_318 : vector<1x16xf32> to vector<16xf32>
    %swap3A_320 = vector.shape_cast %broadcast_in_dim3A_3 : vector<16xf32> to vector<1x16xf32>
    tpu.vector_store %arg8[%swap3A_316, %swap3A_317], %swap3A_320 {strides = array<i32>} : memref<8x128xf32, #tpu.memory_space<vmem>>, vector<1x16xf32>,
    %swap3A_321 = arith.constant 6 : i32
    %swap3A_322 = arith.index_cast %swap3A_321 : i32 to index
    %swap3A_323 = arith.constant 80 : index
    %swap3A_324 = tpu.vector_load %arg8[%swap3A_322, %swap3A_323] {strides = array<i32>} : memref<8x128xf32, #tpu.memory_space<vmem>>, vector<1x16xf32>,
    %swap3A_325 = vector.shape_cast %swap3A_324 : vector<1x16xf32> to vector<16xf32>
    %swap3A_326 = vector.shape_cast %broadcast_in_dim3A_3 : vector<16xf32> to vector<1x16xf32>
    tpu.vector_store %arg8[%swap3A_322, %swap3A_323], %swap3A_326 {strides = array<i32>} : memref<8x128xf32, #tpu.memory_space<vmem>>, vector<1x16xf32>,
    %swap3A_327 = arith.constant 6 : i32
    %swap3A_328 = arith.index_cast %swap3A_327 : i32 to index
    %swap3A_329 = arith.constant 96 : index
    %swap3A_330 = tpu.vector_load %arg8[%swap3A_328, %swap3A_329] {strides = array<i32>} : memref<8x128xf32, #tpu.memory_space<vmem>>, vector<1x16xf32>,
    %swap3A_331 = vector.shape_cast %swap3A_330 : vector<1x16xf32> to vector<16xf32>
    %swap3A_332 = vector.shape_cast %broadcast_in_dim3A_3 : vector<16xf32> to vector<1x16xf32>
    tpu.vector_store %arg8[%swap3A_328, %swap3A_329], %swap3A_332 {strides = array<i32>} : memref<8x128xf32, #tpu.memory_space<vmem>>, vector<1x16xf32>,
    %swap3A_333 = arith.constant 6 : i32
    %swap3A_334 = arith.index_cast %swap3A_333 : i32 to index
    %swap3A_335 = arith.constant 112 : index
    %swap3A_336 = tpu.vector_load %arg8[%swap3A_334, %swap3A_335] {strides = array<i32>} : memref<8x128xf32, #tpu.memory_space<vmem>>, vector<1x16xf32>,
    %swap3A_337 = vector.shape_cast %swap3A_336 : vector<1x16xf32> to vector<16xf32>
    %swap3A_338 = vector.shape_cast %broadcast_in_dim3A_3 : vector<16xf32> to vector<1x16xf32>
    tpu.vector_store %arg8[%swap3A_334, %swap3A_335], %swap3A_338 {strides = array<i32>} : memref<8x128xf32, #tpu.memory_space<vmem>>, vector<1x16xf32>,
    %swap3A_339 = arith.constant 7 : i32
    %swap3A_340 = arith.index_cast %swap3A_339 : i32 to index
    %swap3A_341 = arith.constant 0 : index
    %swap3A_342 = tpu.vector_load %arg8[%swap3A_340, %swap3A_341] {strides = array<i32>} : memref<8x128xf32, #tpu.memory_space<vmem>>, vector<1x16xf32>,
    %swap3A_343 = vector.shape_cast %swap3A_342 : vector<1x16xf32> to vector<16xf32>
    %swap3A_344 = vector.shape_cast %broadcast_in_dim3A_3 : vector<16xf32> to vector<1x16xf32>
    tpu.vector_store %arg8[%swap3A_340, %swap3A_341], %swap3A_344 {strides = array<i32>} : memref<8x128xf32, #tpu.memory_space<vmem>>, vector<1x16xf32>,
    %swap3A_345 = arith.constant 7 : i32
    %swap3A_346 = arith.index_cast %swap3A_345 : i32 to index
    %swap3A_347 = arith.constant 16 : index
    %swap3A_348 = tpu.vector_load %arg8[%swap3A_346, %swap3A_347] {strides = array<i32>} : memref<8x128xf32, #tpu.memory_space<vmem>>, vector<1x16xf32>,
    %swap3A_349 = vector.shape_cast %swap3A_348 : vector<1x16xf32> to vector<16xf32>
    %swap3A_350 = vector.shape_cast %broadcast_in_dim3A_3 : vector<16xf32> to vector<1x16xf32>
    tpu.vector_store %arg8[%swap3A_346, %swap3A_347], %swap3A_350 {strides = array<i32>} : memref<8x128xf32, #tpu.memory_space<vmem>>, vector<1x16xf32>,
    %swap3A_351 = arith.constant 7 : i32
    %swap3A_352 = arith.index_cast %swap3A_351 : i32 to index
    %swap3A_353 = arith.constant 32 : index
    %swap3A_354 = tpu.vector_load %arg8[%swap3A_352, %swap3A_353] {strides = array<i32>} : memref<8x128xf32, #tpu.memory_space<vmem>>, vector<1x16xf32>,
    %swap3A_355 = vector.shape_cast %swap3A_354 : vector<1x16xf32> to vector<16xf32>
    %swap3A_356 = vector.shape_cast %broadcast_in_dim3A_3 : vector<16xf32> to vector<1x16xf32>
    tpu.vector_store %arg8[%swap3A_352, %swap3A_353], %swap3A_356 {strides = array<i32>} : memref<8x128xf32, #tpu.memory_space<vmem>>, vector<1x16xf32>,
    %swap3A_357 = arith.constant 7 : i32
    %swap3A_358 = arith.index_cast %swap3A_357 : i32 to index
    %swap3A_359 = arith.constant 48 : index
    %swap3A_360 = tpu.vector_load %arg8[%swap3A_358, %swap3A_359] {strides = array<i32>} : memref<8x128xf32, #tpu.memory_space<vmem>>, vector<1x16xf32>,
    %swap3A_361 = vector.shape_cast %swap3A_360 : vector<1x16xf32> to vector<16xf32>
    %swap3A_362 = vector.shape_cast %broadcast_in_dim3A_3 : vector<16xf32> to vector<1x16xf32>
    tpu.vector_store %arg8[%swap3A_358, %swap3A_359], %swap3A_362 {strides = array<i32>} : memref<8x128xf32, #tpu.memory_space<vmem>>, vector<1x16xf32>,
    %swap3A_363 = arith.constant 7 : i32
    %swap3A_364 = arith.index_cast %swap3A_363 : i32 to index
    %swap3A_365 = arith.constant 64 : index
    %swap3A_366 = tpu.vector_load %arg8[%swap3A_364, %swap3A_365] {strides = array<i32>} : memref<8x128xf32, #tpu.memory_space<vmem>>, vector<1x16xf32>,
    %swap3A_367 = vector.shape_cast %swap3A_366 : vector<1x16xf32> to vector<16xf32>
    %swap3A_368 = vector.shape_cast %broadcast_in_dim3A_3 : vector<16xf32> to vector<1x16xf32>
    tpu.vector_store %arg8[%swap3A_364, %swap3A_365], %swap3A_368 {strides = array<i32>} : memref<8x128xf32, #tpu.memory_space<vmem>>, vector<1x16xf32>,
    %swap3A_369 = arith.constant 7 : i32
    %swap3A_370 = arith.index_cast %swap3A_369 : i32 to index
    %swap3A_371 = arith.constant 80 : index
    %swap3A_372 = tpu.vector_load %arg8[%swap3A_370, %swap3A_371] {strides = array<i32>} : memref<8x128xf32, #tpu.memory_space<vmem>>, vector<1x16xf32>,
    %swap3A_373 = vector.shape_cast %swap3A_372 : vector<1x16xf32> to vector<16xf32>
    %swap3A_374 = vector.shape_cast %broadcast_in_dim3A_3 : vector<16xf32> to vector<1x16xf32>
    tpu.vector_store %arg8[%swap3A_370, %swap3A_371], %swap3A_374 {strides = array<i32>} : memref<8x128xf32, #tpu.memory_space<vmem>>, vector<1x16xf32>,
    %swap3A_375 = arith.constant 7 : i32
    %swap3A_376 = arith.index_cast %swap3A_375 : i32 to index
    %swap3A_377 = arith.constant 96 : index
    %swap3A_378 = tpu.vector_load %arg8[%swap3A_376, %swap3A_377] {strides = array<i32>} : memref<8x128xf32, #tpu.memory_space<vmem>>, vector<1x16xf32>,
    %swap3A_379 = vector.shape_cast %swap3A_378 : vector<1x16xf32> to vector<16xf32>
    %swap3A_380 = vector.shape_cast %broadcast_in_dim3A_3 : vector<16xf32> to vector<1x16xf32>
    tpu.vector_store %arg8[%swap3A_376, %swap3A_377], %swap3A_380 {strides = array<i32>} : memref<8x128xf32, #tpu.memory_space<vmem>>, vector<1x16xf32>,
    %swap3A_381 = arith.constant 7 : i32
    %swap3A_382 = arith.index_cast %swap3A_381 : i32 to index
    %swap3A_383 = arith.constant 112 : index
    %swap3A_384 = tpu.vector_load %arg8[%swap3A_382, %swap3A_383] {strides = array<i32>} : memref<8x128xf32, #tpu.memory_space<vmem>>, vector<1x16xf32>,
    %swap3A_385 = vector.shape_cast %swap3A_384 : vector<1x16xf32> to vector<16xf32>
    %swap3A_386 = vector.shape_cast %broadcast_in_dim3A_3 : vector<16xf32> to vector<1x16xf32>
    tpu.vector_store %arg8[%swap3A_382, %swap3A_383], %swap3A_386 {strides = array<i32>} : memref<8x128xf32, #tpu.memory_space<vmem>>, vector<1x16xf32>,
    %lt3A = arith.constant 6 : i32
    %lt3A_387 = arith.cmpi slt, %arg1, %lt3A : i32
    %convert_element_type3A = arith.extui %lt3A_387 : i1 to i32
    %cond3A = arith.constant 0 : i32
    %cond3A_388 = arith.cmpi ne, %convert_element_type3A, %cond3A : i32
    scf.if %cond3A_388 {
      %mul3A_2207 = arith.constant 8 : i32
      %mul3A_2208 = arith.muli %arg1, %mul3A_2207 : i32
      "tpu.region"() ({
        %run_scoped3A = tpu.sem_alloc : memref<!tpu.dma_semaphore, #tpu.memory_space<semaphore_mem>>
        %dma_start3A_2209 = arith.constant 0 : i32
        %dma_start3A_2210 = tpu.memref_slice %arg9[%mul3A_2208, %dma_start3A_2209] : memref<48x128xf32, #tpu.memory_space<vmem_shared>> -> memref<8x128xf32, #tpu.memory_space<vmem_shared>>
        %dma_start3A_2211 = arith.constant 0 : i32
        %dma_start3A_2212 = tpu.memref_slice %arg9[%mul3A_2208, %dma_start3A_2211] : memref<48x128xf32, #tpu.memory_space<vmem_shared>> -> memref<8x128xf32, #tpu.memory_space<vmem_shared>>
        tpu.enqueue_dma source(%arg8 : memref<8x128xf32, #tpu.memory_space<vmem>>) target(%dma_start3A_2212 : memref<8x128xf32, #tpu.memory_space<vmem_shared>>) target_semaphore(%run_scoped3A : memref<!tpu.dma_semaphore, #tpu.memory_space<semaphore_mem>>)
        %dma_wait3A_2213 = arith.constant 0 : i32
        %dma_wait3A_2214 = tpu.memref_slice %arg9[%mul3A_2208, %dma_wait3A_2213] : memref<48x128xf32, #tpu.memory_space<vmem_shared>> -> memref<8x128xf32, #tpu.memory_space<vmem_shared>>
        %dma_wait3A_2215 = arith.constant 0 : i32
        %dma_wait3A_2216 = tpu.memref_slice %arg9[%mul3A_2208, %dma_wait3A_2215] : memref<48x128xf32, #tpu.memory_space<vmem_shared>> -> memref<8x128xf32, #tpu.memory_space<vmem_shared>>
        tpu.wait_dma2 semaphore(%run_scoped3A : memref<!tpu.dma_semaphore, #tpu.memory_space<semaphore_mem>>) src(%arg8 : memref<8x128xf32, #tpu.memory_space<vmem>>) dst(%dma_wait3A_2216 : memref<8x128xf32, #tpu.memory_space<vmem_shared>>)
        tpu.yield
      }) : () -> ()
    } else {
    }
    %add3A_389 = arith.constant 0 : i32
    %add3A_390 = arith.addi %mul3A_2, %add3A_389 : i32
    %jit3A = arith.constant 32 : i32
    %div3A = arith.divsi %add3A_390, %jit3A : i32
    %sign3A = arith.constant 0 : i32
    %sign3A_391 = arith.cmpi sgt, %add3A_390, %sign3A : i32
    %sign3A_392 = arith.extui %sign3A_391 : i1 to i32
    %sign3A_393 = arith.constant 0 : i32
    %sign3A_394 = arith.cmpi slt, %add3A_390, %sign3A_393 : i32
    %sign3A_395 = arith.extui %sign3A_394 : i1 to i32
    %sign3A_396 = arith.subi %sign3A_392, %sign3A_395 : i32
    %sign3A_397 = arith.constant 0 : i32
    %sign3A_398 = arith.cmpi sgt, %jit3A, %sign3A_397 : i32
    %sign3A_399 = arith.extui %sign3A_398 : i1 to i32
    %sign3A_400 = arith.constant 0 : i32
    %sign3A_401 = arith.cmpi slt, %jit3A, %sign3A_400 : i32
    %sign3A_402 = arith.extui %sign3A_401 : i1 to i32
    %sign3A_403 = arith.subi %sign3A_399, %sign3A_402 : i32
    %ne3A = arith.cmpi ne, %sign3A_396, %sign3A_403 : i32
    %rem3A = arith.remsi %add3A_390, %jit3A : i32
    %ne3A_404 = arith.constant 0 : i32
    %ne3A_405 = arith.cmpi ne, %rem3A, %ne3A_404 : i32
    %and3A = arith.andi %ne3A, %ne3A_405 : i1
    %sub3A = arith.constant 1 : i32
    %sub3A_406 = arith.subi %div3A, %sub3A : i32
    %select_n3A = arith.select %and3A, %sub3A_406, %div3A : i32
    %jit3A_407 = arith.constant 32 : i32
    %eq3A = arith.constant 0 : i32
    %eq3A_408 = arith.cmpi eq, %jit3A_407, %eq3A : i32
    %jit3A_409 = arith.constant 1 : i32
    %select_n3A_410 = arith.select %eq3A_408, %jit3A_409, %jit3A_407 : i32
    %rem3A_411 = arith.remsi %add3A_390, %select_n3A_410 : i32
    %ne3A_412 = arith.constant 0 : i32
    %ne3A_413 = arith.cmpi ne, %rem3A_411, %ne3A_412 : i32
    %lt3A_414 = arith.constant 0 : i32
    %lt3A_415 = arith.cmpi slt, %rem3A_411, %lt3A_414 : i32
    %lt3A_416 = arith.constant 0 : i32
    %lt3A_417 = arith.cmpi slt, %select_n3A_410, %lt3A_416 : i32
    %ne3A_418 = arith.xori %lt3A_415, %lt3A_417 : i1
    %and3A_419 = arith.andi %ne3A_418, %ne3A_413 : i1
    %add3A_420 = arith.addi %rem3A_411, %select_n3A_410 : i32
    %select_n3A_421 = arith.select %and3A_419, %add3A_420, %rem3A_411 : i32
    %mul3A_422 = arith.constant 128 : i32
    %mul3A_423 = arith.muli %select_n3A_421, %mul3A_422 : i32
    %dma_start3A = arith.constant 0 : i32
    %dma_start3A_424 = tpu.memref_slice %arg6[%dma_start3A] : memref<768xi32, #tpu.memory_space<vmem>> -> memref<128xi32, #tpu.memory_space<vmem>>
    %dma_start3A_425 = tpu.memref_slice %arg3[%select_n3A, %mul3A_423] : memref<16x4096xi32, #tpu.memory_space<hbm>> -> memref<1x128xi32, #tpu.memory_space<hbm>>
    %dma_start3A_426 = tpu.memref_squeeze %dma_start3A_425 : memref<1x128xi32, #tpu.memory_space<hbm>> -> memref<128xi32, #tpu.memory_space<hbm>>
    %dma_start3A_427 = arith.constant 0 : i32
    %dma_start3A_428 = tpu.memref_slice %arg6[%dma_start3A_427] : memref<768xi32, #tpu.memory_space<vmem>> -> memref<128xi32, #tpu.memory_space<vmem>>
    %dma_start3A_429 = tpu.memref_slice %arg3[%select_n3A, %mul3A_423] : memref<16x4096xi32, #tpu.memory_space<hbm>> -> memref<1x128xi32, #tpu.memory_space<hbm>>
    %dma_start3A_430 = tpu.memref_squeeze %dma_start3A_429 : memref<1x128xi32, #tpu.memory_space<hbm>> -> memref<128xi32, #tpu.memory_space<hbm>>
    tpu.enqueue_dma source(%dma_start3A_430 : memref<128xi32, #tpu.memory_space<hbm>>) target(%dma_start3A_428 : memref<128xi32, #tpu.memory_space<vmem>>) target_semaphore(%arg11 : memref<!tpu.dma_semaphore, #tpu.memory_space<semaphore_mem>>)
    %add3A_431 = arith.constant 1 : i32
    %add3A_432 = arith.addi %mul3A_2, %add3A_431 : i32
    %jit3A_433 = arith.constant 32 : i32
    %div3A_434 = arith.divsi %add3A_432, %jit3A_433 : i32
    %sign3A_435 = arith.constant 0 : i32
    %sign3A_436 = arith.cmpi sgt, %add3A_432, %sign3A_435 : i32
    %sign3A_437 = arith.extui %sign3A_436 : i1 to i32
    %sign3A_438 = arith.constant 0 : i32
    %sign3A_439 = arith.cmpi slt, %add3A_432, %sign3A_438 : i32
    %sign3A_440 = arith.extui %sign3A_439 : i1 to i32
    %sign3A_441 = arith.subi %sign3A_437, %sign3A_440 : i32
    %sign3A_442 = arith.constant 0 : i32
    %sign3A_443 = arith.cmpi sgt, %jit3A_433, %sign3A_442 : i32
    %sign3A_444 = arith.extui %sign3A_443 : i1 to i32
    %sign3A_445 = arith.constant 0 : i32
    %sign3A_446 = arith.cmpi slt, %jit3A_433, %sign3A_445 : i32
    %sign3A_447 = arith.extui %sign3A_446 : i1 to i32
    %sign3A_448 = arith.subi %sign3A_444, %sign3A_447 : i32
    %ne3A_449 = arith.cmpi ne, %sign3A_441, %sign3A_448 : i32
    %rem3A_450 = arith.remsi %add3A_432, %jit3A_433 : i32
    %ne3A_451 = arith.constant 0 : i32
    %ne3A_452 = arith.cmpi ne, %rem3A_450, %ne3A_451 : i32
    %and3A_453 = arith.andi %ne3A_449, %ne3A_452 : i1
    %sub3A_454 = arith.constant 1 : i32
    %sub3A_455 = arith.subi %div3A_434, %sub3A_454 : i32
    %select_n3A_456 = arith.select %and3A_453, %sub3A_455, %div3A_434 : i32
    %jit3A_457 = arith.constant 32 : i32
    %eq3A_458 = arith.constant 0 : i32
    %eq3A_459 = arith.cmpi eq, %jit3A_457, %eq3A_458 : i32
    %jit3A_460 = arith.constant 1 : i32
    %select_n3A_461 = arith.select %eq3A_459, %jit3A_460, %jit3A_457 : i32
    %rem3A_462 = arith.remsi %add3A_432, %select_n3A_461 : i32
    %ne3A_463 = arith.constant 0 : i32
    %ne3A_464 = arith.cmpi ne, %rem3A_462, %ne3A_463 : i32
    %lt3A_465 = arith.constant 0 : i32
    %lt3A_466 = arith.cmpi slt, %rem3A_462, %lt3A_465 : i32
    %lt3A_467 = arith.constant 0 : i32
    %lt3A_468 = arith.cmpi slt, %select_n3A_461, %lt3A_467 : i32
    %ne3A_469 = arith.xori %lt3A_466, %lt3A_468 : i1
    %and3A_470 = arith.andi %ne3A_469, %ne3A_464 : i1
    %add3A_471 = arith.addi %rem3A_462, %select_n3A_461 : i32
    %select_n3A_472 = arith.select %and3A_470, %add3A_471, %rem3A_462 : i32
    %mul3A_473 = arith.constant 128 : i32
    %mul3A_474 = arith.muli %select_n3A_472, %mul3A_473 : i32
    %dma_start3A_475 = arith.constant 128 : i32
    %dma_start3A_476 = tpu.memref_slice %arg6[%dma_start3A_475] : memref<768xi32, #tpu.memory_space<vmem>> -> memref<128xi32, #tpu.memory_space<vmem>>
    %dma_start3A_477 = tpu.memref_slice %arg3[%select_n3A_456, %mul3A_474] : memref<16x4096xi32, #tpu.memory_space<hbm>> -> memref<1x128xi32, #tpu.memory_space<hbm>>
    %dma_start3A_478 = tpu.memref_squeeze %dma_start3A_477 : memref<1x128xi32, #tpu.memory_space<hbm>> -> memref<128xi32, #tpu.memory_space<hbm>>
    %dma_start3A_479 = arith.constant 128 : i32
    %dma_start3A_480 = tpu.memref_slice %arg6[%dma_start3A_479] : memref<768xi32, #tpu.memory_space<vmem>> -> memref<128xi32, #tpu.memory_space<vmem>>
    %dma_start3A_481 = tpu.memref_slice %arg3[%select_n3A_456, %mul3A_474] : memref<16x4096xi32, #tpu.memory_space<hbm>> -> memref<1x128xi32, #tpu.memory_space<hbm>>
    %dma_start3A_482 = tpu.memref_squeeze %dma_start3A_481 : memref<1x128xi32, #tpu.memory_space<hbm>> -> memref<128xi32, #tpu.memory_space<hbm>>
    tpu.enqueue_dma source(%dma_start3A_482 : memref<128xi32, #tpu.memory_space<hbm>>) target(%dma_start3A_480 : memref<128xi32, #tpu.memory_space<vmem>>) target_semaphore(%arg11 : memref<!tpu.dma_semaphore, #tpu.memory_space<semaphore_mem>>)
    %add3A_483 = arith.constant 2 : i32
    %add3A_484 = arith.addi %mul3A_2, %add3A_483 : i32
    %jit3A_485 = arith.constant 32 : i32
    %div3A_486 = arith.divsi %add3A_484, %jit3A_485 : i32
    %sign3A_487 = arith.constant 0 : i32
    %sign3A_488 = arith.cmpi sgt, %add3A_484, %sign3A_487 : i32
    %sign3A_489 = arith.extui %sign3A_488 : i1 to i32
    %sign3A_490 = arith.constant 0 : i32
    %sign3A_491 = arith.cmpi slt, %add3A_484, %sign3A_490 : i32
    %sign3A_492 = arith.extui %sign3A_491 : i1 to i32
    %sign3A_493 = arith.subi %sign3A_489, %sign3A_492 : i32
    %sign3A_494 = arith.constant 0 : i32
    %sign3A_495 = arith.cmpi sgt, %jit3A_485, %sign3A_494 : i32
    %sign3A_496 = arith.extui %sign3A_495 : i1 to i32
    %sign3A_497 = arith.constant 0 : i32
    %sign3A_498 = arith.cmpi slt, %jit3A_485, %sign3A_497 : i32
    %sign3A_499 = arith.extui %sign3A_498 : i1 to i32
    %sign3A_500 = arith.subi %sign3A_496, %sign3A_499 : i32
    %ne3A_501 = arith.cmpi ne, %sign3A_493, %sign3A_500 : i32
    %rem3A_502 = arith.remsi %add3A_484, %jit3A_485 : i32
    %ne3A_503 = arith.constant 0 : i32
    %ne3A_504 = arith.cmpi ne, %rem3A_502, %ne3A_503 : i32
    %and3A_505 = arith.andi %ne3A_501, %ne3A_504 : i1
    %sub3A_506 = arith.constant 1 : i32
    %sub3A_507 = arith.subi %div3A_486, %sub3A_506 : i32
    %select_n3A_508 = arith.select %and3A_505, %sub3A_507, %div3A_486 : i32
    %jit3A_509 = arith.constant 32 : i32
    %eq3A_510 = arith.constant 0 : i32
    %eq3A_511 = arith.cmpi eq, %jit3A_509, %eq3A_510 : i32
    %jit3A_512 = arith.constant 1 : i32
    %select_n3A_513 = arith.select %eq3A_511, %jit3A_512, %jit3A_509 : i32
    %rem3A_514 = arith.remsi %add3A_484, %select_n3A_513 : i32
    %ne3A_515 = arith.constant 0 : i32
    %ne3A_516 = arith.cmpi ne, %rem3A_514, %ne3A_515 : i32
    %lt3A_517 = arith.constant 0 : i32
    %lt3A_518 = arith.cmpi slt, %rem3A_514, %lt3A_517 : i32
    %lt3A_519 = arith.constant 0 : i32
    %lt3A_520 = arith.cmpi slt, %select_n3A_513, %lt3A_519 : i32
    %ne3A_521 = arith.xori %lt3A_518, %lt3A_520 : i1
    %and3A_522 = arith.andi %ne3A_521, %ne3A_516 : i1
    %add3A_523 = arith.addi %rem3A_514, %select_n3A_513 : i32
    %select_n3A_524 = arith.select %and3A_522, %add3A_523, %rem3A_514 : i32
    %mul3A_525 = arith.constant 128 : i32
    %mul3A_526 = arith.muli %select_n3A_524, %mul3A_525 : i32
    %dma_start3A_527 = arith.constant 256 : i32
    %dma_start3A_528 = tpu.memref_slice %arg6[%dma_start3A_527] : memref<768xi32, #tpu.memory_space<vmem>> -> memref<128xi32, #tpu.memory_space<vmem>>
    %dma_start3A_529 = tpu.memref_slice %arg3[%select_n3A_508, %mul3A_526] : memref<16x4096xi32, #tpu.memory_space<hbm>> -> memref<1x128xi32, #tpu.memory_space<hbm>>
    %dma_start3A_530 = tpu.memref_squeeze %dma_start3A_529 : memref<1x128xi32, #tpu.memory_space<hbm>> -> memref<128xi32, #tpu.memory_space<hbm>>
    %dma_start3A_531 = arith.constant 256 : i32
    %dma_start3A_532 = tpu.memref_slice %arg6[%dma_start3A_531] : memref<768xi32, #tpu.memory_space<vmem>> -> memref<128xi32, #tpu.memory_space<vmem>>
    %dma_start3A_533 = tpu.memref_slice %arg3[%select_n3A_508, %mul3A_526] : memref<16x4096xi32, #tpu.memory_space<hbm>> -> memref<1x128xi32, #tpu.memory_space<hbm>>
    %dma_start3A_534 = tpu.memref_squeeze %dma_start3A_533 : memref<1x128xi32, #tpu.memory_space<hbm>> -> memref<128xi32, #tpu.memory_space<hbm>>
    tpu.enqueue_dma source(%dma_start3A_534 : memref<128xi32, #tpu.memory_space<hbm>>) target(%dma_start3A_532 : memref<128xi32, #tpu.memory_space<vmem>>) target_semaphore(%arg11 : memref<!tpu.dma_semaphore, #tpu.memory_space<semaphore_mem>>)
    %add3A_535 = arith.constant 3 : i32
    %add3A_536 = arith.addi %mul3A_2, %add3A_535 : i32
    %jit3A_537 = arith.constant 32 : i32
    %div3A_538 = arith.divsi %add3A_536, %jit3A_537 : i32
    %sign3A_539 = arith.constant 0 : i32
    %sign3A_540 = arith.cmpi sgt, %add3A_536, %sign3A_539 : i32
    %sign3A_541 = arith.extui %sign3A_540 : i1 to i32
    %sign3A_542 = arith.constant 0 : i32
    %sign3A_543 = arith.cmpi slt, %add3A_536, %sign3A_542 : i32
    %sign3A_544 = arith.extui %sign3A_543 : i1 to i32
    %sign3A_545 = arith.subi %sign3A_541, %sign3A_544 : i32
    %sign3A_546 = arith.constant 0 : i32
    %sign3A_547 = arith.cmpi sgt, %jit3A_537, %sign3A_546 : i32
    %sign3A_548 = arith.extui %sign3A_547 : i1 to i32
    %sign3A_549 = arith.constant 0 : i32
    %sign3A_550 = arith.cmpi slt, %jit3A_537, %sign3A_549 : i32
    %sign3A_551 = arith.extui %sign3A_550 : i1 to i32
    %sign3A_552 = arith.subi %sign3A_548, %sign3A_551 : i32
    %ne3A_553 = arith.cmpi ne, %sign3A_545, %sign3A_552 : i32
    %rem3A_554 = arith.remsi %add3A_536, %jit3A_537 : i32
    %ne3A_555 = arith.constant 0 : i32
    %ne3A_556 = arith.cmpi ne, %rem3A_554, %ne3A_555 : i32
    %and3A_557 = arith.andi %ne3A_553, %ne3A_556 : i1
    %sub3A_558 = arith.constant 1 : i32
    %sub3A_559 = arith.subi %div3A_538, %sub3A_558 : i32
    %select_n3A_560 = arith.select %and3A_557, %sub3A_559, %div3A_538 : i32
    %jit3A_561 = arith.constant 32 : i32
    %eq3A_562 = arith.constant 0 : i32
    %eq3A_563 = arith.cmpi eq, %jit3A_561, %eq3A_562 : i32
    %jit3A_564 = arith.constant 1 : i32
    %select_n3A_565 = arith.select %eq3A_563, %jit3A_564, %jit3A_561 : i32
    %rem3A_566 = arith.remsi %add3A_536, %select_n3A_565 : i32
    %ne3A_567 = arith.constant 0 : i32
    %ne3A_568 = arith.cmpi ne, %rem3A_566, %ne3A_567 : i32
    %lt3A_569 = arith.constant 0 : i32
    %lt3A_570 = arith.cmpi slt, %rem3A_566, %lt3A_569 : i32
    %lt3A_571 = arith.constant 0 : i32
    %lt3A_572 = arith.cmpi slt, %select_n3A_565, %lt3A_571 : i32
    %ne3A_573 = arith.xori %lt3A_570, %lt3A_572 : i1
    %and3A_574 = arith.andi %ne3A_573, %ne3A_568 : i1
    %add3A_575 = arith.addi %rem3A_566, %select_n3A_565 : i32
    %select_n3A_576 = arith.select %and3A_574, %add3A_575, %rem3A_566 : i32
    %mul3A_577 = arith.constant 128 : i32
    %mul3A_578 = arith.muli %select_n3A_576, %mul3A_577 : i32
    %dma_start3A_579 = arith.constant 384 : i32
    %dma_start3A_580 = tpu.memref_slice %arg6[%dma_start3A_579] : memref<768xi32, #tpu.memory_space<vmem>> -> memref<128xi32, #tpu.memory_space<vmem>>
    %dma_start3A_581 = tpu.memref_slice %arg3[%select_n3A_560, %mul3A_578] : memref<16x4096xi32, #tpu.memory_space<hbm>> -> memref<1x128xi32, #tpu.memory_space<hbm>>
    %dma_start3A_582 = tpu.memref_squeeze %dma_start3A_581 : memref<1x128xi32, #tpu.memory_space<hbm>> -> memref<128xi32, #tpu.memory_space<hbm>>
    %dma_start3A_583 = arith.constant 384 : i32
    %dma_start3A_584 = tpu.memref_slice %arg6[%dma_start3A_583] : memref<768xi32, #tpu.memory_space<vmem>> -> memref<128xi32, #tpu.memory_space<vmem>>
    %dma_start3A_585 = tpu.memref_slice %arg3[%select_n3A_560, %mul3A_578] : memref<16x4096xi32, #tpu.memory_space<hbm>> -> memref<1x128xi32, #tpu.memory_space<hbm>>
    %dma_start3A_586 = tpu.memref_squeeze %dma_start3A_585 : memref<1x128xi32, #tpu.memory_space<hbm>> -> memref<128xi32, #tpu.memory_space<hbm>>
    tpu.enqueue_dma source(%dma_start3A_586 : memref<128xi32, #tpu.memory_space<hbm>>) target(%dma_start3A_584 : memref<128xi32, #tpu.memory_space<vmem>>) target_semaphore(%arg11 : memref<!tpu.dma_semaphore, #tpu.memory_space<semaphore_mem>>)
    %add3A_587 = arith.constant 4 : i32
    %add3A_588 = arith.addi %mul3A_2, %add3A_587 : i32
    %jit3A_589 = arith.constant 32 : i32
    %div3A_590 = arith.divsi %add3A_588, %jit3A_589 : i32
    %sign3A_591 = arith.constant 0 : i32
    %sign3A_592 = arith.cmpi sgt, %add3A_588, %sign3A_591 : i32
    %sign3A_593 = arith.extui %sign3A_592 : i1 to i32
    %sign3A_594 = arith.constant 0 : i32
    %sign3A_595 = arith.cmpi slt, %add3A_588, %sign3A_594 : i32
    %sign3A_596 = arith.extui %sign3A_595 : i1 to i32
    %sign3A_597 = arith.subi %sign3A_593, %sign3A_596 : i32
    %sign3A_598 = arith.constant 0 : i32
    %sign3A_599 = arith.cmpi sgt, %jit3A_589, %sign3A_598 : i32
    %sign3A_600 = arith.extui %sign3A_599 : i1 to i32
    %sign3A_601 = arith.constant 0 : i32
    %sign3A_602 = arith.cmpi slt, %jit3A_589, %sign3A_601 : i32
    %sign3A_603 = arith.extui %sign3A_602 : i1 to i32
    %sign3A_604 = arith.subi %sign3A_600, %sign3A_603 : i32
    %ne3A_605 = arith.cmpi ne, %sign3A_597, %sign3A_604 : i32
    %rem3A_606 = arith.remsi %add3A_588, %jit3A_589 : i32
    %ne3A_607 = arith.constant 0 : i32
    %ne3A_608 = arith.cmpi ne, %rem3A_606, %ne3A_607 : i32
    %and3A_609 = arith.andi %ne3A_605, %ne3A_608 : i1
    %sub3A_610 = arith.constant 1 : i32
    %sub3A_611 = arith.subi %div3A_590, %sub3A_610 : i32
    %select_n3A_612 = arith.select %and3A_609, %sub3A_611, %div3A_590 : i32
    %jit3A_613 = arith.constant 32 : i32
    %eq3A_614 = arith.constant 0 : i32
    %eq3A_615 = arith.cmpi eq, %jit3A_613, %eq3A_614 : i32
    %jit3A_616 = arith.constant 1 : i32
    %select_n3A_617 = arith.select %eq3A_615, %jit3A_616, %jit3A_613 : i32
    %rem3A_618 = arith.remsi %add3A_588, %select_n3A_617 : i32
    %ne3A_619 = arith.constant 0 : i32
    %ne3A_620 = arith.cmpi ne, %rem3A_618, %ne3A_619 : i32
    %lt3A_621 = arith.constant 0 : i32
    %lt3A_622 = arith.cmpi slt, %rem3A_618, %lt3A_621 : i32
    %lt3A_623 = arith.constant 0 : i32
    %lt3A_624 = arith.cmpi slt, %select_n3A_617, %lt3A_623 : i32
    %ne3A_625 = arith.xori %lt3A_622, %lt3A_624 : i1
    %and3A_626 = arith.andi %ne3A_625, %ne3A_620 : i1
    %add3A_627 = arith.addi %rem3A_618, %select_n3A_617 : i32
    %select_n3A_628 = arith.select %and3A_626, %add3A_627, %rem3A_618 : i32
    %mul3A_629 = arith.constant 128 : i32
    %mul3A_630 = arith.muli %select_n3A_628, %mul3A_629 : i32
    %dma_start3A_631 = arith.constant 512 : i32
    %dma_start3A_632 = tpu.memref_slice %arg6[%dma_start3A_631] : memref<768xi32, #tpu.memory_space<vmem>> -> memref<128xi32, #tpu.memory_space<vmem>>
    %dma_start3A_633 = tpu.memref_slice %arg3[%select_n3A_612, %mul3A_630] : memref<16x4096xi32, #tpu.memory_space<hbm>> -> memref<1x128xi32, #tpu.memory_space<hbm>>
    %dma_start3A_634 = tpu.memref_squeeze %dma_start3A_633 : memref<1x128xi32, #tpu.memory_space<hbm>> -> memref<128xi32, #tpu.memory_space<hbm>>
    %dma_start3A_635 = arith.constant 512 : i32
    %dma_start3A_636 = tpu.memref_slice %arg6[%dma_start3A_635] : memref<768xi32, #tpu.memory_space<vmem>> -> memref<128xi32, #tpu.memory_space<vmem>>
    %dma_start3A_637 = tpu.memref_slice %arg3[%select_n3A_612, %mul3A_630] : memref<16x4096xi32, #tpu.memory_space<hbm>> -> memref<1x128xi32, #tpu.memory_space<hbm>>
    %dma_start3A_638 = tpu.memref_squeeze %dma_start3A_637 : memref<1x128xi32, #tpu.memory_space<hbm>> -> memref<128xi32, #tpu.memory_space<hbm>>
    tpu.enqueue_dma source(%dma_start3A_638 : memref<128xi32, #tpu.memory_space<hbm>>) target(%dma_start3A_636 : memref<128xi32, #tpu.memory_space<vmem>>) target_semaphore(%arg11 : memref<!tpu.dma_semaphore, #tpu.memory_space<semaphore_mem>>)
    %add3A_639 = arith.constant 5 : i32
    %add3A_640 = arith.addi %mul3A_2, %add3A_639 : i32
    %jit3A_641 = arith.constant 32 : i32
    %div3A_642 = arith.divsi %add3A_640, %jit3A_641 : i32
    %sign3A_643 = arith.constant 0 : i32
    %sign3A_644 = arith.cmpi sgt, %add3A_640, %sign3A_643 : i32
    %sign3A_645 = arith.extui %sign3A_644 : i1 to i32
    %sign3A_646 = arith.constant 0 : i32
    %sign3A_647 = arith.cmpi slt, %add3A_640, %sign3A_646 : i32
    %sign3A_648 = arith.extui %sign3A_647 : i1 to i32
    %sign3A_649 = arith.subi %sign3A_645, %sign3A_648 : i32
    %sign3A_650 = arith.constant 0 : i32
    %sign3A_651 = arith.cmpi sgt, %jit3A_641, %sign3A_650 : i32
    %sign3A_652 = arith.extui %sign3A_651 : i1 to i32
    %sign3A_653 = arith.constant 0 : i32
    %sign3A_654 = arith.cmpi slt, %jit3A_641, %sign3A_653 : i32
    %sign3A_655 = arith.extui %sign3A_654 : i1 to i32
    %sign3A_656 = arith.subi %sign3A_652, %sign3A_655 : i32
    %ne3A_657 = arith.cmpi ne, %sign3A_649, %sign3A_656 : i32
    %rem3A_658 = arith.remsi %add3A_640, %jit3A_641 : i32
    %ne3A_659 = arith.constant 0 : i32
    %ne3A_660 = arith.cmpi ne, %rem3A_658, %ne3A_659 : i32
    %and3A_661 = arith.andi %ne3A_657, %ne3A_660 : i1
    %sub3A_662 = arith.constant 1 : i32
    %sub3A_663 = arith.subi %div3A_642, %sub3A_662 : i32
    %select_n3A_664 = arith.select %and3A_661, %sub3A_663, %div3A_642 : i32
    %jit3A_665 = arith.constant 32 : i32
    %eq3A_666 = arith.constant 0 : i32
    %eq3A_667 = arith.cmpi eq, %jit3A_665, %eq3A_666 : i32
    %jit3A_668 = arith.constant 1 : i32
    %select_n3A_669 = arith.select %eq3A_667, %jit3A_668, %jit3A_665 : i32
    %rem3A_670 = arith.remsi %add3A_640, %select_n3A_669 : i32
    %ne3A_671 = arith.constant 0 : i32
    %ne3A_672 = arith.cmpi ne, %rem3A_670, %ne3A_671 : i32
    %lt3A_673 = arith.constant 0 : i32
    %lt3A_674 = arith.cmpi slt, %rem3A_670, %lt3A_673 : i32
    %lt3A_675 = arith.constant 0 : i32
    %lt3A_676 = arith.cmpi slt, %select_n3A_669, %lt3A_675 : i32
    %ne3A_677 = arith.xori %lt3A_674, %lt3A_676 : i1
    %and3A_678 = arith.andi %ne3A_677, %ne3A_672 : i1
    %add3A_679 = arith.addi %rem3A_670, %select_n3A_669 : i32
    %select_n3A_680 = arith.select %and3A_678, %add3A_679, %rem3A_670 : i32
    %mul3A_681 = arith.constant 128 : i32
    %mul3A_682 = arith.muli %select_n3A_680, %mul3A_681 : i32
    %dma_start3A_683 = arith.constant 640 : i32
    %dma_start3A_684 = tpu.memref_slice %arg6[%dma_start3A_683] : memref<768xi32, #tpu.memory_space<vmem>> -> memref<128xi32, #tpu.memory_space<vmem>>
    %dma_start3A_685 = tpu.memref_slice %arg3[%select_n3A_664, %mul3A_682] : memref<16x4096xi32, #tpu.memory_space<hbm>> -> memref<1x128xi32, #tpu.memory_space<hbm>>
    %dma_start3A_686 = tpu.memref_squeeze %dma_start3A_685 : memref<1x128xi32, #tpu.memory_space<hbm>> -> memref<128xi32, #tpu.memory_space<hbm>>
    %dma_start3A_687 = arith.constant 640 : i32
    %dma_start3A_688 = tpu.memref_slice %arg6[%dma_start3A_687] : memref<768xi32, #tpu.memory_space<vmem>> -> memref<128xi32, #tpu.memory_space<vmem>>
    %dma_start3A_689 = tpu.memref_slice %arg3[%select_n3A_664, %mul3A_682] : memref<16x4096xi32, #tpu.memory_space<hbm>> -> memref<1x128xi32, #tpu.memory_space<hbm>>
    %dma_start3A_690 = tpu.memref_squeeze %dma_start3A_689 : memref<1x128xi32, #tpu.memory_space<hbm>> -> memref<128xi32, #tpu.memory_space<hbm>>
    tpu.enqueue_dma source(%dma_start3A_690 : memref<128xi32, #tpu.memory_space<hbm>>) target(%dma_start3A_688 : memref<128xi32, #tpu.memory_space<vmem>>) target_semaphore(%arg11 : memref<!tpu.dma_semaphore, #tpu.memory_space<semaphore_mem>>)
    %dma_wait3A = arith.constant 0 : i32
    %dma_wait3A_691 = tpu.memref_slice %arg6[%dma_wait3A] : memref<768xi32, #tpu.memory_space<vmem>> -> memref<128xi32, #tpu.memory_space<vmem>>
    %dma_wait3A_692 = tpu.memref_slice %arg3[%select_n3A, %mul3A_423] : memref<16x4096xi32, #tpu.memory_space<hbm>> -> memref<1x128xi32, #tpu.memory_space<hbm>>
    %dma_wait3A_693 = tpu.memref_squeeze %dma_wait3A_692 : memref<1x128xi32, #tpu.memory_space<hbm>> -> memref<128xi32, #tpu.memory_space<hbm>>
    %dma_wait3A_694 = arith.constant 0 : i32
    %dma_wait3A_695 = tpu.memref_slice %arg6[%dma_wait3A_694] : memref<768xi32, #tpu.memory_space<vmem>> -> memref<128xi32, #tpu.memory_space<vmem>>
    %dma_wait3A_696 = tpu.memref_slice %arg3[%select_n3A, %mul3A_423] : memref<16x4096xi32, #tpu.memory_space<hbm>> -> memref<1x128xi32, #tpu.memory_space<hbm>>
    %dma_wait3A_697 = tpu.memref_squeeze %dma_wait3A_696 : memref<1x128xi32, #tpu.memory_space<hbm>> -> memref<128xi32, #tpu.memory_space<hbm>>
    tpu.wait_dma2 semaphore(%arg11 : memref<!tpu.dma_semaphore, #tpu.memory_space<semaphore_mem>>) src(%dma_wait3A_697 : memref<128xi32, #tpu.memory_space<hbm>>) dst(%dma_wait3A_695 : memref<128xi32, #tpu.memory_space<vmem>>)
    %dma_wait3A_698 = arith.constant 128 : i32
    %dma_wait3A_699 = tpu.memref_slice %arg6[%dma_wait3A_698] : memref<768xi32, #tpu.memory_space<vmem>> -> memref<128xi32, #tpu.memory_space<vmem>>
    %dma_wait3A_700 = tpu.memref_slice %arg3[%select_n3A_456, %mul3A_474] : memref<16x4096xi32, #tpu.memory_space<hbm>> -> memref<1x128xi32, #tpu.memory_space<hbm>>
    %dma_wait3A_701 = tpu.memref_squeeze %dma_wait3A_700 : memref<1x128xi32, #tpu.memory_space<hbm>> -> memref<128xi32, #tpu.memory_space<hbm>>
    %dma_wait3A_702 = arith.constant 128 : i32
    %dma_wait3A_703 = tpu.memref_slice %arg6[%dma_wait3A_702] : memref<768xi32, #tpu.memory_space<vmem>> -> memref<128xi32, #tpu.memory_space<vmem>>
    %dma_wait3A_704 = tpu.memref_slice %arg3[%select_n3A_456, %mul3A_474] : memref<16x4096xi32, #tpu.memory_space<hbm>> -> memref<1x128xi32, #tpu.memory_space<hbm>>
    %dma_wait3A_705 = tpu.memref_squeeze %dma_wait3A_704 : memref<1x128xi32, #tpu.memory_space<hbm>> -> memref<128xi32, #tpu.memory_space<hbm>>
    tpu.wait_dma2 semaphore(%arg11 : memref<!tpu.dma_semaphore, #tpu.memory_space<semaphore_mem>>) src(%dma_wait3A_705 : memref<128xi32, #tpu.memory_space<hbm>>) dst(%dma_wait3A_703 : memref<128xi32, #tpu.memory_space<vmem>>)
    %dma_wait3A_706 = arith.constant 256 : i32
    %dma_wait3A_707 = tpu.memref_slice %arg6[%dma_wait3A_706] : memref<768xi32, #tpu.memory_space<vmem>> -> memref<128xi32, #tpu.memory_space<vmem>>
    %dma_wait3A_708 = tpu.memref_slice %arg3[%select_n3A_508, %mul3A_526] : memref<16x4096xi32, #tpu.memory_space<hbm>> -> memref<1x128xi32, #tpu.memory_space<hbm>>
    %dma_wait3A_709 = tpu.memref_squeeze %dma_wait3A_708 : memref<1x128xi32, #tpu.memory_space<hbm>> -> memref<128xi32, #tpu.memory_space<hbm>>
    %dma_wait3A_710 = arith.constant 256 : i32
    %dma_wait3A_711 = tpu.memref_slice %arg6[%dma_wait3A_710] : memref<768xi32, #tpu.memory_space<vmem>> -> memref<128xi32, #tpu.memory_space<vmem>>
    %dma_wait3A_712 = tpu.memref_slice %arg3[%select_n3A_508, %mul3A_526] : memref<16x4096xi32, #tpu.memory_space<hbm>> -> memref<1x128xi32, #tpu.memory_space<hbm>>
    %dma_wait3A_713 = tpu.memref_squeeze %dma_wait3A_712 : memref<1x128xi32, #tpu.memory_space<hbm>> -> memref<128xi32, #tpu.memory_space<hbm>>
    tpu.wait_dma2 semaphore(%arg11 : memref<!tpu.dma_semaphore, #tpu.memory_space<semaphore_mem>>) src(%dma_wait3A_713 : memref<128xi32, #tpu.memory_space<hbm>>) dst(%dma_wait3A_711 : memref<128xi32, #tpu.memory_space<vmem>>)
    %dma_wait3A_714 = arith.constant 384 : i32
    %dma_wait3A_715 = tpu.memref_slice %arg6[%dma_wait3A_714] : memref<768xi32, #tpu.memory_space<vmem>> -> memref<128xi32, #tpu.memory_space<vmem>>
    %dma_wait3A_716 = tpu.memref_slice %arg3[%select_n3A_560, %mul3A_578] : memref<16x4096xi32, #tpu.memory_space<hbm>> -> memref<1x128xi32, #tpu.memory_space<hbm>>
    %dma_wait3A_717 = tpu.memref_squeeze %dma_wait3A_716 : memref<1x128xi32, #tpu.memory_space<hbm>> -> memref<128xi32, #tpu.memory_space<hbm>>
    %dma_wait3A_718 = arith.constant 384 : i32
    %dma_wait3A_719 = tpu.memref_slice %arg6[%dma_wait3A_718] : memref<768xi32, #tpu.memory_space<vmem>> -> memref<128xi32, #tpu.memory_space<vmem>>
    %dma_wait3A_720 = tpu.memref_slice %arg3[%select_n3A_560, %mul3A_578] : memref<16x4096xi32, #tpu.memory_space<hbm>> -> memref<1x128xi32, #tpu.memory_space<hbm>>
    %dma_wait3A_721 = tpu.memref_squeeze %dma_wait3A_720 : memref<1x128xi32, #tpu.memory_space<hbm>> -> memref<128xi32, #tpu.memory_space<hbm>>
    tpu.wait_dma2 semaphore(%arg11 : memref<!tpu.dma_semaphore, #tpu.memory_space<semaphore_mem>>) src(%dma_wait3A_721 : memref<128xi32, #tpu.memory_space<hbm>>) dst(%dma_wait3A_719 : memref<128xi32, #tpu.memory_space<vmem>>)
    %dma_wait3A_722 = arith.constant 512 : i32
    %dma_wait3A_723 = tpu.memref_slice %arg6[%dma_wait3A_722] : memref<768xi32, #tpu.memory_space<vmem>> -> memref<128xi32, #tpu.memory_space<vmem>>
    %dma_wait3A_724 = tpu.memref_slice %arg3[%select_n3A_612, %mul3A_630] : memref<16x4096xi32, #tpu.memory_space<hbm>> -> memref<1x128xi32, #tpu.memory_space<hbm>>
    %dma_wait3A_725 = tpu.memref_squeeze %dma_wait3A_724 : memref<1x128xi32, #tpu.memory_space<hbm>> -> memref<128xi32, #tpu.memory_space<hbm>>
    %dma_wait3A_726 = arith.constant 512 : i32
    %dma_wait3A_727 = tpu.memref_slice %arg6[%dma_wait3A_726] : memref<768xi32, #tpu.memory_space<vmem>> -> memref<128xi32, #tpu.memory_space<vmem>>
    %dma_wait3A_728 = tpu.memref_slice %arg3[%select_n3A_612, %mul3A_630] : memref<16x4096xi32, #tpu.memory_space<hbm>> -> memref<1x128xi32, #tpu.memory_space<hbm>>
    %dma_wait3A_729 = tpu.memref_squeeze %dma_wait3A_728 : memref<1x128xi32, #tpu.memory_space<hbm>> -> memref<128xi32, #tpu.memory_space<hbm>>
    tpu.wait_dma2 semaphore(%arg11 : memref<!tpu.dma_semaphore, #tpu.memory_space<semaphore_mem>>) src(%dma_wait3A_729 : memref<128xi32, #tpu.memory_space<hbm>>) dst(%dma_wait3A_727 : memref<128xi32, #tpu.memory_space<vmem>>)
    %dma_wait3A_730 = arith.constant 640 : i32
    %dma_wait3A_731 = tpu.memref_slice %arg6[%dma_wait3A_730] : memref<768xi32, #tpu.memory_space<vmem>> -> memref<128xi32, #tpu.memory_space<vmem>>
    %dma_wait3A_732 = tpu.memref_slice %arg3[%select_n3A_664, %mul3A_682] : memref<16x4096xi32, #tpu.memory_space<hbm>> -> memref<1x128xi32, #tpu.memory_space<hbm>>
    %dma_wait3A_733 = tpu.memref_squeeze %dma_wait3A_732 : memref<1x128xi32, #tpu.memory_space<hbm>> -> memref<128xi32, #tpu.memory_space<hbm>>
    %dma_wait3A_734 = arith.constant 640 : i32
    %dma_wait3A_735 = tpu.memref_slice %arg6[%dma_wait3A_734] : memref<768xi32, #tpu.memory_space<vmem>> -> memref<128xi32, #tpu.memory_space<vmem>>
    %dma_wait3A_736 = tpu.memref_slice %arg3[%select_n3A_664, %mul3A_682] : memref<16x4096xi32, #tpu.memory_space<hbm>> -> memref<1x128xi32, #tpu.memory_space<hbm>>
    %dma_wait3A_737 = tpu.memref_squeeze %dma_wait3A_736 : memref<1x128xi32, #tpu.memory_space<hbm>> -> memref<128xi32, #tpu.memory_space<hbm>>
    tpu.wait_dma2 semaphore(%arg11 : memref<!tpu.dma_semaphore, #tpu.memory_space<semaphore_mem>>) src(%dma_wait3A_737 : memref<128xi32, #tpu.memory_space<hbm>>) dst(%dma_wait3A_735 : memref<128xi32, #tpu.memory_space<vmem>>)
    %add3A_738 = arith.constant 0 : i32
    %add3A_739 = arith.addi %mul3A_2, %add3A_738 : i32
    %jit3A_740 = arith.constant 32 : i32
    %div3A_741 = arith.divsi %add3A_739, %jit3A_740 : i32
    %sign3A_742 = arith.constant 0 : i32
    %sign3A_743 = arith.cmpi sgt, %add3A_739, %sign3A_742 : i32
    %sign3A_744 = arith.extui %sign3A_743 : i1 to i32
    %sign3A_745 = arith.constant 0 : i32
    %sign3A_746 = arith.cmpi slt, %add3A_739, %sign3A_745 : i32
    %sign3A_747 = arith.extui %sign3A_746 : i1 to i32
    %sign3A_748 = arith.subi %sign3A_744, %sign3A_747 : i32
    %sign3A_749 = arith.constant 0 : i32
    %sign3A_750 = arith.cmpi sgt, %jit3A_740, %sign3A_749 : i32
    %sign3A_751 = arith.extui %sign3A_750 : i1 to i32
    %sign3A_752 = arith.constant 0 : i32
    %sign3A_753 = arith.cmpi slt, %jit3A_740, %sign3A_752 : i32
    %sign3A_754 = arith.extui %sign3A_753 : i1 to i32
    %sign3A_755 = arith.subi %sign3A_751, %sign3A_754 : i32
    %ne3A_756 = arith.cmpi ne, %sign3A_748, %sign3A_755 : i32
    %rem3A_757 = arith.remsi %add3A_739, %jit3A_740 : i32
    %ne3A_758 = arith.constant 0 : i32
    %ne3A_759 = arith.cmpi ne, %rem3A_757, %ne3A_758 : i32
    %and3A_760 = arith.andi %ne3A_756, %ne3A_759 : i1
    %sub3A_761 = arith.constant 1 : i32
    %sub3A_762 = arith.subi %div3A_741, %sub3A_761 : i32
    %select_n3A_763 = arith.select %and3A_760, %sub3A_762, %div3A_741 : i32
    %jit3A_764 = arith.constant 3 : i32
    %eq3A_765 = arith.constant 0 : i32
    %eq3A_766 = arith.cmpi eq, %jit3A_764, %eq3A_765 : i32
    %jit3A_767 = arith.constant 1 : i32
    %select_n3A_768 = arith.select %eq3A_766, %jit3A_767, %jit3A_764 : i32
    %rem3A_769 = arith.remsi %select_n3A_763, %select_n3A_768 : i32
    %ne3A_770 = arith.constant 0 : i32
    %ne3A_771 = arith.cmpi ne, %rem3A_769, %ne3A_770 : i32
    %lt3A_772 = arith.constant 0 : i32
    %lt3A_773 = arith.cmpi slt, %rem3A_769, %lt3A_772 : i32
    %lt3A_774 = arith.constant 0 : i32
    %lt3A_775 = arith.cmpi slt, %select_n3A_768, %lt3A_774 : i32
    %ne3A_776 = arith.xori %lt3A_773, %lt3A_775 : i1
    %and3A_777 = arith.andi %ne3A_776, %ne3A_771 : i1
    %add3A_778 = arith.addi %rem3A_769, %select_n3A_768 : i32
    %select_n3A_779 = arith.select %and3A_777, %add3A_778, %rem3A_769 : i32
    %get3A = arith.constant 0 : index
    %get3A_780 = tpu.vector_load %arg6[%get3A] {strides = array<i32>} : memref<768xi32, #tpu.memory_space<vmem>>, vector<16xi32>,
    %get3A_781 = vector.shape_cast %get3A_780 : vector<16xi32> to vector<16xi32>
    %mul3A_782 = arith.constant 16 : i32
    %mul3A_783 = arith.muli %select_n3A_779, %mul3A_782 : i32
    %add3A_784 = vector.broadcast %mul3A_783 : i32 to vector<16xi32>
    %add3A_785 = arith.addi %get3A_781, %add3A_784 : vector<16xi32>
    %swap3A_786 = arith.constant 0 : i32
    %swap3A_787 = arith.index_cast %swap3A_786 : i32 to index
    %swap3A_788 = arith.constant 0 : index
    %swap3A_789 = tpu.vector_load %arg7[%swap3A_787, %swap3A_788] {strides = array<i32>} : memref<6x128xi32, #tpu.memory_space<vmem>>, vector<1x16xi32>,
    %swap3A_790 = vector.shape_cast %swap3A_789 : vector<1x16xi32> to vector<16xi32>
    %swap3A_791 = vector.shape_cast %add3A_785 : vector<16xi32> to vector<1x16xi32>
    tpu.vector_store %arg7[%swap3A_787, %swap3A_788], %swap3A_791 {strides = array<i32>} : memref<6x128xi32, #tpu.memory_space<vmem>>, vector<1x16xi32>,
    %get3A_792 = arith.constant 16 : index
    %get3A_793 = tpu.vector_load %arg6[%get3A_792] {strides = array<i32>} : memref<768xi32, #tpu.memory_space<vmem>>, vector<16xi32>,
    %get3A_794 = vector.shape_cast %get3A_793 : vector<16xi32> to vector<16xi32>
    %mul3A_795 = arith.constant 16 : i32
    %mul3A_796 = arith.muli %select_n3A_779, %mul3A_795 : i32
    %add3A_797 = vector.broadcast %mul3A_796 : i32 to vector<16xi32>
    %add3A_798 = arith.addi %get3A_794, %add3A_797 : vector<16xi32>
    %swap3A_799 = arith.constant 0 : i32
    %swap3A_800 = arith.index_cast %swap3A_799 : i32 to index
    %swap3A_801 = arith.constant 16 : index
    %swap3A_802 = tpu.vector_load %arg7[%swap3A_800, %swap3A_801] {strides = array<i32>} : memref<6x128xi32, #tpu.memory_space<vmem>>, vector<1x16xi32>,
    %swap3A_803 = vector.shape_cast %swap3A_802 : vector<1x16xi32> to vector<16xi32>
    %swap3A_804 = vector.shape_cast %add3A_798 : vector<16xi32> to vector<1x16xi32>
    tpu.vector_store %arg7[%swap3A_800, %swap3A_801], %swap3A_804 {strides = array<i32>} : memref<6x128xi32, #tpu.memory_space<vmem>>, vector<1x16xi32>,
    %get3A_805 = arith.constant 32 : index
    %get3A_806 = tpu.vector_load %arg6[%get3A_805] {strides = array<i32>} : memref<768xi32, #tpu.memory_space<vmem>>, vector<16xi32>,
    %get3A_807 = vector.shape_cast %get3A_806 : vector<16xi32> to vector<16xi32>
    %mul3A_808 = arith.constant 16 : i32
    %mul3A_809 = arith.muli %select_n3A_779, %mul3A_808 : i32
    %add3A_810 = vector.broadcast %mul3A_809 : i32 to vector<16xi32>
    %add3A_811 = arith.addi %get3A_807, %add3A_810 : vector<16xi32>
    %swap3A_812 = arith.constant 0 : i32
    %swap3A_813 = arith.index_cast %swap3A_812 : i32 to index
    %swap3A_814 = arith.constant 32 : index
    %swap3A_815 = tpu.vector_load %arg7[%swap3A_813, %swap3A_814] {strides = array<i32>} : memref<6x128xi32, #tpu.memory_space<vmem>>, vector<1x16xi32>,
    %swap3A_816 = vector.shape_cast %swap3A_815 : vector<1x16xi32> to vector<16xi32>
    %swap3A_817 = vector.shape_cast %add3A_811 : vector<16xi32> to vector<1x16xi32>
    tpu.vector_store %arg7[%swap3A_813, %swap3A_814], %swap3A_817 {strides = array<i32>} : memref<6x128xi32, #tpu.memory_space<vmem>>, vector<1x16xi32>,
    %get3A_818 = arith.constant 48 : index
    %get3A_819 = tpu.vector_load %arg6[%get3A_818] {strides = array<i32>} : memref<768xi32, #tpu.memory_space<vmem>>, vector<16xi32>,
    %get3A_820 = vector.shape_cast %get3A_819 : vector<16xi32> to vector<16xi32>
    %mul3A_821 = arith.constant 16 : i32
    %mul3A_822 = arith.muli %select_n3A_779, %mul3A_821 : i32
    %add3A_823 = vector.broadcast %mul3A_822 : i32 to vector<16xi32>
    %add3A_824 = arith.addi %get3A_820, %add3A_823 : vector<16xi32>
    %swap3A_825 = arith.constant 0 : i32
    %swap3A_826 = arith.index_cast %swap3A_825 : i32 to index
    %swap3A_827 = arith.constant 48 : index
    %swap3A_828 = tpu.vector_load %arg7[%swap3A_826, %swap3A_827] {strides = array<i32>} : memref<6x128xi32, #tpu.memory_space<vmem>>, vector<1x16xi32>,
    %swap3A_829 = vector.shape_cast %swap3A_828 : vector<1x16xi32> to vector<16xi32>
    %swap3A_830 = vector.shape_cast %add3A_824 : vector<16xi32> to vector<1x16xi32>
    tpu.vector_store %arg7[%swap3A_826, %swap3A_827], %swap3A_830 {strides = array<i32>} : memref<6x128xi32, #tpu.memory_space<vmem>>, vector<1x16xi32>,
    %get3A_831 = arith.constant 64 : index
    %get3A_832 = tpu.vector_load %arg6[%get3A_831] {strides = array<i32>} : memref<768xi32, #tpu.memory_space<vmem>>, vector<16xi32>,
    %get3A_833 = vector.shape_cast %get3A_832 : vector<16xi32> to vector<16xi32>
    %mul3A_834 = arith.constant 16 : i32
    %mul3A_835 = arith.muli %select_n3A_779, %mul3A_834 : i32
    %add3A_836 = vector.broadcast %mul3A_835 : i32 to vector<16xi32>
    %add3A_837 = arith.addi %get3A_833, %add3A_836 : vector<16xi32>
    %swap3A_838 = arith.constant 0 : i32
    %swap3A_839 = arith.index_cast %swap3A_838 : i32 to index
    %swap3A_840 = arith.constant 64 : index
    %swap3A_841 = tpu.vector_load %arg7[%swap3A_839, %swap3A_840] {strides = array<i32>} : memref<6x128xi32, #tpu.memory_space<vmem>>, vector<1x16xi32>,
    %swap3A_842 = vector.shape_cast %swap3A_841 : vector<1x16xi32> to vector<16xi32>
    %swap3A_843 = vector.shape_cast %add3A_837 : vector<16xi32> to vector<1x16xi32>
    tpu.vector_store %arg7[%swap3A_839, %swap3A_840], %swap3A_843 {strides = array<i32>} : memref<6x128xi32, #tpu.memory_space<vmem>>, vector<1x16xi32>,
    %get3A_844 = arith.constant 80 : index
    %get3A_845 = tpu.vector_load %arg6[%get3A_844] {strides = array<i32>} : memref<768xi32, #tpu.memory_space<vmem>>, vector<16xi32>,
    %get3A_846 = vector.shape_cast %get3A_845 : vector<16xi32> to vector<16xi32>
    %mul3A_847 = arith.constant 16 : i32
    %mul3A_848 = arith.muli %select_n3A_779, %mul3A_847 : i32
    %add3A_849 = vector.broadcast %mul3A_848 : i32 to vector<16xi32>
    %add3A_850 = arith.addi %get3A_846, %add3A_849 : vector<16xi32>
    %swap3A_851 = arith.constant 0 : i32
    %swap3A_852 = arith.index_cast %swap3A_851 : i32 to index
    %swap3A_853 = arith.constant 80 : index
    %swap3A_854 = tpu.vector_load %arg7[%swap3A_852, %swap3A_853] {strides = array<i32>} : memref<6x128xi32, #tpu.memory_space<vmem>>, vector<1x16xi32>,
    %swap3A_855 = vector.shape_cast %swap3A_854 : vector<1x16xi32> to vector<16xi32>
    %swap3A_856 = vector.shape_cast %add3A_850 : vector<16xi32> to vector<1x16xi32>
    tpu.vector_store %arg7[%swap3A_852, %swap3A_853], %swap3A_856 {strides = array<i32>} : memref<6x128xi32, #tpu.memory_space<vmem>>, vector<1x16xi32>,
    %get3A_857 = arith.constant 96 : index
    %get3A_858 = tpu.vector_load %arg6[%get3A_857] {strides = array<i32>} : memref<768xi32, #tpu.memory_space<vmem>>, vector<16xi32>,
    %get3A_859 = vector.shape_cast %get3A_858 : vector<16xi32> to vector<16xi32>
    %mul3A_860 = arith.constant 16 : i32
    %mul3A_861 = arith.muli %select_n3A_779, %mul3A_860 : i32
    %add3A_862 = vector.broadcast %mul3A_861 : i32 to vector<16xi32>
    %add3A_863 = arith.addi %get3A_859, %add3A_862 : vector<16xi32>
    %swap3A_864 = arith.constant 0 : i32
    %swap3A_865 = arith.index_cast %swap3A_864 : i32 to index
    %swap3A_866 = arith.constant 96 : index
    %swap3A_867 = tpu.vector_load %arg7[%swap3A_865, %swap3A_866] {strides = array<i32>} : memref<6x128xi32, #tpu.memory_space<vmem>>, vector<1x16xi32>,
    %swap3A_868 = vector.shape_cast %swap3A_867 : vector<1x16xi32> to vector<16xi32>
    %swap3A_869 = vector.shape_cast %add3A_863 : vector<16xi32> to vector<1x16xi32>
    tpu.vector_store %arg7[%swap3A_865, %swap3A_866], %swap3A_869 {strides = array<i32>} : memref<6x128xi32, #tpu.memory_space<vmem>>, vector<1x16xi32>,
    %get3A_870 = arith.constant 112 : index
    %get3A_871 = tpu.vector_load %arg6[%get3A_870] {strides = array<i32>} : memref<768xi32, #tpu.memory_space<vmem>>, vector<16xi32>,
    %get3A_872 = vector.shape_cast %get3A_871 : vector<16xi32> to vector<16xi32>
    %mul3A_873 = arith.constant 16 : i32
    %mul3A_874 = arith.muli %select_n3A_779, %mul3A_873 : i32
    %add3A_875 = vector.broadcast %mul3A_874 : i32 to vector<16xi32>
    %add3A_876 = arith.addi %get3A_872, %add3A_875 : vector<16xi32>
    %swap3A_877 = arith.constant 0 : i32
    %swap3A_878 = arith.index_cast %swap3A_877 : i32 to index
    %swap3A_879 = arith.constant 112 : index
    %swap3A_880 = tpu.vector_load %arg7[%swap3A_878, %swap3A_879] {strides = array<i32>} : memref<6x128xi32, #tpu.memory_space<vmem>>, vector<1x16xi32>,
    %swap3A_881 = vector.shape_cast %swap3A_880 : vector<1x16xi32> to vector<16xi32>
    %swap3A_882 = vector.shape_cast %add3A_876 : vector<16xi32> to vector<1x16xi32>
    tpu.vector_store %arg7[%swap3A_878, %swap3A_879], %swap3A_882 {strides = array<i32>} : memref<6x128xi32, #tpu.memory_space<vmem>>, vector<1x16xi32>,
    %add3A_883 = arith.constant 1 : i32
    %add3A_884 = arith.addi %mul3A_2, %add3A_883 : i32
    %jit3A_885 = arith.constant 32 : i32
    %div3A_886 = arith.divsi %add3A_884, %jit3A_885 : i32
    %sign3A_887 = arith.constant 0 : i32
    %sign3A_888 = arith.cmpi sgt, %add3A_884, %sign3A_887 : i32
    %sign3A_889 = arith.extui %sign3A_888 : i1 to i32
    %sign3A_890 = arith.constant 0 : i32
    %sign3A_891 = arith.cmpi slt, %add3A_884, %sign3A_890 : i32
    %sign3A_892 = arith.extui %sign3A_891 : i1 to i32
    %sign3A_893 = arith.subi %sign3A_889, %sign3A_892 : i32
    %sign3A_894 = arith.constant 0 : i32
    %sign3A_895 = arith.cmpi sgt, %jit3A_885, %sign3A_894 : i32
    %sign3A_896 = arith.extui %sign3A_895 : i1 to i32
    %sign3A_897 = arith.constant 0 : i32
    %sign3A_898 = arith.cmpi slt, %jit3A_885, %sign3A_897 : i32
    %sign3A_899 = arith.extui %sign3A_898 : i1 to i32
    %sign3A_900 = arith.subi %sign3A_896, %sign3A_899 : i32
    %ne3A_901 = arith.cmpi ne, %sign3A_893, %sign3A_900 : i32
    %rem3A_902 = arith.remsi %add3A_884, %jit3A_885 : i32
    %ne3A_903 = arith.constant 0 : i32
    %ne3A_904 = arith.cmpi ne, %rem3A_902, %ne3A_903 : i32
    %and3A_905 = arith.andi %ne3A_901, %ne3A_904 : i1
    %sub3A_906 = arith.constant 1 : i32
    %sub3A_907 = arith.subi %div3A_886, %sub3A_906 : i32
    %select_n3A_908 = arith.select %and3A_905, %sub3A_907, %div3A_886 : i32
    %jit3A_909 = arith.constant 3 : i32
    %eq3A_910 = arith.constant 0 : i32
    %eq3A_911 = arith.cmpi eq, %jit3A_909, %eq3A_910 : i32
    %jit3A_912 = arith.constant 1 : i32
    %select_n3A_913 = arith.select %eq3A_911, %jit3A_912, %jit3A_909 : i32
    %rem3A_914 = arith.remsi %select_n3A_908, %select_n3A_913 : i32
    %ne3A_915 = arith.constant 0 : i32
    %ne3A_916 = arith.cmpi ne, %rem3A_914, %ne3A_915 : i32
    %lt3A_917 = arith.constant 0 : i32
    %lt3A_918 = arith.cmpi slt, %rem3A_914, %lt3A_917 : i32
    %lt3A_919 = arith.constant 0 : i32
    %lt3A_920 = arith.cmpi slt, %select_n3A_913, %lt3A_919 : i32
    %ne3A_921 = arith.xori %lt3A_918, %lt3A_920 : i1
    %and3A_922 = arith.andi %ne3A_921, %ne3A_916 : i1
    %add3A_923 = arith.addi %rem3A_914, %select_n3A_913 : i32
    %select_n3A_924 = arith.select %and3A_922, %add3A_923, %rem3A_914 : i32
    %get3A_925 = arith.constant 128 : index
    %get3A_926 = tpu.vector_load %arg6[%get3A_925] {strides = array<i32>} : memref<768xi32, #tpu.memory_space<vmem>>, vector<16xi32>,
    %get3A_927 = vector.shape_cast %get3A_926 : vector<16xi32> to vector<16xi32>
    %mul3A_928 = arith.constant 16 : i32
    %mul3A_929 = arith.muli %select_n3A_924, %mul3A_928 : i32
    %add3A_930 = vector.broadcast %mul3A_929 : i32 to vector<16xi32>
    %add3A_931 = arith.addi %get3A_927, %add3A_930 : vector<16xi32>
    %swap3A_932 = arith.constant 1 : i32
    %swap3A_933 = arith.index_cast %swap3A_932 : i32 to index
    %swap3A_934 = arith.constant 0 : index
    %swap3A_935 = tpu.vector_load %arg7[%swap3A_933, %swap3A_934] {strides = array<i32>} : memref<6x128xi32, #tpu.memory_space<vmem>>, vector<1x16xi32>,
    %swap3A_936 = vector.shape_cast %swap3A_935 : vector<1x16xi32> to vector<16xi32>
    %swap3A_937 = vector.shape_cast %add3A_931 : vector<16xi32> to vector<1x16xi32>
    tpu.vector_store %arg7[%swap3A_933, %swap3A_934], %swap3A_937 {strides = array<i32>} : memref<6x128xi32, #tpu.memory_space<vmem>>, vector<1x16xi32>,
    %get3A_938 = arith.constant 144 : index
    %get3A_939 = tpu.vector_load %arg6[%get3A_938] {strides = array<i32>} : memref<768xi32, #tpu.memory_space<vmem>>, vector<16xi32>,
    %get3A_940 = vector.shape_cast %get3A_939 : vector<16xi32> to vector<16xi32>
    %mul3A_941 = arith.constant 16 : i32
    %mul3A_942 = arith.muli %select_n3A_924, %mul3A_941 : i32
    %add3A_943 = vector.broadcast %mul3A_942 : i32 to vector<16xi32>
    %add3A_944 = arith.addi %get3A_940, %add3A_943 : vector<16xi32>
    %swap3A_945 = arith.constant 1 : i32
    %swap3A_946 = arith.index_cast %swap3A_945 : i32 to index
    %swap3A_947 = arith.constant 16 : index
    %swap3A_948 = tpu.vector_load %arg7[%swap3A_946, %swap3A_947] {strides = array<i32>} : memref<6x128xi32, #tpu.memory_space<vmem>>, vector<1x16xi32>,
    %swap3A_949 = vector.shape_cast %swap3A_948 : vector<1x16xi32> to vector<16xi32>
    %swap3A_950 = vector.shape_cast %add3A_944 : vector<16xi32> to vector<1x16xi32>
    tpu.vector_store %arg7[%swap3A_946, %swap3A_947], %swap3A_950 {strides = array<i32>} : memref<6x128xi32, #tpu.memory_space<vmem>>, vector<1x16xi32>,
    %get3A_951 = arith.constant 160 : index
    %get3A_952 = tpu.vector_load %arg6[%get3A_951] {strides = array<i32>} : memref<768xi32, #tpu.memory_space<vmem>>, vector<16xi32>,
    %get3A_953 = vector.shape_cast %get3A_952 : vector<16xi32> to vector<16xi32>
    %mul3A_954 = arith.constant 16 : i32
    %mul3A_955 = arith.muli %select_n3A_924, %mul3A_954 : i32
    %add3A_956 = vector.broadcast %mul3A_955 : i32 to vector<16xi32>
    %add3A_957 = arith.addi %get3A_953, %add3A_956 : vector<16xi32>
    %swap3A_958 = arith.constant 1 : i32
    %swap3A_959 = arith.index_cast %swap3A_958 : i32 to index
    %swap3A_960 = arith.constant 32 : index
    %swap3A_961 = tpu.vector_load %arg7[%swap3A_959, %swap3A_960] {strides = array<i32>} : memref<6x128xi32, #tpu.memory_space<vmem>>, vector<1x16xi32>,
    %swap3A_962 = vector.shape_cast %swap3A_961 : vector<1x16xi32> to vector<16xi32>
    %swap3A_963 = vector.shape_cast %add3A_957 : vector<16xi32> to vector<1x16xi32>
    tpu.vector_store %arg7[%swap3A_959, %swap3A_960], %swap3A_963 {strides = array<i32>} : memref<6x128xi32, #tpu.memory_space<vmem>>, vector<1x16xi32>,
    %get3A_964 = arith.constant 176 : index
    %get3A_965 = tpu.vector_load %arg6[%get3A_964] {strides = array<i32>} : memref<768xi32, #tpu.memory_space<vmem>>, vector<16xi32>,
    %get3A_966 = vector.shape_cast %get3A_965 : vector<16xi32> to vector<16xi32>
    %mul3A_967 = arith.constant 16 : i32
    %mul3A_968 = arith.muli %select_n3A_924, %mul3A_967 : i32
    %add3A_969 = vector.broadcast %mul3A_968 : i32 to vector<16xi32>
    %add3A_970 = arith.addi %get3A_966, %add3A_969 : vector<16xi32>
    %swap3A_971 = arith.constant 1 : i32
    %swap3A_972 = arith.index_cast %swap3A_971 : i32 to index
    %swap3A_973 = arith.constant 48 : index
    %swap3A_974 = tpu.vector_load %arg7[%swap3A_972, %swap3A_973] {strides = array<i32>} : memref<6x128xi32, #tpu.memory_space<vmem>>, vector<1x16xi32>,
    %swap3A_975 = vector.shape_cast %swap3A_974 : vector<1x16xi32> to vector<16xi32>
    %swap3A_976 = vector.shape_cast %add3A_970 : vector<16xi32> to vector<1x16xi32>
    tpu.vector_store %arg7[%swap3A_972, %swap3A_973], %swap3A_976 {strides = array<i32>} : memref<6x128xi32, #tpu.memory_space<vmem>>, vector<1x16xi32>,
    %get3A_977 = arith.constant 192 : index
    %get3A_978 = tpu.vector_load %arg6[%get3A_977] {strides = array<i32>} : memref<768xi32, #tpu.memory_space<vmem>>, vector<16xi32>,
    %get3A_979 = vector.shape_cast %get3A_978 : vector<16xi32> to vector<16xi32>
    %mul3A_980 = arith.constant 16 : i32
    %mul3A_981 = arith.muli %select_n3A_924, %mul3A_980 : i32
    %add3A_982 = vector.broadcast %mul3A_981 : i32 to vector<16xi32>
    %add3A_983 = arith.addi %get3A_979, %add3A_982 : vector<16xi32>
    %swap3A_984 = arith.constant 1 : i32
    %swap3A_985 = arith.index_cast %swap3A_984 : i32 to index
    %swap3A_986 = arith.constant 64 : index
    %swap3A_987 = tpu.vector_load %arg7[%swap3A_985, %swap3A_986] {strides = array<i32>} : memref<6x128xi32, #tpu.memory_space<vmem>>, vector<1x16xi32>,
    %swap3A_988 = vector.shape_cast %swap3A_987 : vector<1x16xi32> to vector<16xi32>
    %swap3A_989 = vector.shape_cast %add3A_983 : vector<16xi32> to vector<1x16xi32>
    tpu.vector_store %arg7[%swap3A_985, %swap3A_986], %swap3A_989 {strides = array<i32>} : memref<6x128xi32, #tpu.memory_space<vmem>>, vector<1x16xi32>,
    %get3A_990 = arith.constant 208 : index
    %get3A_991 = tpu.vector_load %arg6[%get3A_990] {strides = array<i32>} : memref<768xi32, #tpu.memory_space<vmem>>, vector<16xi32>,
    %get3A_992 = vector.shape_cast %get3A_991 : vector<16xi32> to vector<16xi32>
    %mul3A_993 = arith.constant 16 : i32
    %mul3A_994 = arith.muli %select_n3A_924, %mul3A_993 : i32
    %add3A_995 = vector.broadcast %mul3A_994 : i32 to vector<16xi32>
    %add3A_996 = arith.addi %get3A_992, %add3A_995 : vector<16xi32>
    %swap3A_997 = arith.constant 1 : i32
    %swap3A_998 = arith.index_cast %swap3A_997 : i32 to index
    %swap3A_999 = arith.constant 80 : index
    %swap3A_1000 = tpu.vector_load %arg7[%swap3A_998, %swap3A_999] {strides = array<i32>} : memref<6x128xi32, #tpu.memory_space<vmem>>, vector<1x16xi32>,
    %swap3A_1001 = vector.shape_cast %swap3A_1000 : vector<1x16xi32> to vector<16xi32>
    %swap3A_1002 = vector.shape_cast %add3A_996 : vector<16xi32> to vector<1x16xi32>
    tpu.vector_store %arg7[%swap3A_998, %swap3A_999], %swap3A_1002 {strides = array<i32>} : memref<6x128xi32, #tpu.memory_space<vmem>>, vector<1x16xi32>,
    %get3A_1003 = arith.constant 224 : index
    %get3A_1004 = tpu.vector_load %arg6[%get3A_1003] {strides = array<i32>} : memref<768xi32, #tpu.memory_space<vmem>>, vector<16xi32>,
    %get3A_1005 = vector.shape_cast %get3A_1004 : vector<16xi32> to vector<16xi32>
    %mul3A_1006 = arith.constant 16 : i32
    %mul3A_1007 = arith.muli %select_n3A_924, %mul3A_1006 : i32
    %add3A_1008 = vector.broadcast %mul3A_1007 : i32 to vector<16xi32>
    %add3A_1009 = arith.addi %get3A_1005, %add3A_1008 : vector<16xi32>
    %swap3A_1010 = arith.constant 1 : i32
    %swap3A_1011 = arith.index_cast %swap3A_1010 : i32 to index
    %swap3A_1012 = arith.constant 96 : index
    %swap3A_1013 = tpu.vector_load %arg7[%swap3A_1011, %swap3A_1012] {strides = array<i32>} : memref<6x128xi32, #tpu.memory_space<vmem>>, vector<1x16xi32>,
    %swap3A_1014 = vector.shape_cast %swap3A_1013 : vector<1x16xi32> to vector<16xi32>
    %swap3A_1015 = vector.shape_cast %add3A_1009 : vector<16xi32> to vector<1x16xi32>
    tpu.vector_store %arg7[%swap3A_1011, %swap3A_1012], %swap3A_1015 {strides = array<i32>} : memref<6x128xi32, #tpu.memory_space<vmem>>, vector<1x16xi32>,
    %get3A_1016 = arith.constant 240 : index
    %get3A_1017 = tpu.vector_load %arg6[%get3A_1016] {strides = array<i32>} : memref<768xi32, #tpu.memory_space<vmem>>, vector<16xi32>,
    %get3A_1018 = vector.shape_cast %get3A_1017 : vector<16xi32> to vector<16xi32>
    %mul3A_1019 = arith.constant 16 : i32
    %mul3A_1020 = arith.muli %select_n3A_924, %mul3A_1019 : i32
    %add3A_1021 = vector.broadcast %mul3A_1020 : i32 to vector<16xi32>
    %add3A_1022 = arith.addi %get3A_1018, %add3A_1021 : vector<16xi32>
    %swap3A_1023 = arith.constant 1 : i32
    %swap3A_1024 = arith.index_cast %swap3A_1023 : i32 to index
    %swap3A_1025 = arith.constant 112 : index
    %swap3A_1026 = tpu.vector_load %arg7[%swap3A_1024, %swap3A_1025] {strides = array<i32>} : memref<6x128xi32, #tpu.memory_space<vmem>>, vector<1x16xi32>,
    %swap3A_1027 = vector.shape_cast %swap3A_1026 : vector<1x16xi32> to vector<16xi32>
    %swap3A_1028 = vector.shape_cast %add3A_1022 : vector<16xi32> to vector<1x16xi32>
    tpu.vector_store %arg7[%swap3A_1024, %swap3A_1025], %swap3A_1028 {strides = array<i32>} : memref<6x128xi32, #tpu.memory_space<vmem>>, vector<1x16xi32>,
    %add3A_1029 = arith.constant 2 : i32
    %add3A_1030 = arith.addi %mul3A_2, %add3A_1029 : i32
    %jit3A_1031 = arith.constant 32 : i32
    %div3A_1032 = arith.divsi %add3A_1030, %jit3A_1031 : i32
    %sign3A_1033 = arith.constant 0 : i32
    %sign3A_1034 = arith.cmpi sgt, %add3A_1030, %sign3A_1033 : i32
    %sign3A_1035 = arith.extui %sign3A_1034 : i1 to i32
    %sign3A_1036 = arith.constant 0 : i32
    %sign3A_1037 = arith.cmpi slt, %add3A_1030, %sign3A_1036 : i32
    %sign3A_1038 = arith.extui %sign3A_1037 : i1 to i32
    %sign3A_1039 = arith.subi %sign3A_1035, %sign3A_1038 : i32
    %sign3A_1040 = arith.constant 0 : i32
    %sign3A_1041 = arith.cmpi sgt, %jit3A_1031, %sign3A_1040 : i32
    %sign3A_1042 = arith.extui %sign3A_1041 : i1 to i32
    %sign3A_1043 = arith.constant 0 : i32
    %sign3A_1044 = arith.cmpi slt, %jit3A_1031, %sign3A_1043 : i32
    %sign3A_1045 = arith.extui %sign3A_1044 : i1 to i32
    %sign3A_1046 = arith.subi %sign3A_1042, %sign3A_1045 : i32
    %ne3A_1047 = arith.cmpi ne, %sign3A_1039, %sign3A_1046 : i32
    %rem3A_1048 = arith.remsi %add3A_1030, %jit3A_1031 : i32
    %ne3A_1049 = arith.constant 0 : i32
    %ne3A_1050 = arith.cmpi ne, %rem3A_1048, %ne3A_1049 : i32
    %and3A_1051 = arith.andi %ne3A_1047, %ne3A_1050 : i1
    %sub3A_1052 = arith.constant 1 : i32
    %sub3A_1053 = arith.subi %div3A_1032, %sub3A_1052 : i32
    %select_n3A_1054 = arith.select %and3A_1051, %sub3A_1053, %div3A_1032 : i32
    %jit3A_1055 = arith.constant 3 : i32
    %eq3A_1056 = arith.constant 0 : i32
    %eq3A_1057 = arith.cmpi eq, %jit3A_1055, %eq3A_1056 : i32
    %jit3A_1058 = arith.constant 1 : i32
    %select_n3A_1059 = arith.select %eq3A_1057, %jit3A_1058, %jit3A_1055 : i32
    %rem3A_1060 = arith.remsi %select_n3A_1054, %select_n3A_1059 : i32
    %ne3A_1061 = arith.constant 0 : i32
    %ne3A_1062 = arith.cmpi ne, %rem3A_1060, %ne3A_1061 : i32
    %lt3A_1063 = arith.constant 0 : i32
    %lt3A_1064 = arith.cmpi slt, %rem3A_1060, %lt3A_1063 : i32
    %lt3A_1065 = arith.constant 0 : i32
    %lt3A_1066 = arith.cmpi slt, %select_n3A_1059, %lt3A_1065 : i32
    %ne3A_1067 = arith.xori %lt3A_1064, %lt3A_1066 : i1
    %and3A_1068 = arith.andi %ne3A_1067, %ne3A_1062 : i1
    %add3A_1069 = arith.addi %rem3A_1060, %select_n3A_1059 : i32
    %select_n3A_1070 = arith.select %and3A_1068, %add3A_1069, %rem3A_1060 : i32
    %get3A_1071 = arith.constant 256 : index
    %get3A_1072 = tpu.vector_load %arg6[%get3A_1071] {strides = array<i32>} : memref<768xi32, #tpu.memory_space<vmem>>, vector<16xi32>,
    %get3A_1073 = vector.shape_cast %get3A_1072 : vector<16xi32> to vector<16xi32>
    %mul3A_1074 = arith.constant 16 : i32
    %mul3A_1075 = arith.muli %select_n3A_1070, %mul3A_1074 : i32
    %add3A_1076 = vector.broadcast %mul3A_1075 : i32 to vector<16xi32>
    %add3A_1077 = arith.addi %get3A_1073, %add3A_1076 : vector<16xi32>
    %swap3A_1078 = arith.constant 2 : i32
    %swap3A_1079 = arith.index_cast %swap3A_1078 : i32 to index
    %swap3A_1080 = arith.constant 0 : index
    %swap3A_1081 = tpu.vector_load %arg7[%swap3A_1079, %swap3A_1080] {strides = array<i32>} : memref<6x128xi32, #tpu.memory_space<vmem>>, vector<1x16xi32>,
    %swap3A_1082 = vector.shape_cast %swap3A_1081 : vector<1x16xi32> to vector<16xi32>
    %swap3A_1083 = vector.shape_cast %add3A_1077 : vector<16xi32> to vector<1x16xi32>
    tpu.vector_store %arg7[%swap3A_1079, %swap3A_1080], %swap3A_1083 {strides = array<i32>} : memref<6x128xi32, #tpu.memory_space<vmem>>, vector<1x16xi32>,
    %get3A_1084 = arith.constant 272 : index
    %get3A_1085 = tpu.vector_load %arg6[%get3A_1084] {strides = array<i32>} : memref<768xi32, #tpu.memory_space<vmem>>, vector<16xi32>,
    %get3A_1086 = vector.shape_cast %get3A_1085 : vector<16xi32> to vector<16xi32>
    %mul3A_1087 = arith.constant 16 : i32
    %mul3A_1088 = arith.muli %select_n3A_1070, %mul3A_1087 : i32
    %add3A_1089 = vector.broadcast %mul3A_1088 : i32 to vector<16xi32>
    %add3A_1090 = arith.addi %get3A_1086, %add3A_1089 : vector<16xi32>
    %swap3A_1091 = arith.constant 2 : i32
    %swap3A_1092 = arith.index_cast %swap3A_1091 : i32 to index
    %swap3A_1093 = arith.constant 16 : index
    %swap3A_1094 = tpu.vector_load %arg7[%swap3A_1092, %swap3A_1093] {strides = array<i32>} : memref<6x128xi32, #tpu.memory_space<vmem>>, vector<1x16xi32>,
    %swap3A_1095 = vector.shape_cast %swap3A_1094 : vector<1x16xi32> to vector<16xi32>
    %swap3A_1096 = vector.shape_cast %add3A_1090 : vector<16xi32> to vector<1x16xi32>
    tpu.vector_store %arg7[%swap3A_1092, %swap3A_1093], %swap3A_1096 {strides = array<i32>} : memref<6x128xi32, #tpu.memory_space<vmem>>, vector<1x16xi32>,
    %get3A_1097 = arith.constant 288 : index
    %get3A_1098 = tpu.vector_load %arg6[%get3A_1097] {strides = array<i32>} : memref<768xi32, #tpu.memory_space<vmem>>, vector<16xi32>,
    %get3A_1099 = vector.shape_cast %get3A_1098 : vector<16xi32> to vector<16xi32>
    %mul3A_1100 = arith.constant 16 : i32
    %mul3A_1101 = arith.muli %select_n3A_1070, %mul3A_1100 : i32
    %add3A_1102 = vector.broadcast %mul3A_1101 : i32 to vector<16xi32>
    %add3A_1103 = arith.addi %get3A_1099, %add3A_1102 : vector<16xi32>
    %swap3A_1104 = arith.constant 2 : i32
    %swap3A_1105 = arith.index_cast %swap3A_1104 : i32 to index
    %swap3A_1106 = arith.constant 32 : index
    %swap3A_1107 = tpu.vector_load %arg7[%swap3A_1105, %swap3A_1106] {strides = array<i32>} : memref<6x128xi32, #tpu.memory_space<vmem>>, vector<1x16xi32>,
    %swap3A_1108 = vector.shape_cast %swap3A_1107 : vector<1x16xi32> to vector<16xi32>
    %swap3A_1109 = vector.shape_cast %add3A_1103 : vector<16xi32> to vector<1x16xi32>
    tpu.vector_store %arg7[%swap3A_1105, %swap3A_1106], %swap3A_1109 {strides = array<i32>} : memref<6x128xi32, #tpu.memory_space<vmem>>, vector<1x16xi32>,
    %get3A_1110 = arith.constant 304 : index
    %get3A_1111 = tpu.vector_load %arg6[%get3A_1110] {strides = array<i32>} : memref<768xi32, #tpu.memory_space<vmem>>, vector<16xi32>,
    %get3A_1112 = vector.shape_cast %get3A_1111 : vector<16xi32> to vector<16xi32>
    %mul3A_1113 = arith.constant 16 : i32
    %mul3A_1114 = arith.muli %select_n3A_1070, %mul3A_1113 : i32
    %add3A_1115 = vector.broadcast %mul3A_1114 : i32 to vector<16xi32>
    %add3A_1116 = arith.addi %get3A_1112, %add3A_1115 : vector<16xi32>
    %swap3A_1117 = arith.constant 2 : i32
    %swap3A_1118 = arith.index_cast %swap3A_1117 : i32 to index
    %swap3A_1119 = arith.constant 48 : index
    %swap3A_1120 = tpu.vector_load %arg7[%swap3A_1118, %swap3A_1119] {strides = array<i32>} : memref<6x128xi32, #tpu.memory_space<vmem>>, vector<1x16xi32>,
    %swap3A_1121 = vector.shape_cast %swap3A_1120 : vector<1x16xi32> to vector<16xi32>
    %swap3A_1122 = vector.shape_cast %add3A_1116 : vector<16xi32> to vector<1x16xi32>
    tpu.vector_store %arg7[%swap3A_1118, %swap3A_1119], %swap3A_1122 {strides = array<i32>} : memref<6x128xi32, #tpu.memory_space<vmem>>, vector<1x16xi32>,
    %get3A_1123 = arith.constant 320 : index
    %get3A_1124 = tpu.vector_load %arg6[%get3A_1123] {strides = array<i32>} : memref<768xi32, #tpu.memory_space<vmem>>, vector<16xi32>,
    %get3A_1125 = vector.shape_cast %get3A_1124 : vector<16xi32> to vector<16xi32>
    %mul3A_1126 = arith.constant 16 : i32
    %mul3A_1127 = arith.muli %select_n3A_1070, %mul3A_1126 : i32
    %add3A_1128 = vector.broadcast %mul3A_1127 : i32 to vector<16xi32>
    %add3A_1129 = arith.addi %get3A_1125, %add3A_1128 : vector<16xi32>
    %swap3A_1130 = arith.constant 2 : i32
    %swap3A_1131 = arith.index_cast %swap3A_1130 : i32 to index
    %swap3A_1132 = arith.constant 64 : index
    %swap3A_1133 = tpu.vector_load %arg7[%swap3A_1131, %swap3A_1132] {strides = array<i32>} : memref<6x128xi32, #tpu.memory_space<vmem>>, vector<1x16xi32>,
    %swap3A_1134 = vector.shape_cast %swap3A_1133 : vector<1x16xi32> to vector<16xi32>
    %swap3A_1135 = vector.shape_cast %add3A_1129 : vector<16xi32> to vector<1x16xi32>
    tpu.vector_store %arg7[%swap3A_1131, %swap3A_1132], %swap3A_1135 {strides = array<i32>} : memref<6x128xi32, #tpu.memory_space<vmem>>, vector<1x16xi32>,
    %get3A_1136 = arith.constant 336 : index
    %get3A_1137 = tpu.vector_load %arg6[%get3A_1136] {strides = array<i32>} : memref<768xi32, #tpu.memory_space<vmem>>, vector<16xi32>,
    %get3A_1138 = vector.shape_cast %get3A_1137 : vector<16xi32> to vector<16xi32>
    %mul3A_1139 = arith.constant 16 : i32
    %mul3A_1140 = arith.muli %select_n3A_1070, %mul3A_1139 : i32
    %add3A_1141 = vector.broadcast %mul3A_1140 : i32 to vector<16xi32>
    %add3A_1142 = arith.addi %get3A_1138, %add3A_1141 : vector<16xi32>
    %swap3A_1143 = arith.constant 2 : i32
    %swap3A_1144 = arith.index_cast %swap3A_1143 : i32 to index
    %swap3A_1145 = arith.constant 80 : index
    %swap3A_1146 = tpu.vector_load %arg7[%swap3A_1144, %swap3A_1145] {strides = array<i32>} : memref<6x128xi32, #tpu.memory_space<vmem>>, vector<1x16xi32>,
    %swap3A_1147 = vector.shape_cast %swap3A_1146 : vector<1x16xi32> to vector<16xi32>
    %swap3A_1148 = vector.shape_cast %add3A_1142 : vector<16xi32> to vector<1x16xi32>
    tpu.vector_store %arg7[%swap3A_1144, %swap3A_1145], %swap3A_1148 {strides = array<i32>} : memref<6x128xi32, #tpu.memory_space<vmem>>, vector<1x16xi32>,
    %get3A_1149 = arith.constant 352 : index
    %get3A_1150 = tpu.vector_load %arg6[%get3A_1149] {strides = array<i32>} : memref<768xi32, #tpu.memory_space<vmem>>, vector<16xi32>,
    %get3A_1151 = vector.shape_cast %get3A_1150 : vector<16xi32> to vector<16xi32>
    %mul3A_1152 = arith.constant 16 : i32
    %mul3A_1153 = arith.muli %select_n3A_1070, %mul3A_1152 : i32
    %add3A_1154 = vector.broadcast %mul3A_1153 : i32 to vector<16xi32>
    %add3A_1155 = arith.addi %get3A_1151, %add3A_1154 : vector<16xi32>
    %swap3A_1156 = arith.constant 2 : i32
    %swap3A_1157 = arith.index_cast %swap3A_1156 : i32 to index
    %swap3A_1158 = arith.constant 96 : index
    %swap3A_1159 = tpu.vector_load %arg7[%swap3A_1157, %swap3A_1158] {strides = array<i32>} : memref<6x128xi32, #tpu.memory_space<vmem>>, vector<1x16xi32>,
    %swap3A_1160 = vector.shape_cast %swap3A_1159 : vector<1x16xi32> to vector<16xi32>
    %swap3A_1161 = vector.shape_cast %add3A_1155 : vector<16xi32> to vector<1x16xi32>
    tpu.vector_store %arg7[%swap3A_1157, %swap3A_1158], %swap3A_1161 {strides = array<i32>} : memref<6x128xi32, #tpu.memory_space<vmem>>, vector<1x16xi32>,
    %get3A_1162 = arith.constant 368 : index
    %get3A_1163 = tpu.vector_load %arg6[%get3A_1162] {strides = array<i32>} : memref<768xi32, #tpu.memory_space<vmem>>, vector<16xi32>,
    %get3A_1164 = vector.shape_cast %get3A_1163 : vector<16xi32> to vector<16xi32>
    %mul3A_1165 = arith.constant 16 : i32
    %mul3A_1166 = arith.muli %select_n3A_1070, %mul3A_1165 : i32
    %add3A_1167 = vector.broadcast %mul3A_1166 : i32 to vector<16xi32>
    %add3A_1168 = arith.addi %get3A_1164, %add3A_1167 : vector<16xi32>
    %swap3A_1169 = arith.constant 2 : i32
    %swap3A_1170 = arith.index_cast %swap3A_1169 : i32 to index
    %swap3A_1171 = arith.constant 112 : index
    %swap3A_1172 = tpu.vector_load %arg7[%swap3A_1170, %swap3A_1171] {strides = array<i32>} : memref<6x128xi32, #tpu.memory_space<vmem>>, vector<1x16xi32>,
    %swap3A_1173 = vector.shape_cast %swap3A_1172 : vector<1x16xi32> to vector<16xi32>
    %swap3A_1174 = vector.shape_cast %add3A_1168 : vector<16xi32> to vector<1x16xi32>
    tpu.vector_store %arg7[%swap3A_1170, %swap3A_1171], %swap3A_1174 {strides = array<i32>} : memref<6x128xi32, #tpu.memory_space<vmem>>, vector<1x16xi32>,
    %add3A_1175 = arith.constant 3 : i32
    %add3A_1176 = arith.addi %mul3A_2, %add3A_1175 : i32
    %jit3A_1177 = arith.constant 32 : i32
    %div3A_1178 = arith.divsi %add3A_1176, %jit3A_1177 : i32
    %sign3A_1179 = arith.constant 0 : i32
    %sign3A_1180 = arith.cmpi sgt, %add3A_1176, %sign3A_1179 : i32
    %sign3A_1181 = arith.extui %sign3A_1180 : i1 to i32
    %sign3A_1182 = arith.constant 0 : i32
    %sign3A_1183 = arith.cmpi slt, %add3A_1176, %sign3A_1182 : i32
    %sign3A_1184 = arith.extui %sign3A_1183 : i1 to i32
    %sign3A_1185 = arith.subi %sign3A_1181, %sign3A_1184 : i32
    %sign3A_1186 = arith.constant 0 : i32
    %sign3A_1187 = arith.cmpi sgt, %jit3A_1177, %sign3A_1186 : i32
    %sign3A_1188 = arith.extui %sign3A_1187 : i1 to i32
    %sign3A_1189 = arith.constant 0 : i32
    %sign3A_1190 = arith.cmpi slt, %jit3A_1177, %sign3A_1189 : i32
    %sign3A_1191 = arith.extui %sign3A_1190 : i1 to i32
    %sign3A_1192 = arith.subi %sign3A_1188, %sign3A_1191 : i32
    %ne3A_1193 = arith.cmpi ne, %sign3A_1185, %sign3A_1192 : i32
    %rem3A_1194 = arith.remsi %add3A_1176, %jit3A_1177 : i32
    %ne3A_1195 = arith.constant 0 : i32
    %ne3A_1196 = arith.cmpi ne, %rem3A_1194, %ne3A_1195 : i32
    %and3A_1197 = arith.andi %ne3A_1193, %ne3A_1196 : i1
    %sub3A_1198 = arith.constant 1 : i32
    %sub3A_1199 = arith.subi %div3A_1178, %sub3A_1198 : i32
    %select_n3A_1200 = arith.select %and3A_1197, %sub3A_1199, %div3A_1178 : i32
    %jit3A_1201 = arith.constant 3 : i32
    %eq3A_1202 = arith.constant 0 : i32
    %eq3A_1203 = arith.cmpi eq, %jit3A_1201, %eq3A_1202 : i32
    %jit3A_1204 = arith.constant 1 : i32
    %select_n3A_1205 = arith.select %eq3A_1203, %jit3A_1204, %jit3A_1201 : i32
    %rem3A_1206 = arith.remsi %select_n3A_1200, %select_n3A_1205 : i32
    %ne3A_1207 = arith.constant 0 : i32
    %ne3A_1208 = arith.cmpi ne, %rem3A_1206, %ne3A_1207 : i32
    %lt3A_1209 = arith.constant 0 : i32
    %lt3A_1210 = arith.cmpi slt, %rem3A_1206, %lt3A_1209 : i32
    %lt3A_1211 = arith.constant 0 : i32
    %lt3A_1212 = arith.cmpi slt, %select_n3A_1205, %lt3A_1211 : i32
    %ne3A_1213 = arith.xori %lt3A_1210, %lt3A_1212 : i1
    %and3A_1214 = arith.andi %ne3A_1213, %ne3A_1208 : i1
    %add3A_1215 = arith.addi %rem3A_1206, %select_n3A_1205 : i32
    %select_n3A_1216 = arith.select %and3A_1214, %add3A_1215, %rem3A_1206 : i32
    %get3A_1217 = arith.constant 384 : index
    %get3A_1218 = tpu.vector_load %arg6[%get3A_1217] {strides = array<i32>} : memref<768xi32, #tpu.memory_space<vmem>>, vector<16xi32>,
    %get3A_1219 = vector.shape_cast %get3A_1218 : vector<16xi32> to vector<16xi32>
    %mul3A_1220 = arith.constant 16 : i32
    %mul3A_1221 = arith.muli %select_n3A_1216, %mul3A_1220 : i32
    %add3A_1222 = vector.broadcast %mul3A_1221 : i32 to vector<16xi32>
    %add3A_1223 = arith.addi %get3A_1219, %add3A_1222 : vector<16xi32>
    %swap3A_1224 = arith.constant 3 : i32
    %swap3A_1225 = arith.index_cast %swap3A_1224 : i32 to index
    %swap3A_1226 = arith.constant 0 : index
    %swap3A_1227 = tpu.vector_load %arg7[%swap3A_1225, %swap3A_1226] {strides = array<i32>} : memref<6x128xi32, #tpu.memory_space<vmem>>, vector<1x16xi32>,
    %swap3A_1228 = vector.shape_cast %swap3A_1227 : vector<1x16xi32> to vector<16xi32>
    %swap3A_1229 = vector.shape_cast %add3A_1223 : vector<16xi32> to vector<1x16xi32>
    tpu.vector_store %arg7[%swap3A_1225, %swap3A_1226], %swap3A_1229 {strides = array<i32>} : memref<6x128xi32, #tpu.memory_space<vmem>>, vector<1x16xi32>,
    %get3A_1230 = arith.constant 400 : index
    %get3A_1231 = tpu.vector_load %arg6[%get3A_1230] {strides = array<i32>} : memref<768xi32, #tpu.memory_space<vmem>>, vector<16xi32>,
    %get3A_1232 = vector.shape_cast %get3A_1231 : vector<16xi32> to vector<16xi32>
    %mul3A_1233 = arith.constant 16 : i32
    %mul3A_1234 = arith.muli %select_n3A_1216, %mul3A_1233 : i32
    %add3A_1235 = vector.broadcast %mul3A_1234 : i32 to vector<16xi32>
    %add3A_1236 = arith.addi %get3A_1232, %add3A_1235 : vector<16xi32>
    %swap3A_1237 = arith.constant 3 : i32
    %swap3A_1238 = arith.index_cast %swap3A_1237 : i32 to index
    %swap3A_1239 = arith.constant 16 : index
    %swap3A_1240 = tpu.vector_load %arg7[%swap3A_1238, %swap3A_1239] {strides = array<i32>} : memref<6x128xi32, #tpu.memory_space<vmem>>, vector<1x16xi32>,
    %swap3A_1241 = vector.shape_cast %swap3A_1240 : vector<1x16xi32> to vector<16xi32>
    %swap3A_1242 = vector.shape_cast %add3A_1236 : vector<16xi32> to vector<1x16xi32>
    tpu.vector_store %arg7[%swap3A_1238, %swap3A_1239], %swap3A_1242 {strides = array<i32>} : memref<6x128xi32, #tpu.memory_space<vmem>>, vector<1x16xi32>,
    %get3A_1243 = arith.constant 416 : index
    %get3A_1244 = tpu.vector_load %arg6[%get3A_1243] {strides = array<i32>} : memref<768xi32, #tpu.memory_space<vmem>>, vector<16xi32>,
    %get3A_1245 = vector.shape_cast %get3A_1244 : vector<16xi32> to vector<16xi32>
    %mul3A_1246 = arith.constant 16 : i32
    %mul3A_1247 = arith.muli %select_n3A_1216, %mul3A_1246 : i32
    %add3A_1248 = vector.broadcast %mul3A_1247 : i32 to vector<16xi32>
    %add3A_1249 = arith.addi %get3A_1245, %add3A_1248 : vector<16xi32>
    %swap3A_1250 = arith.constant 3 : i32
    %swap3A_1251 = arith.index_cast %swap3A_1250 : i32 to index
    %swap3A_1252 = arith.constant 32 : index
    %swap3A_1253 = tpu.vector_load %arg7[%swap3A_1251, %swap3A_1252] {strides = array<i32>} : memref<6x128xi32, #tpu.memory_space<vmem>>, vector<1x16xi32>,
    %swap3A_1254 = vector.shape_cast %swap3A_1253 : vector<1x16xi32> to vector<16xi32>
    %swap3A_1255 = vector.shape_cast %add3A_1249 : vector<16xi32> to vector<1x16xi32>
    tpu.vector_store %arg7[%swap3A_1251, %swap3A_1252], %swap3A_1255 {strides = array<i32>} : memref<6x128xi32, #tpu.memory_space<vmem>>, vector<1x16xi32>,
    %get3A_1256 = arith.constant 432 : index
    %get3A_1257 = tpu.vector_load %arg6[%get3A_1256] {strides = array<i32>} : memref<768xi32, #tpu.memory_space<vmem>>, vector<16xi32>,
    %get3A_1258 = vector.shape_cast %get3A_1257 : vector<16xi32> to vector<16xi32>
    %mul3A_1259 = arith.constant 16 : i32
    %mul3A_1260 = arith.muli %select_n3A_1216, %mul3A_1259 : i32
    %add3A_1261 = vector.broadcast %mul3A_1260 : i32 to vector<16xi32>
    %add3A_1262 = arith.addi %get3A_1258, %add3A_1261 : vector<16xi32>
    %swap3A_1263 = arith.constant 3 : i32
    %swap3A_1264 = arith.index_cast %swap3A_1263 : i32 to index
    %swap3A_1265 = arith.constant 48 : index
    %swap3A_1266 = tpu.vector_load %arg7[%swap3A_1264, %swap3A_1265] {strides = array<i32>} : memref<6x128xi32, #tpu.memory_space<vmem>>, vector<1x16xi32>,
    %swap3A_1267 = vector.shape_cast %swap3A_1266 : vector<1x16xi32> to vector<16xi32>
    %swap3A_1268 = vector.shape_cast %add3A_1262 : vector<16xi32> to vector<1x16xi32>
    tpu.vector_store %arg7[%swap3A_1264, %swap3A_1265], %swap3A_1268 {strides = array<i32>} : memref<6x128xi32, #tpu.memory_space<vmem>>, vector<1x16xi32>,
    %get3A_1269 = arith.constant 448 : index
    %get3A_1270 = tpu.vector_load %arg6[%get3A_1269] {strides = array<i32>} : memref<768xi32, #tpu.memory_space<vmem>>, vector<16xi32>,
    %get3A_1271 = vector.shape_cast %get3A_1270 : vector<16xi32> to vector<16xi32>
    %mul3A_1272 = arith.constant 16 : i32
    %mul3A_1273 = arith.muli %select_n3A_1216, %mul3A_1272 : i32
    %add3A_1274 = vector.broadcast %mul3A_1273 : i32 to vector<16xi32>
    %add3A_1275 = arith.addi %get3A_1271, %add3A_1274 : vector<16xi32>
    %swap3A_1276 = arith.constant 3 : i32
    %swap3A_1277 = arith.index_cast %swap3A_1276 : i32 to index
    %swap3A_1278 = arith.constant 64 : index
    %swap3A_1279 = tpu.vector_load %arg7[%swap3A_1277, %swap3A_1278] {strides = array<i32>} : memref<6x128xi32, #tpu.memory_space<vmem>>, vector<1x16xi32>,
    %swap3A_1280 = vector.shape_cast %swap3A_1279 : vector<1x16xi32> to vector<16xi32>
    %swap3A_1281 = vector.shape_cast %add3A_1275 : vector<16xi32> to vector<1x16xi32>
    tpu.vector_store %arg7[%swap3A_1277, %swap3A_1278], %swap3A_1281 {strides = array<i32>} : memref<6x128xi32, #tpu.memory_space<vmem>>, vector<1x16xi32>,
    %get3A_1282 = arith.constant 464 : index
    %get3A_1283 = tpu.vector_load %arg6[%get3A_1282] {strides = array<i32>} : memref<768xi32, #tpu.memory_space<vmem>>, vector<16xi32>,
    %get3A_1284 = vector.shape_cast %get3A_1283 : vector<16xi32> to vector<16xi32>
    %mul3A_1285 = arith.constant 16 : i32
    %mul3A_1286 = arith.muli %select_n3A_1216, %mul3A_1285 : i32
    %add3A_1287 = vector.broadcast %mul3A_1286 : i32 to vector<16xi32>
    %add3A_1288 = arith.addi %get3A_1284, %add3A_1287 : vector<16xi32>
    %swap3A_1289 = arith.constant 3 : i32
    %swap3A_1290 = arith.index_cast %swap3A_1289 : i32 to index
    %swap3A_1291 = arith.constant 80 : index
    %swap3A_1292 = tpu.vector_load %arg7[%swap3A_1290, %swap3A_1291] {strides = array<i32>} : memref<6x128xi32, #tpu.memory_space<vmem>>, vector<1x16xi32>,
    %swap3A_1293 = vector.shape_cast %swap3A_1292 : vector<1x16xi32> to vector<16xi32>
    %swap3A_1294 = vector.shape_cast %add3A_1288 : vector<16xi32> to vector<1x16xi32>
    tpu.vector_store %arg7[%swap3A_1290, %swap3A_1291], %swap3A_1294 {strides = array<i32>} : memref<6x128xi32, #tpu.memory_space<vmem>>, vector<1x16xi32>,
    %get3A_1295 = arith.constant 480 : index
    %get3A_1296 = tpu.vector_load %arg6[%get3A_1295] {strides = array<i32>} : memref<768xi32, #tpu.memory_space<vmem>>, vector<16xi32>,
    %get3A_1297 = vector.shape_cast %get3A_1296 : vector<16xi32> to vector<16xi32>
    %mul3A_1298 = arith.constant 16 : i32
    %mul3A_1299 = arith.muli %select_n3A_1216, %mul3A_1298 : i32
    %add3A_1300 = vector.broadcast %mul3A_1299 : i32 to vector<16xi32>
    %add3A_1301 = arith.addi %get3A_1297, %add3A_1300 : vector<16xi32>
    %swap3A_1302 = arith.constant 3 : i32
    %swap3A_1303 = arith.index_cast %swap3A_1302 : i32 to index
    %swap3A_1304 = arith.constant 96 : index
    %swap3A_1305 = tpu.vector_load %arg7[%swap3A_1303, %swap3A_1304] {strides = array<i32>} : memref<6x128xi32, #tpu.memory_space<vmem>>, vector<1x16xi32>,
    %swap3A_1306 = vector.shape_cast %swap3A_1305 : vector<1x16xi32> to vector<16xi32>
    %swap3A_1307 = vector.shape_cast %add3A_1301 : vector<16xi32> to vector<1x16xi32>
    tpu.vector_store %arg7[%swap3A_1303, %swap3A_1304], %swap3A_1307 {strides = array<i32>} : memref<6x128xi32, #tpu.memory_space<vmem>>, vector<1x16xi32>,
    %get3A_1308 = arith.constant 496 : index
    %get3A_1309 = tpu.vector_load %arg6[%get3A_1308] {strides = array<i32>} : memref<768xi32, #tpu.memory_space<vmem>>, vector<16xi32>,
    %get3A_1310 = vector.shape_cast %get3A_1309 : vector<16xi32> to vector<16xi32>
    %mul3A_1311 = arith.constant 16 : i32
    %mul3A_1312 = arith.muli %select_n3A_1216, %mul3A_1311 : i32
    %add3A_1313 = vector.broadcast %mul3A_1312 : i32 to vector<16xi32>
    %add3A_1314 = arith.addi %get3A_1310, %add3A_1313 : vector<16xi32>
    %swap3A_1315 = arith.constant 3 : i32
    %swap3A_1316 = arith.index_cast %swap3A_1315 : i32 to index
    %swap3A_1317 = arith.constant 112 : index
    %swap3A_1318 = tpu.vector_load %arg7[%swap3A_1316, %swap3A_1317] {strides = array<i32>} : memref<6x128xi32, #tpu.memory_space<vmem>>, vector<1x16xi32>,
    %swap3A_1319 = vector.shape_cast %swap3A_1318 : vector<1x16xi32> to vector<16xi32>
    %swap3A_1320 = vector.shape_cast %add3A_1314 : vector<16xi32> to vector<1x16xi32>
    tpu.vector_store %arg7[%swap3A_1316, %swap3A_1317], %swap3A_1320 {strides = array<i32>} : memref<6x128xi32, #tpu.memory_space<vmem>>, vector<1x16xi32>,
    %add3A_1321 = arith.constant 4 : i32
    %add3A_1322 = arith.addi %mul3A_2, %add3A_1321 : i32
    %jit3A_1323 = arith.constant 32 : i32
    %div3A_1324 = arith.divsi %add3A_1322, %jit3A_1323 : i32
    %sign3A_1325 = arith.constant 0 : i32
    %sign3A_1326 = arith.cmpi sgt, %add3A_1322, %sign3A_1325 : i32
    %sign3A_1327 = arith.extui %sign3A_1326 : i1 to i32
    %sign3A_1328 = arith.constant 0 : i32
    %sign3A_1329 = arith.cmpi slt, %add3A_1322, %sign3A_1328 : i32
    %sign3A_1330 = arith.extui %sign3A_1329 : i1 to i32
    %sign3A_1331 = arith.subi %sign3A_1327, %sign3A_1330 : i32
    %sign3A_1332 = arith.constant 0 : i32
    %sign3A_1333 = arith.cmpi sgt, %jit3A_1323, %sign3A_1332 : i32
    %sign3A_1334 = arith.extui %sign3A_1333 : i1 to i32
    %sign3A_1335 = arith.constant 0 : i32
    %sign3A_1336 = arith.cmpi slt, %jit3A_1323, %sign3A_1335 : i32
    %sign3A_1337 = arith.extui %sign3A_1336 : i1 to i32
    %sign3A_1338 = arith.subi %sign3A_1334, %sign3A_1337 : i32
    %ne3A_1339 = arith.cmpi ne, %sign3A_1331, %sign3A_1338 : i32
    %rem3A_1340 = arith.remsi %add3A_1322, %jit3A_1323 : i32
    %ne3A_1341 = arith.constant 0 : i32
    %ne3A_1342 = arith.cmpi ne, %rem3A_1340, %ne3A_1341 : i32
    %and3A_1343 = arith.andi %ne3A_1339, %ne3A_1342 : i1
    %sub3A_1344 = arith.constant 1 : i32
    %sub3A_1345 = arith.subi %div3A_1324, %sub3A_1344 : i32
    %select_n3A_1346 = arith.select %and3A_1343, %sub3A_1345, %div3A_1324 : i32
    %jit3A_1347 = arith.constant 3 : i32
    %eq3A_1348 = arith.constant 0 : i32
    %eq3A_1349 = arith.cmpi eq, %jit3A_1347, %eq3A_1348 : i32
    %jit3A_1350 = arith.constant 1 : i32
    %select_n3A_1351 = arith.select %eq3A_1349, %jit3A_1350, %jit3A_1347 : i32
    %rem3A_1352 = arith.remsi %select_n3A_1346, %select_n3A_1351 : i32
    %ne3A_1353 = arith.constant 0 : i32
    %ne3A_1354 = arith.cmpi ne, %rem3A_1352, %ne3A_1353 : i32
    %lt3A_1355 = arith.constant 0 : i32
    %lt3A_1356 = arith.cmpi slt, %rem3A_1352, %lt3A_1355 : i32
    %lt3A_1357 = arith.constant 0 : i32
    %lt3A_1358 = arith.cmpi slt, %select_n3A_1351, %lt3A_1357 : i32
    %ne3A_1359 = arith.xori %lt3A_1356, %lt3A_1358 : i1
    %and3A_1360 = arith.andi %ne3A_1359, %ne3A_1354 : i1
    %add3A_1361 = arith.addi %rem3A_1352, %select_n3A_1351 : i32
    %select_n3A_1362 = arith.select %and3A_1360, %add3A_1361, %rem3A_1352 : i32
    %get3A_1363 = arith.constant 512 : index
    %get3A_1364 = tpu.vector_load %arg6[%get3A_1363] {strides = array<i32>} : memref<768xi32, #tpu.memory_space<vmem>>, vector<16xi32>,
    %get3A_1365 = vector.shape_cast %get3A_1364 : vector<16xi32> to vector<16xi32>
    %mul3A_1366 = arith.constant 16 : i32
    %mul3A_1367 = arith.muli %select_n3A_1362, %mul3A_1366 : i32
    %add3A_1368 = vector.broadcast %mul3A_1367 : i32 to vector<16xi32>
    %add3A_1369 = arith.addi %get3A_1365, %add3A_1368 : vector<16xi32>
    %swap3A_1370 = arith.constant 4 : i32
    %swap3A_1371 = arith.index_cast %swap3A_1370 : i32 to index
    %swap3A_1372 = arith.constant 0 : index
    %swap3A_1373 = tpu.vector_load %arg7[%swap3A_1371, %swap3A_1372] {strides = array<i32>} : memref<6x128xi32, #tpu.memory_space<vmem>>, vector<1x16xi32>,
    %swap3A_1374 = vector.shape_cast %swap3A_1373 : vector<1x16xi32> to vector<16xi32>
    %swap3A_1375 = vector.shape_cast %add3A_1369 : vector<16xi32> to vector<1x16xi32>
    tpu.vector_store %arg7[%swap3A_1371, %swap3A_1372], %swap3A_1375 {strides = array<i32>} : memref<6x128xi32, #tpu.memory_space<vmem>>, vector<1x16xi32>,
    %get3A_1376 = arith.constant 528 : index
    %get3A_1377 = tpu.vector_load %arg6[%get3A_1376] {strides = array<i32>} : memref<768xi32, #tpu.memory_space<vmem>>, vector<16xi32>,
    %get3A_1378 = vector.shape_cast %get3A_1377 : vector<16xi32> to vector<16xi32>
    %mul3A_1379 = arith.constant 16 : i32
    %mul3A_1380 = arith.muli %select_n3A_1362, %mul3A_1379 : i32
    %add3A_1381 = vector.broadcast %mul3A_1380 : i32 to vector<16xi32>
    %add3A_1382 = arith.addi %get3A_1378, %add3A_1381 : vector<16xi32>
    %swap3A_1383 = arith.constant 4 : i32
    %swap3A_1384 = arith.index_cast %swap3A_1383 : i32 to index
    %swap3A_1385 = arith.constant 16 : index
    %swap3A_1386 = tpu.vector_load %arg7[%swap3A_1384, %swap3A_1385] {strides = array<i32>} : memref<6x128xi32, #tpu.memory_space<vmem>>, vector<1x16xi32>,
    %swap3A_1387 = vector.shape_cast %swap3A_1386 : vector<1x16xi32> to vector<16xi32>
    %swap3A_1388 = vector.shape_cast %add3A_1382 : vector<16xi32> to vector<1x16xi32>
    tpu.vector_store %arg7[%swap3A_1384, %swap3A_1385], %swap3A_1388 {strides = array<i32>} : memref<6x128xi32, #tpu.memory_space<vmem>>, vector<1x16xi32>,
    %get3A_1389 = arith.constant 544 : index
    %get3A_1390 = tpu.vector_load %arg6[%get3A_1389] {strides = array<i32>} : memref<768xi32, #tpu.memory_space<vmem>>, vector<16xi32>,
    %get3A_1391 = vector.shape_cast %get3A_1390 : vector<16xi32> to vector<16xi32>
    %mul3A_1392 = arith.constant 16 : i32
    %mul3A_1393 = arith.muli %select_n3A_1362, %mul3A_1392 : i32
    %add3A_1394 = vector.broadcast %mul3A_1393 : i32 to vector<16xi32>
    %add3A_1395 = arith.addi %get3A_1391, %add3A_1394 : vector<16xi32>
    %swap3A_1396 = arith.constant 4 : i32
    %swap3A_1397 = arith.index_cast %swap3A_1396 : i32 to index
    %swap3A_1398 = arith.constant 32 : index
    %swap3A_1399 = tpu.vector_load %arg7[%swap3A_1397, %swap3A_1398] {strides = array<i32>} : memref<6x128xi32, #tpu.memory_space<vmem>>, vector<1x16xi32>,
    %swap3A_1400 = vector.shape_cast %swap3A_1399 : vector<1x16xi32> to vector<16xi32>
    %swap3A_1401 = vector.shape_cast %add3A_1395 : vector<16xi32> to vector<1x16xi32>
    tpu.vector_store %arg7[%swap3A_1397, %swap3A_1398], %swap3A_1401 {strides = array<i32>} : memref<6x128xi32, #tpu.memory_space<vmem>>, vector<1x16xi32>,
    %get3A_1402 = arith.constant 560 : index
    %get3A_1403 = tpu.vector_load %arg6[%get3A_1402] {strides = array<i32>} : memref<768xi32, #tpu.memory_space<vmem>>, vector<16xi32>,
    %get3A_1404 = vector.shape_cast %get3A_1403 : vector<16xi32> to vector<16xi32>
    %mul3A_1405 = arith.constant 16 : i32
    %mul3A_1406 = arith.muli %select_n3A_1362, %mul3A_1405 : i32
    %add3A_1407 = vector.broadcast %mul3A_1406 : i32 to vector<16xi32>
    %add3A_1408 = arith.addi %get3A_1404, %add3A_1407 : vector<16xi32>
    %swap3A_1409 = arith.constant 4 : i32
    %swap3A_1410 = arith.index_cast %swap3A_1409 : i32 to index
    %swap3A_1411 = arith.constant 48 : index
    %swap3A_1412 = tpu.vector_load %arg7[%swap3A_1410, %swap3A_1411] {strides = array<i32>} : memref<6x128xi32, #tpu.memory_space<vmem>>, vector<1x16xi32>,
    %swap3A_1413 = vector.shape_cast %swap3A_1412 : vector<1x16xi32> to vector<16xi32>
    %swap3A_1414 = vector.shape_cast %add3A_1408 : vector<16xi32> to vector<1x16xi32>
    tpu.vector_store %arg7[%swap3A_1410, %swap3A_1411], %swap3A_1414 {strides = array<i32>} : memref<6x128xi32, #tpu.memory_space<vmem>>, vector<1x16xi32>,
    %get3A_1415 = arith.constant 576 : index
    %get3A_1416 = tpu.vector_load %arg6[%get3A_1415] {strides = array<i32>} : memref<768xi32, #tpu.memory_space<vmem>>, vector<16xi32>,
    %get3A_1417 = vector.shape_cast %get3A_1416 : vector<16xi32> to vector<16xi32>
    %mul3A_1418 = arith.constant 16 : i32
    %mul3A_1419 = arith.muli %select_n3A_1362, %mul3A_1418 : i32
    %add3A_1420 = vector.broadcast %mul3A_1419 : i32 to vector<16xi32>
    %add3A_1421 = arith.addi %get3A_1417, %add3A_1420 : vector<16xi32>
    %swap3A_1422 = arith.constant 4 : i32
    %swap3A_1423 = arith.index_cast %swap3A_1422 : i32 to index
    %swap3A_1424 = arith.constant 64 : index
    %swap3A_1425 = tpu.vector_load %arg7[%swap3A_1423, %swap3A_1424] {strides = array<i32>} : memref<6x128xi32, #tpu.memory_space<vmem>>, vector<1x16xi32>,
    %swap3A_1426 = vector.shape_cast %swap3A_1425 : vector<1x16xi32> to vector<16xi32>
    %swap3A_1427 = vector.shape_cast %add3A_1421 : vector<16xi32> to vector<1x16xi32>
    tpu.vector_store %arg7[%swap3A_1423, %swap3A_1424], %swap3A_1427 {strides = array<i32>} : memref<6x128xi32, #tpu.memory_space<vmem>>, vector<1x16xi32>,
    %get3A_1428 = arith.constant 592 : index
    %get3A_1429 = tpu.vector_load %arg6[%get3A_1428] {strides = array<i32>} : memref<768xi32, #tpu.memory_space<vmem>>, vector<16xi32>,
    %get3A_1430 = vector.shape_cast %get3A_1429 : vector<16xi32> to vector<16xi32>
    %mul3A_1431 = arith.constant 16 : i32
    %mul3A_1432 = arith.muli %select_n3A_1362, %mul3A_1431 : i32
    %add3A_1433 = vector.broadcast %mul3A_1432 : i32 to vector<16xi32>
    %add3A_1434 = arith.addi %get3A_1430, %add3A_1433 : vector<16xi32>
    %swap3A_1435 = arith.constant 4 : i32
    %swap3A_1436 = arith.index_cast %swap3A_1435 : i32 to index
    %swap3A_1437 = arith.constant 80 : index
    %swap3A_1438 = tpu.vector_load %arg7[%swap3A_1436, %swap3A_1437] {strides = array<i32>} : memref<6x128xi32, #tpu.memory_space<vmem>>, vector<1x16xi32>,
    %swap3A_1439 = vector.shape_cast %swap3A_1438 : vector<1x16xi32> to vector<16xi32>
    %swap3A_1440 = vector.shape_cast %add3A_1434 : vector<16xi32> to vector<1x16xi32>
    tpu.vector_store %arg7[%swap3A_1436, %swap3A_1437], %swap3A_1440 {strides = array<i32>} : memref<6x128xi32, #tpu.memory_space<vmem>>, vector<1x16xi32>,
    %get3A_1441 = arith.constant 608 : index
    %get3A_1442 = tpu.vector_load %arg6[%get3A_1441] {strides = array<i32>} : memref<768xi32, #tpu.memory_space<vmem>>, vector<16xi32>,
    %get3A_1443 = vector.shape_cast %get3A_1442 : vector<16xi32> to vector<16xi32>
    %mul3A_1444 = arith.constant 16 : i32
    %mul3A_1445 = arith.muli %select_n3A_1362, %mul3A_1444 : i32
    %add3A_1446 = vector.broadcast %mul3A_1445 : i32 to vector<16xi32>
    %add3A_1447 = arith.addi %get3A_1443, %add3A_1446 : vector<16xi32>
    %swap3A_1448 = arith.constant 4 : i32
    %swap3A_1449 = arith.index_cast %swap3A_1448 : i32 to index
    %swap3A_1450 = arith.constant 96 : index
    %swap3A_1451 = tpu.vector_load %arg7[%swap3A_1449, %swap3A_1450] {strides = array<i32>} : memref<6x128xi32, #tpu.memory_space<vmem>>, vector<1x16xi32>,
    %swap3A_1452 = vector.shape_cast %swap3A_1451 : vector<1x16xi32> to vector<16xi32>
    %swap3A_1453 = vector.shape_cast %add3A_1447 : vector<16xi32> to vector<1x16xi32>
    tpu.vector_store %arg7[%swap3A_1449, %swap3A_1450], %swap3A_1453 {strides = array<i32>} : memref<6x128xi32, #tpu.memory_space<vmem>>, vector<1x16xi32>,
    %get3A_1454 = arith.constant 624 : index
    %get3A_1455 = tpu.vector_load %arg6[%get3A_1454] {strides = array<i32>} : memref<768xi32, #tpu.memory_space<vmem>>, vector<16xi32>,
    %get3A_1456 = vector.shape_cast %get3A_1455 : vector<16xi32> to vector<16xi32>
    %mul3A_1457 = arith.constant 16 : i32
    %mul3A_1458 = arith.muli %select_n3A_1362, %mul3A_1457 : i32
    %add3A_1459 = vector.broadcast %mul3A_1458 : i32 to vector<16xi32>
    %add3A_1460 = arith.addi %get3A_1456, %add3A_1459 : vector<16xi32>
    %swap3A_1461 = arith.constant 4 : i32
    %swap3A_1462 = arith.index_cast %swap3A_1461 : i32 to index
    %swap3A_1463 = arith.constant 112 : index
    %swap3A_1464 = tpu.vector_load %arg7[%swap3A_1462, %swap3A_1463] {strides = array<i32>} : memref<6x128xi32, #tpu.memory_space<vmem>>, vector<1x16xi32>,
    %swap3A_1465 = vector.shape_cast %swap3A_1464 : vector<1x16xi32> to vector<16xi32>
    %swap3A_1466 = vector.shape_cast %add3A_1460 : vector<16xi32> to vector<1x16xi32>
    tpu.vector_store %arg7[%swap3A_1462, %swap3A_1463], %swap3A_1466 {strides = array<i32>} : memref<6x128xi32, #tpu.memory_space<vmem>>, vector<1x16xi32>,
    %add3A_1467 = arith.constant 5 : i32
    %add3A_1468 = arith.addi %mul3A_2, %add3A_1467 : i32
    %jit3A_1469 = arith.constant 32 : i32
    %div3A_1470 = arith.divsi %add3A_1468, %jit3A_1469 : i32
    %sign3A_1471 = arith.constant 0 : i32
    %sign3A_1472 = arith.cmpi sgt, %add3A_1468, %sign3A_1471 : i32
    %sign3A_1473 = arith.extui %sign3A_1472 : i1 to i32
    %sign3A_1474 = arith.constant 0 : i32
    %sign3A_1475 = arith.cmpi slt, %add3A_1468, %sign3A_1474 : i32
    %sign3A_1476 = arith.extui %sign3A_1475 : i1 to i32
    %sign3A_1477 = arith.subi %sign3A_1473, %sign3A_1476 : i32
    %sign3A_1478 = arith.constant 0 : i32
    %sign3A_1479 = arith.cmpi sgt, %jit3A_1469, %sign3A_1478 : i32
    %sign3A_1480 = arith.extui %sign3A_1479 : i1 to i32
    %sign3A_1481 = arith.constant 0 : i32
    %sign3A_1482 = arith.cmpi slt, %jit3A_1469, %sign3A_1481 : i32
    %sign3A_1483 = arith.extui %sign3A_1482 : i1 to i32
    %sign3A_1484 = arith.subi %sign3A_1480, %sign3A_1483 : i32
    %ne3A_1485 = arith.cmpi ne, %sign3A_1477, %sign3A_1484 : i32
    %rem3A_1486 = arith.remsi %add3A_1468, %jit3A_1469 : i32
    %ne3A_1487 = arith.constant 0 : i32
    %ne3A_1488 = arith.cmpi ne, %rem3A_1486, %ne3A_1487 : i32
    %and3A_1489 = arith.andi %ne3A_1485, %ne3A_1488 : i1
    %sub3A_1490 = arith.constant 1 : i32
    %sub3A_1491 = arith.subi %div3A_1470, %sub3A_1490 : i32
    %select_n3A_1492 = arith.select %and3A_1489, %sub3A_1491, %div3A_1470 : i32
    %jit3A_1493 = arith.constant 3 : i32
    %eq3A_1494 = arith.constant 0 : i32
    %eq3A_1495 = arith.cmpi eq, %jit3A_1493, %eq3A_1494 : i32
    %jit3A_1496 = arith.constant 1 : i32
    %select_n3A_1497 = arith.select %eq3A_1495, %jit3A_1496, %jit3A_1493 : i32
    %rem3A_1498 = arith.remsi %select_n3A_1492, %select_n3A_1497 : i32
    %ne3A_1499 = arith.constant 0 : i32
    %ne3A_1500 = arith.cmpi ne, %rem3A_1498, %ne3A_1499 : i32
    %lt3A_1501 = arith.constant 0 : i32
    %lt3A_1502 = arith.cmpi slt, %rem3A_1498, %lt3A_1501 : i32
    %lt3A_1503 = arith.constant 0 : i32
    %lt3A_1504 = arith.cmpi slt, %select_n3A_1497, %lt3A_1503 : i32
    %ne3A_1505 = arith.xori %lt3A_1502, %lt3A_1504 : i1
    %and3A_1506 = arith.andi %ne3A_1505, %ne3A_1500 : i1
    %add3A_1507 = arith.addi %rem3A_1498, %select_n3A_1497 : i32
    %select_n3A_1508 = arith.select %and3A_1506, %add3A_1507, %rem3A_1498 : i32
    %get3A_1509 = arith.constant 640 : index
    %get3A_1510 = tpu.vector_load %arg6[%get3A_1509] {strides = array<i32>} : memref<768xi32, #tpu.memory_space<vmem>>, vector<16xi32>,
    %get3A_1511 = vector.shape_cast %get3A_1510 : vector<16xi32> to vector<16xi32>
    %mul3A_1512 = arith.constant 16 : i32
    %mul3A_1513 = arith.muli %select_n3A_1508, %mul3A_1512 : i32
    %add3A_1514 = vector.broadcast %mul3A_1513 : i32 to vector<16xi32>
    %add3A_1515 = arith.addi %get3A_1511, %add3A_1514 : vector<16xi32>
    %swap3A_1516 = arith.constant 5 : i32
    %swap3A_1517 = arith.index_cast %swap3A_1516 : i32 to index
    %swap3A_1518 = arith.constant 0 : index
    %swap3A_1519 = tpu.vector_load %arg7[%swap3A_1517, %swap3A_1518] {strides = array<i32>} : memref<6x128xi32, #tpu.memory_space<vmem>>, vector<1x16xi32>,
    %swap3A_1520 = vector.shape_cast %swap3A_1519 : vector<1x16xi32> to vector<16xi32>
    %swap3A_1521 = vector.shape_cast %add3A_1515 : vector<16xi32> to vector<1x16xi32>
    tpu.vector_store %arg7[%swap3A_1517, %swap3A_1518], %swap3A_1521 {strides = array<i32>} : memref<6x128xi32, #tpu.memory_space<vmem>>, vector<1x16xi32>,
    %get3A_1522 = arith.constant 656 : index
    %get3A_1523 = tpu.vector_load %arg6[%get3A_1522] {strides = array<i32>} : memref<768xi32, #tpu.memory_space<vmem>>, vector<16xi32>,
    %get3A_1524 = vector.shape_cast %get3A_1523 : vector<16xi32> to vector<16xi32>
    %mul3A_1525 = arith.constant 16 : i32
    %mul3A_1526 = arith.muli %select_n3A_1508, %mul3A_1525 : i32
    %add3A_1527 = vector.broadcast %mul3A_1526 : i32 to vector<16xi32>
    %add3A_1528 = arith.addi %get3A_1524, %add3A_1527 : vector<16xi32>
    %swap3A_1529 = arith.constant 5 : i32
    %swap3A_1530 = arith.index_cast %swap3A_1529 : i32 to index
    %swap3A_1531 = arith.constant 16 : index
    %swap3A_1532 = tpu.vector_load %arg7[%swap3A_1530, %swap3A_1531] {strides = array<i32>} : memref<6x128xi32, #tpu.memory_space<vmem>>, vector<1x16xi32>,
    %swap3A_1533 = vector.shape_cast %swap3A_1532 : vector<1x16xi32> to vector<16xi32>
    %swap3A_1534 = vector.shape_cast %add3A_1528 : vector<16xi32> to vector<1x16xi32>
    tpu.vector_store %arg7[%swap3A_1530, %swap3A_1531], %swap3A_1534 {strides = array<i32>} : memref<6x128xi32, #tpu.memory_space<vmem>>, vector<1x16xi32>,
    %get3A_1535 = arith.constant 672 : index
    %get3A_1536 = tpu.vector_load %arg6[%get3A_1535] {strides = array<i32>} : memref<768xi32, #tpu.memory_space<vmem>>, vector<16xi32>,
    %get3A_1537 = vector.shape_cast %get3A_1536 : vector<16xi32> to vector<16xi32>
    %mul3A_1538 = arith.constant 16 : i32
    %mul3A_1539 = arith.muli %select_n3A_1508, %mul3A_1538 : i32
    %add3A_1540 = vector.broadcast %mul3A_1539 : i32 to vector<16xi32>
    %add3A_1541 = arith.addi %get3A_1537, %add3A_1540 : vector<16xi32>
    %swap3A_1542 = arith.constant 5 : i32
    %swap3A_1543 = arith.index_cast %swap3A_1542 : i32 to index
    %swap3A_1544 = arith.constant 32 : index
    %swap3A_1545 = tpu.vector_load %arg7[%swap3A_1543, %swap3A_1544] {strides = array<i32>} : memref<6x128xi32, #tpu.memory_space<vmem>>, vector<1x16xi32>,
    %swap3A_1546 = vector.shape_cast %swap3A_1545 : vector<1x16xi32> to vector<16xi32>
    %swap3A_1547 = vector.shape_cast %add3A_1541 : vector<16xi32> to vector<1x16xi32>
    tpu.vector_store %arg7[%swap3A_1543, %swap3A_1544], %swap3A_1547 {strides = array<i32>} : memref<6x128xi32, #tpu.memory_space<vmem>>, vector<1x16xi32>,
    %get3A_1548 = arith.constant 688 : index
    %get3A_1549 = tpu.vector_load %arg6[%get3A_1548] {strides = array<i32>} : memref<768xi32, #tpu.memory_space<vmem>>, vector<16xi32>,
    %get3A_1550 = vector.shape_cast %get3A_1549 : vector<16xi32> to vector<16xi32>
    %mul3A_1551 = arith.constant 16 : i32
    %mul3A_1552 = arith.muli %select_n3A_1508, %mul3A_1551 : i32
    %add3A_1553 = vector.broadcast %mul3A_1552 : i32 to vector<16xi32>
    %add3A_1554 = arith.addi %get3A_1550, %add3A_1553 : vector<16xi32>
    %swap3A_1555 = arith.constant 5 : i32
    %swap3A_1556 = arith.index_cast %swap3A_1555 : i32 to index
    %swap3A_1557 = arith.constant 48 : index
    %swap3A_1558 = tpu.vector_load %arg7[%swap3A_1556, %swap3A_1557] {strides = array<i32>} : memref<6x128xi32, #tpu.memory_space<vmem>>, vector<1x16xi32>,
    %swap3A_1559 = vector.shape_cast %swap3A_1558 : vector<1x16xi32> to vector<16xi32>
    %swap3A_1560 = vector.shape_cast %add3A_1554 : vector<16xi32> to vector<1x16xi32>
    tpu.vector_store %arg7[%swap3A_1556, %swap3A_1557], %swap3A_1560 {strides = array<i32>} : memref<6x128xi32, #tpu.memory_space<vmem>>, vector<1x16xi32>,
    %get3A_1561 = arith.constant 704 : index
    %get3A_1562 = tpu.vector_load %arg6[%get3A_1561] {strides = array<i32>} : memref<768xi32, #tpu.memory_space<vmem>>, vector<16xi32>,
    %get3A_1563 = vector.shape_cast %get3A_1562 : vector<16xi32> to vector<16xi32>
    %mul3A_1564 = arith.constant 16 : i32
    %mul3A_1565 = arith.muli %select_n3A_1508, %mul3A_1564 : i32
    %add3A_1566 = vector.broadcast %mul3A_1565 : i32 to vector<16xi32>
    %add3A_1567 = arith.addi %get3A_1563, %add3A_1566 : vector<16xi32>
    %swap3A_1568 = arith.constant 5 : i32
    %swap3A_1569 = arith.index_cast %swap3A_1568 : i32 to index
    %swap3A_1570 = arith.constant 64 : index
    %swap3A_1571 = tpu.vector_load %arg7[%swap3A_1569, %swap3A_1570] {strides = array<i32>} : memref<6x128xi32, #tpu.memory_space<vmem>>, vector<1x16xi32>,
    %swap3A_1572 = vector.shape_cast %swap3A_1571 : vector<1x16xi32> to vector<16xi32>
    %swap3A_1573 = vector.shape_cast %add3A_1567 : vector<16xi32> to vector<1x16xi32>
    tpu.vector_store %arg7[%swap3A_1569, %swap3A_1570], %swap3A_1573 {strides = array<i32>} : memref<6x128xi32, #tpu.memory_space<vmem>>, vector<1x16xi32>,
    %get3A_1574 = arith.constant 720 : index
    %get3A_1575 = tpu.vector_load %arg6[%get3A_1574] {strides = array<i32>} : memref<768xi32, #tpu.memory_space<vmem>>, vector<16xi32>,
    %get3A_1576 = vector.shape_cast %get3A_1575 : vector<16xi32> to vector<16xi32>
    %mul3A_1577 = arith.constant 16 : i32
    %mul3A_1578 = arith.muli %select_n3A_1508, %mul3A_1577 : i32
    %add3A_1579 = vector.broadcast %mul3A_1578 : i32 to vector<16xi32>
    %add3A_1580 = arith.addi %get3A_1576, %add3A_1579 : vector<16xi32>
    %swap3A_1581 = arith.constant 5 : i32
    %swap3A_1582 = arith.index_cast %swap3A_1581 : i32 to index
    %swap3A_1583 = arith.constant 80 : index
    %swap3A_1584 = tpu.vector_load %arg7[%swap3A_1582, %swap3A_1583] {strides = array<i32>} : memref<6x128xi32, #tpu.memory_space<vmem>>, vector<1x16xi32>,
    %swap3A_1585 = vector.shape_cast %swap3A_1584 : vector<1x16xi32> to vector<16xi32>
    %swap3A_1586 = vector.shape_cast %add3A_1580 : vector<16xi32> to vector<1x16xi32>
    tpu.vector_store %arg7[%swap3A_1582, %swap3A_1583], %swap3A_1586 {strides = array<i32>} : memref<6x128xi32, #tpu.memory_space<vmem>>, vector<1x16xi32>,
    %get3A_1587 = arith.constant 736 : index
    %get3A_1588 = tpu.vector_load %arg6[%get3A_1587] {strides = array<i32>} : memref<768xi32, #tpu.memory_space<vmem>>, vector<16xi32>,
    %get3A_1589 = vector.shape_cast %get3A_1588 : vector<16xi32> to vector<16xi32>
    %mul3A_1590 = arith.constant 16 : i32
    %mul3A_1591 = arith.muli %select_n3A_1508, %mul3A_1590 : i32
    %add3A_1592 = vector.broadcast %mul3A_1591 : i32 to vector<16xi32>
    %add3A_1593 = arith.addi %get3A_1589, %add3A_1592 : vector<16xi32>
    %swap3A_1594 = arith.constant 5 : i32
    %swap3A_1595 = arith.index_cast %swap3A_1594 : i32 to index
    %swap3A_1596 = arith.constant 96 : index
    %swap3A_1597 = tpu.vector_load %arg7[%swap3A_1595, %swap3A_1596] {strides = array<i32>} : memref<6x128xi32, #tpu.memory_space<vmem>>, vector<1x16xi32>,
    %swap3A_1598 = vector.shape_cast %swap3A_1597 : vector<1x16xi32> to vector<16xi32>
    %swap3A_1599 = vector.shape_cast %add3A_1593 : vector<16xi32> to vector<1x16xi32>
    tpu.vector_store %arg7[%swap3A_1595, %swap3A_1596], %swap3A_1599 {strides = array<i32>} : memref<6x128xi32, #tpu.memory_space<vmem>>, vector<1x16xi32>,
    %get3A_1600 = arith.constant 752 : index
    %get3A_1601 = tpu.vector_load %arg6[%get3A_1600] {strides = array<i32>} : memref<768xi32, #tpu.memory_space<vmem>>, vector<16xi32>,
    %get3A_1602 = vector.shape_cast %get3A_1601 : vector<16xi32> to vector<16xi32>
    %mul3A_1603 = arith.constant 16 : i32
    %mul3A_1604 = arith.muli %select_n3A_1508, %mul3A_1603 : i32
    %add3A_1605 = vector.broadcast %mul3A_1604 : i32 to vector<16xi32>
    %add3A_1606 = arith.addi %get3A_1602, %add3A_1605 : vector<16xi32>
    %swap3A_1607 = arith.constant 5 : i32
    %swap3A_1608 = arith.index_cast %swap3A_1607 : i32 to index
    %swap3A_1609 = arith.constant 112 : index
    %swap3A_1610 = tpu.vector_load %arg7[%swap3A_1608, %swap3A_1609] {strides = array<i32>} : memref<6x128xi32, #tpu.memory_space<vmem>>, vector<1x16xi32>,
    %swap3A_1611 = vector.shape_cast %swap3A_1610 : vector<1x16xi32> to vector<16xi32>
    %swap3A_1612 = vector.shape_cast %add3A_1606 : vector<16xi32> to vector<1x16xi32>
    tpu.vector_store %arg7[%swap3A_1608, %swap3A_1609], %swap3A_1612 {strides = array<i32>} : memref<6x128xi32, #tpu.memory_space<vmem>>, vector<1x16xi32>,
    %barrier3A = arith.constant 0 : index
    tpu.barrier barrier_id(%barrier3A)
    %add3A_1613 = arith.constant 0 : i32
    %add3A_1614 = arith.addi %mul3A_2, %add3A_1613 : i32
    %jit3A_1615 = arith.constant 32 : i32
    %div3A_1616 = arith.divsi %add3A_1614, %jit3A_1615 : i32
    %sign3A_1617 = arith.constant 0 : i32
    %sign3A_1618 = arith.cmpi sgt, %add3A_1614, %sign3A_1617 : i32
    %sign3A_1619 = arith.extui %sign3A_1618 : i1 to i32
    %sign3A_1620 = arith.constant 0 : i32
    %sign3A_1621 = arith.cmpi slt, %add3A_1614, %sign3A_1620 : i32
    %sign3A_1622 = arith.extui %sign3A_1621 : i1 to i32
    %sign3A_1623 = arith.subi %sign3A_1619, %sign3A_1622 : i32
    %sign3A_1624 = arith.constant 0 : i32
    %sign3A_1625 = arith.cmpi sgt, %jit3A_1615, %sign3A_1624 : i32
    %sign3A_1626 = arith.extui %sign3A_1625 : i1 to i32
    %sign3A_1627 = arith.constant 0 : i32
    %sign3A_1628 = arith.cmpi slt, %jit3A_1615, %sign3A_1627 : i32
    %sign3A_1629 = arith.extui %sign3A_1628 : i1 to i32
    %sign3A_1630 = arith.subi %sign3A_1626, %sign3A_1629 : i32
    %ne3A_1631 = arith.cmpi ne, %sign3A_1623, %sign3A_1630 : i32
    %rem3A_1632 = arith.remsi %add3A_1614, %jit3A_1615 : i32
    %ne3A_1633 = arith.constant 0 : i32
    %ne3A_1634 = arith.cmpi ne, %rem3A_1632, %ne3A_1633 : i32
    %and3A_1635 = arith.andi %ne3A_1631, %ne3A_1634 : i1
    %sub3A_1636 = arith.constant 1 : i32
    %sub3A_1637 = arith.subi %div3A_1616, %sub3A_1636 : i32
    %select_n3A_1638 = arith.select %and3A_1635, %sub3A_1637, %div3A_1616 : i32
    %jit3A_1639 = arith.constant 32 : i32
    %eq3A_1640 = arith.constant 0 : i32
    %eq3A_1641 = arith.cmpi eq, %jit3A_1639, %eq3A_1640 : i32
    %jit3A_1642 = arith.constant 1 : i32
    %select_n3A_1643 = arith.select %eq3A_1641, %jit3A_1642, %jit3A_1639 : i32
    %rem3A_1644 = arith.remsi %add3A_1614, %select_n3A_1643 : i32
    %ne3A_1645 = arith.constant 0 : i32
    %ne3A_1646 = arith.cmpi ne, %rem3A_1644, %ne3A_1645 : i32
    %lt3A_1647 = arith.constant 0 : i32
    %lt3A_1648 = arith.cmpi slt, %rem3A_1644, %lt3A_1647 : i32
    %lt3A_1649 = arith.constant 0 : i32
    %lt3A_1650 = arith.cmpi slt, %select_n3A_1643, %lt3A_1649 : i32
    %ne3A_1651 = arith.xori %lt3A_1648, %lt3A_1650 : i1
    %and3A_1652 = arith.andi %ne3A_1651, %ne3A_1646 : i1
    %add3A_1653 = arith.addi %rem3A_1644, %select_n3A_1643 : i32
    %select_n3A_1654 = arith.select %and3A_1652, %add3A_1653, %rem3A_1644 : i32
    %mul3A_1655 = arith.constant 128 : i32
    %mul3A_1656 = arith.muli %select_n3A_1654, %mul3A_1655 : i32
    %dma_start3A_1657 = arith.constant 0 : i32
    %dma_start3A_1658 = arith.constant 0 : i32
    %dma_start3A_1659 = arith.constant 0 : i32
    %dma_start3A_1660 = tpu.memref_slice %arg5[%dma_start3A_1657, %dma_start3A_1658, %dma_start3A_1659] : memref<4x128x128xf32, #tpu.memory_space<vmem>> -> memref<1x128x128xf32, #tpu.memory_space<vmem>>
    %dma_start3A_1661 = tpu.memref_squeeze %dma_start3A_1660 : memref<1x128x128xf32, #tpu.memory_space<vmem>> -> memref<128x128xf32, #tpu.memory_space<vmem>>
    %dma_start3A_1662 = arith.constant 0 : i32
    %dma_start3A_1663 = tpu.memref_slice %arg2[%select_n3A_1638, %mul3A_1656, %dma_start3A_1662] : memref<16x4096x128xf32, #tpu.memory_space<hbm>> -> memref<1x128x128xf32, #tpu.memory_space<hbm>>
    %dma_start3A_1664 = tpu.memref_squeeze %dma_start3A_1663 : memref<1x128x128xf32, #tpu.memory_space<hbm>> -> memref<128x128xf32, #tpu.memory_space<hbm>>
    %dma_start3A_1665 = arith.constant 0 : i32
    %dma_start3A_1666 = arith.constant 0 : i32
    %dma_start3A_1667 = tpu.memref_slice %arg5[%dma_start3A_1657, %dma_start3A_1665, %dma_start3A_1666] : memref<4x128x128xf32, #tpu.memory_space<vmem>> -> memref<1x128x128xf32, #tpu.memory_space<vmem>>
    %dma_start3A_1668 = tpu.memref_squeeze %dma_start3A_1667 : memref<1x128x128xf32, #tpu.memory_space<vmem>> -> memref<128x128xf32, #tpu.memory_space<vmem>>
    %dma_start3A_1669 = arith.constant 0 : i32
    %dma_start3A_1670 = tpu.memref_slice %arg2[%select_n3A_1638, %mul3A_1656, %dma_start3A_1669] : memref<16x4096x128xf32, #tpu.memory_space<hbm>> -> memref<1x128x128xf32, #tpu.memory_space<hbm>>
    %dma_start3A_1671 = tpu.memref_squeeze %dma_start3A_1670 : memref<1x128x128xf32, #tpu.memory_space<hbm>> -> memref<128x128xf32, #tpu.memory_space<hbm>>
    tpu.enqueue_dma source(%dma_start3A_1671 : memref<128x128xf32, #tpu.memory_space<hbm>>) target(%dma_start3A_1668 : memref<128x128xf32, #tpu.memory_space<vmem>>) target_semaphore(%arg10 : memref<!tpu.dma_semaphore, #tpu.memory_space<semaphore_mem>>)
    %add3A_1672 = arith.constant 1 : i32
    %add3A_1673 = arith.addi %mul3A_2, %add3A_1672 : i32
    %jit3A_1674 = arith.constant 32 : i32
    %div3A_1675 = arith.divsi %add3A_1673, %jit3A_1674 : i32
    %sign3A_1676 = arith.constant 0 : i32
    %sign3A_1677 = arith.cmpi sgt, %add3A_1673, %sign3A_1676 : i32
    %sign3A_1678 = arith.extui %sign3A_1677 : i1 to i32
    %sign3A_1679 = arith.constant 0 : i32
    %sign3A_1680 = arith.cmpi slt, %add3A_1673, %sign3A_1679 : i32
    %sign3A_1681 = arith.extui %sign3A_1680 : i1 to i32
    %sign3A_1682 = arith.subi %sign3A_1678, %sign3A_1681 : i32
    %sign3A_1683 = arith.constant 0 : i32
    %sign3A_1684 = arith.cmpi sgt, %jit3A_1674, %sign3A_1683 : i32
    %sign3A_1685 = arith.extui %sign3A_1684 : i1 to i32
    %sign3A_1686 = arith.constant 0 : i32
    %sign3A_1687 = arith.cmpi slt, %jit3A_1674, %sign3A_1686 : i32
    %sign3A_1688 = arith.extui %sign3A_1687 : i1 to i32
    %sign3A_1689 = arith.subi %sign3A_1685, %sign3A_1688 : i32
    %ne3A_1690 = arith.cmpi ne, %sign3A_1682, %sign3A_1689 : i32
    %rem3A_1691 = arith.remsi %add3A_1673, %jit3A_1674 : i32
    %ne3A_1692 = arith.constant 0 : i32
    %ne3A_1693 = arith.cmpi ne, %rem3A_1691, %ne3A_1692 : i32
    %and3A_1694 = arith.andi %ne3A_1690, %ne3A_1693 : i1
    %sub3A_1695 = arith.constant 1 : i32
    %sub3A_1696 = arith.subi %div3A_1675, %sub3A_1695 : i32
    %select_n3A_1697 = arith.select %and3A_1694, %sub3A_1696, %div3A_1675 : i32
    %jit3A_1698 = arith.constant 32 : i32
    %eq3A_1699 = arith.constant 0 : i32
    %eq3A_1700 = arith.cmpi eq, %jit3A_1698, %eq3A_1699 : i32
    %jit3A_1701 = arith.constant 1 : i32
    %select_n3A_1702 = arith.select %eq3A_1700, %jit3A_1701, %jit3A_1698 : i32
    %rem3A_1703 = arith.remsi %add3A_1673, %select_n3A_1702 : i32
    %ne3A_1704 = arith.constant 0 : i32
    %ne3A_1705 = arith.cmpi ne, %rem3A_1703, %ne3A_1704 : i32
    %lt3A_1706 = arith.constant 0 : i32
    %lt3A_1707 = arith.cmpi slt, %rem3A_1703, %lt3A_1706 : i32
    %lt3A_1708 = arith.constant 0 : i32
    %lt3A_1709 = arith.cmpi slt, %select_n3A_1702, %lt3A_1708 : i32
    %ne3A_1710 = arith.xori %lt3A_1707, %lt3A_1709 : i1
    %and3A_1711 = arith.andi %ne3A_1710, %ne3A_1705 : i1
    %add3A_1712 = arith.addi %rem3A_1703, %select_n3A_1702 : i32
    %select_n3A_1713 = arith.select %and3A_1711, %add3A_1712, %rem3A_1703 : i32
    %mul3A_1714 = arith.constant 128 : i32
    %mul3A_1715 = arith.muli %select_n3A_1713, %mul3A_1714 : i32
    %dma_start3A_1716 = arith.constant 1 : i32
    %dma_start3A_1717 = arith.constant 0 : i32
    %dma_start3A_1718 = arith.constant 0 : i32
    %dma_start3A_1719 = tpu.memref_slice %arg5[%dma_start3A_1716, %dma_start3A_1717, %dma_start3A_1718] : memref<4x128x128xf32, #tpu.memory_space<vmem>> -> memref<1x128x128xf32, #tpu.memory_space<vmem>>
    %dma_start3A_1720 = tpu.memref_squeeze %dma_start3A_1719 : memref<1x128x128xf32, #tpu.memory_space<vmem>> -> memref<128x128xf32, #tpu.memory_space<vmem>>
    %dma_start3A_1721 = arith.constant 0 : i32
    %dma_start3A_1722 = tpu.memref_slice %arg2[%select_n3A_1697, %mul3A_1715, %dma_start3A_1721] : memref<16x4096x128xf32, #tpu.memory_space<hbm>> -> memref<1x128x128xf32, #tpu.memory_space<hbm>>
    %dma_start3A_1723 = tpu.memref_squeeze %dma_start3A_1722 : memref<1x128x128xf32, #tpu.memory_space<hbm>> -> memref<128x128xf32, #tpu.memory_space<hbm>>
    %dma_start3A_1724 = arith.constant 0 : i32
    %dma_start3A_1725 = arith.constant 0 : i32
    %dma_start3A_1726 = tpu.memref_slice %arg5[%dma_start3A_1716, %dma_start3A_1724, %dma_start3A_1725] : memref<4x128x128xf32, #tpu.memory_space<vmem>> -> memref<1x128x128xf32, #tpu.memory_space<vmem>>
    %dma_start3A_1727 = tpu.memref_squeeze %dma_start3A_1726 : memref<1x128x128xf32, #tpu.memory_space<vmem>> -> memref<128x128xf32, #tpu.memory_space<vmem>>
    %dma_start3A_1728 = arith.constant 0 : i32
    %dma_start3A_1729 = tpu.memref_slice %arg2[%select_n3A_1697, %mul3A_1715, %dma_start3A_1728] : memref<16x4096x128xf32, #tpu.memory_space<hbm>> -> memref<1x128x128xf32, #tpu.memory_space<hbm>>
    %dma_start3A_1730 = tpu.memref_squeeze %dma_start3A_1729 : memref<1x128x128xf32, #tpu.memory_space<hbm>> -> memref<128x128xf32, #tpu.memory_space<hbm>>
    tpu.enqueue_dma source(%dma_start3A_1730 : memref<128x128xf32, #tpu.memory_space<hbm>>) target(%dma_start3A_1727 : memref<128x128xf32, #tpu.memory_space<vmem>>) target_semaphore(%arg10 : memref<!tpu.dma_semaphore, #tpu.memory_space<semaphore_mem>>)
    %add3A_1731 = arith.constant 2 : i32
    %add3A_1732 = arith.addi %mul3A_2, %add3A_1731 : i32
    %jit3A_1733 = arith.constant 32 : i32
    %div3A_1734 = arith.divsi %add3A_1732, %jit3A_1733 : i32
    %sign3A_1735 = arith.constant 0 : i32
    %sign3A_1736 = arith.cmpi sgt, %add3A_1732, %sign3A_1735 : i32
    %sign3A_1737 = arith.extui %sign3A_1736 : i1 to i32
    %sign3A_1738 = arith.constant 0 : i32
    %sign3A_1739 = arith.cmpi slt, %add3A_1732, %sign3A_1738 : i32
    %sign3A_1740 = arith.extui %sign3A_1739 : i1 to i32
    %sign3A_1741 = arith.subi %sign3A_1737, %sign3A_1740 : i32
    %sign3A_1742 = arith.constant 0 : i32
    %sign3A_1743 = arith.cmpi sgt, %jit3A_1733, %sign3A_1742 : i32
    %sign3A_1744 = arith.extui %sign3A_1743 : i1 to i32
    %sign3A_1745 = arith.constant 0 : i32
    %sign3A_1746 = arith.cmpi slt, %jit3A_1733, %sign3A_1745 : i32
    %sign3A_1747 = arith.extui %sign3A_1746 : i1 to i32
    %sign3A_1748 = arith.subi %sign3A_1744, %sign3A_1747 : i32
    %ne3A_1749 = arith.cmpi ne, %sign3A_1741, %sign3A_1748 : i32
    %rem3A_1750 = arith.remsi %add3A_1732, %jit3A_1733 : i32
    %ne3A_1751 = arith.constant 0 : i32
    %ne3A_1752 = arith.cmpi ne, %rem3A_1750, %ne3A_1751 : i32
    %and3A_1753 = arith.andi %ne3A_1749, %ne3A_1752 : i1
    %sub3A_1754 = arith.constant 1 : i32
    %sub3A_1755 = arith.subi %div3A_1734, %sub3A_1754 : i32
    %select_n3A_1756 = arith.select %and3A_1753, %sub3A_1755, %div3A_1734 : i32
    %jit3A_1757 = arith.constant 32 : i32
    %eq3A_1758 = arith.constant 0 : i32
    %eq3A_1759 = arith.cmpi eq, %jit3A_1757, %eq3A_1758 : i32
    %jit3A_1760 = arith.constant 1 : i32
    %select_n3A_1761 = arith.select %eq3A_1759, %jit3A_1760, %jit3A_1757 : i32
    %rem3A_1762 = arith.remsi %add3A_1732, %select_n3A_1761 : i32
    %ne3A_1763 = arith.constant 0 : i32
    %ne3A_1764 = arith.cmpi ne, %rem3A_1762, %ne3A_1763 : i32
    %lt3A_1765 = arith.constant 0 : i32
    %lt3A_1766 = arith.cmpi slt, %rem3A_1762, %lt3A_1765 : i32
    %lt3A_1767 = arith.constant 0 : i32
    %lt3A_1768 = arith.cmpi slt, %select_n3A_1761, %lt3A_1767 : i32
    %ne3A_1769 = arith.xori %lt3A_1766, %lt3A_1768 : i1
    %and3A_1770 = arith.andi %ne3A_1769, %ne3A_1764 : i1
    %add3A_1771 = arith.addi %rem3A_1762, %select_n3A_1761 : i32
    %select_n3A_1772 = arith.select %and3A_1770, %add3A_1771, %rem3A_1762 : i32
    %mul3A_1773 = arith.constant 128 : i32
    %mul3A_1774 = arith.muli %select_n3A_1772, %mul3A_1773 : i32
    %dma_start3A_1775 = arith.constant 2 : i32
    %dma_start3A_1776 = arith.constant 0 : i32
    %dma_start3A_1777 = arith.constant 0 : i32
    %dma_start3A_1778 = tpu.memref_slice %arg5[%dma_start3A_1775, %dma_start3A_1776, %dma_start3A_1777] : memref<4x128x128xf32, #tpu.memory_space<vmem>> -> memref<1x128x128xf32, #tpu.memory_space<vmem>>
    %dma_start3A_1779 = tpu.memref_squeeze %dma_start3A_1778 : memref<1x128x128xf32, #tpu.memory_space<vmem>> -> memref<128x128xf32, #tpu.memory_space<vmem>>
    %dma_start3A_1780 = arith.constant 0 : i32
    %dma_start3A_1781 = tpu.memref_slice %arg2[%select_n3A_1756, %mul3A_1774, %dma_start3A_1780] : memref<16x4096x128xf32, #tpu.memory_space<hbm>> -> memref<1x128x128xf32, #tpu.memory_space<hbm>>
    %dma_start3A_1782 = tpu.memref_squeeze %dma_start3A_1781 : memref<1x128x128xf32, #tpu.memory_space<hbm>> -> memref<128x128xf32, #tpu.memory_space<hbm>>
    %dma_start3A_1783 = arith.constant 0 : i32
    %dma_start3A_1784 = arith.constant 0 : i32
    %dma_start3A_1785 = tpu.memref_slice %arg5[%dma_start3A_1775, %dma_start3A_1783, %dma_start3A_1784] : memref<4x128x128xf32, #tpu.memory_space<vmem>> -> memref<1x128x128xf32, #tpu.memory_space<vmem>>
    %dma_start3A_1786 = tpu.memref_squeeze %dma_start3A_1785 : memref<1x128x128xf32, #tpu.memory_space<vmem>> -> memref<128x128xf32, #tpu.memory_space<vmem>>
    %dma_start3A_1787 = arith.constant 0 : i32
    %dma_start3A_1788 = tpu.memref_slice %arg2[%select_n3A_1756, %mul3A_1774, %dma_start3A_1787] : memref<16x4096x128xf32, #tpu.memory_space<hbm>> -> memref<1x128x128xf32, #tpu.memory_space<hbm>>
    %dma_start3A_1789 = tpu.memref_squeeze %dma_start3A_1788 : memref<1x128x128xf32, #tpu.memory_space<hbm>> -> memref<128x128xf32, #tpu.memory_space<hbm>>
    tpu.enqueue_dma source(%dma_start3A_1789 : memref<128x128xf32, #tpu.memory_space<hbm>>) target(%dma_start3A_1786 : memref<128x128xf32, #tpu.memory_space<vmem>>) target_semaphore(%arg10 : memref<!tpu.dma_semaphore, #tpu.memory_space<semaphore_mem>>)
    %add3A_1790 = arith.constant 3 : i32
    %add3A_1791 = arith.addi %mul3A_2, %add3A_1790 : i32
    %jit3A_1792 = arith.constant 32 : i32
    %div3A_1793 = arith.divsi %add3A_1791, %jit3A_1792 : i32
    %sign3A_1794 = arith.constant 0 : i32
    %sign3A_1795 = arith.cmpi sgt, %add3A_1791, %sign3A_1794 : i32
    %sign3A_1796 = arith.extui %sign3A_1795 : i1 to i32
    %sign3A_1797 = arith.constant 0 : i32
    %sign3A_1798 = arith.cmpi slt, %add3A_1791, %sign3A_1797 : i32
    %sign3A_1799 = arith.extui %sign3A_1798 : i1 to i32
    %sign3A_1800 = arith.subi %sign3A_1796, %sign3A_1799 : i32
    %sign3A_1801 = arith.constant 0 : i32
    %sign3A_1802 = arith.cmpi sgt, %jit3A_1792, %sign3A_1801 : i32
    %sign3A_1803 = arith.extui %sign3A_1802 : i1 to i32
    %sign3A_1804 = arith.constant 0 : i32
    %sign3A_1805 = arith.cmpi slt, %jit3A_1792, %sign3A_1804 : i32
    %sign3A_1806 = arith.extui %sign3A_1805 : i1 to i32
    %sign3A_1807 = arith.subi %sign3A_1803, %sign3A_1806 : i32
    %ne3A_1808 = arith.cmpi ne, %sign3A_1800, %sign3A_1807 : i32
    %rem3A_1809 = arith.remsi %add3A_1791, %jit3A_1792 : i32
    %ne3A_1810 = arith.constant 0 : i32
    %ne3A_1811 = arith.cmpi ne, %rem3A_1809, %ne3A_1810 : i32
    %and3A_1812 = arith.andi %ne3A_1808, %ne3A_1811 : i1
    %sub3A_1813 = arith.constant 1 : i32
    %sub3A_1814 = arith.subi %div3A_1793, %sub3A_1813 : i32
    %select_n3A_1815 = arith.select %and3A_1812, %sub3A_1814, %div3A_1793 : i32
    %jit3A_1816 = arith.constant 32 : i32
    %eq3A_1817 = arith.constant 0 : i32
    %eq3A_1818 = arith.cmpi eq, %jit3A_1816, %eq3A_1817 : i32
    %jit3A_1819 = arith.constant 1 : i32
    %select_n3A_1820 = arith.select %eq3A_1818, %jit3A_1819, %jit3A_1816 : i32
    %rem3A_1821 = arith.remsi %add3A_1791, %select_n3A_1820 : i32
    %ne3A_1822 = arith.constant 0 : i32
    %ne3A_1823 = arith.cmpi ne, %rem3A_1821, %ne3A_1822 : i32
    %lt3A_1824 = arith.constant 0 : i32
    %lt3A_1825 = arith.cmpi slt, %rem3A_1821, %lt3A_1824 : i32
    %lt3A_1826 = arith.constant 0 : i32
    %lt3A_1827 = arith.cmpi slt, %select_n3A_1820, %lt3A_1826 : i32
    %ne3A_1828 = arith.xori %lt3A_1825, %lt3A_1827 : i1
    %and3A_1829 = arith.andi %ne3A_1828, %ne3A_1823 : i1
    %add3A_1830 = arith.addi %rem3A_1821, %select_n3A_1820 : i32
    %select_n3A_1831 = arith.select %and3A_1829, %add3A_1830, %rem3A_1821 : i32
    %mul3A_1832 = arith.constant 128 : i32
    %mul3A_1833 = arith.muli %select_n3A_1831, %mul3A_1832 : i32
    %dma_start3A_1834 = arith.constant 3 : i32
    %dma_start3A_1835 = arith.constant 0 : i32
    %dma_start3A_1836 = arith.constant 0 : i32
    %dma_start3A_1837 = tpu.memref_slice %arg5[%dma_start3A_1834, %dma_start3A_1835, %dma_start3A_1836] : memref<4x128x128xf32, #tpu.memory_space<vmem>> -> memref<1x128x128xf32, #tpu.memory_space<vmem>>
    %dma_start3A_1838 = tpu.memref_squeeze %dma_start3A_1837 : memref<1x128x128xf32, #tpu.memory_space<vmem>> -> memref<128x128xf32, #tpu.memory_space<vmem>>
    %dma_start3A_1839 = arith.constant 0 : i32
    %dma_start3A_1840 = tpu.memref_slice %arg2[%select_n3A_1815, %mul3A_1833, %dma_start3A_1839] : memref<16x4096x128xf32, #tpu.memory_space<hbm>> -> memref<1x128x128xf32, #tpu.memory_space<hbm>>
    %dma_start3A_1841 = tpu.memref_squeeze %dma_start3A_1840 : memref<1x128x128xf32, #tpu.memory_space<hbm>> -> memref<128x128xf32, #tpu.memory_space<hbm>>
    %dma_start3A_1842 = arith.constant 0 : i32
    %dma_start3A_1843 = arith.constant 0 : i32
    %dma_start3A_1844 = tpu.memref_slice %arg5[%dma_start3A_1834, %dma_start3A_1842, %dma_start3A_1843] : memref<4x128x128xf32, #tpu.memory_space<vmem>> -> memref<1x128x128xf32, #tpu.memory_space<vmem>>
    %dma_start3A_1845 = tpu.memref_squeeze %dma_start3A_1844 : memref<1x128x128xf32, #tpu.memory_space<vmem>> -> memref<128x128xf32, #tpu.memory_space<vmem>>
    %dma_start3A_1846 = arith.constant 0 : i32
    %dma_start3A_1847 = tpu.memref_slice %arg2[%select_n3A_1815, %mul3A_1833, %dma_start3A_1846] : memref<16x4096x128xf32, #tpu.memory_space<hbm>> -> memref<1x128x128xf32, #tpu.memory_space<hbm>>
    %dma_start3A_1848 = tpu.memref_squeeze %dma_start3A_1847 : memref<1x128x128xf32, #tpu.memory_space<hbm>> -> memref<128x128xf32, #tpu.memory_space<hbm>>
    tpu.enqueue_dma source(%dma_start3A_1848 : memref<128x128xf32, #tpu.memory_space<hbm>>) target(%dma_start3A_1845 : memref<128x128xf32, #tpu.memory_space<vmem>>) target_semaphore(%arg10 : memref<!tpu.dma_semaphore, #tpu.memory_space<semaphore_mem>>)
    %dma_wait3A_1849 = arith.constant 0 : i32
    %dma_wait3A_1850 = arith.constant 0 : i32
    %dma_wait3A_1851 = arith.constant 0 : i32
    %dma_wait3A_1852 = tpu.memref_slice %arg5[%dma_wait3A_1849, %dma_wait3A_1850, %dma_wait3A_1851] : memref<4x128x128xf32, #tpu.memory_space<vmem>> -> memref<1x128x128xf32, #tpu.memory_space<vmem>>
    %dma_wait3A_1853 = tpu.memref_squeeze %dma_wait3A_1852 : memref<1x128x128xf32, #tpu.memory_space<vmem>> -> memref<128x128xf32, #tpu.memory_space<vmem>>
    %dma_wait3A_1854 = arith.constant 0 : i32
    %dma_wait3A_1855 = tpu.memref_slice %arg2[%select_n3A_1638, %mul3A_1656, %dma_wait3A_1854] : memref<16x4096x128xf32, #tpu.memory_space<hbm>> -> memref<1x128x128xf32, #tpu.memory_space<hbm>>
    %dma_wait3A_1856 = tpu.memref_squeeze %dma_wait3A_1855 : memref<1x128x128xf32, #tpu.memory_space<hbm>> -> memref<128x128xf32, #tpu.memory_space<hbm>>
    %dma_wait3A_1857 = arith.constant 0 : i32
    %dma_wait3A_1858 = arith.constant 0 : i32
    %dma_wait3A_1859 = tpu.memref_slice %arg5[%dma_wait3A_1849, %dma_wait3A_1857, %dma_wait3A_1858] : memref<4x128x128xf32, #tpu.memory_space<vmem>> -> memref<1x128x128xf32, #tpu.memory_space<vmem>>
    %dma_wait3A_1860 = tpu.memref_squeeze %dma_wait3A_1859 : memref<1x128x128xf32, #tpu.memory_space<vmem>> -> memref<128x128xf32, #tpu.memory_space<vmem>>
    %dma_wait3A_1861 = arith.constant 0 : i32
    %dma_wait3A_1862 = tpu.memref_slice %arg2[%select_n3A_1638, %mul3A_1656, %dma_wait3A_1861] : memref<16x4096x128xf32, #tpu.memory_space<hbm>> -> memref<1x128x128xf32, #tpu.memory_space<hbm>>
    %dma_wait3A_1863 = tpu.memref_squeeze %dma_wait3A_1862 : memref<1x128x128xf32, #tpu.memory_space<hbm>> -> memref<128x128xf32, #tpu.memory_space<hbm>>
    tpu.wait_dma2 semaphore(%arg10 : memref<!tpu.dma_semaphore, #tpu.memory_space<semaphore_mem>>) src(%dma_wait3A_1863 : memref<128x128xf32, #tpu.memory_space<hbm>>) dst(%dma_wait3A_1860 : memref<128x128xf32, #tpu.memory_space<vmem>>)
    %dma_start3A_1864 = arith.constant 0 : i32
    %dma_start3A_1865 = arith.constant 0 : i32
    %dma_start3A_1866 = arith.constant 0 : i32
    %dma_start3A_1867 = arith.constant 0 : i32
    %dma_start3A_1868 = tpu.memref_slice %arg5[%dma_start3A_1864, %dma_start3A_1866, %dma_start3A_1867] : memref<4x128x128xf32, #tpu.memory_space<vmem>> -> memref<1x128x128xf32, #tpu.memory_space<vmem>>
    %dma_start3A_1869 = tpu.memref_squeeze %dma_start3A_1868 : memref<1x128x128xf32, #tpu.memory_space<vmem>> -> memref<128x128xf32, #tpu.memory_space<vmem>>
    %dma_start3A_1870 = arith.constant 0 : i32
    %dma_start3A_1871 = tpu.memref_slice %arg7[%dma_start3A_1865, %dma_start3A_1870] : memref<6x128xi32, #tpu.memory_space<vmem>> -> memref<1x128xi32, #tpu.memory_space<vmem>>
    %dma_start3A_1872 = tpu.memref_squeeze %dma_start3A_1871 : memref<1x128xi32, #tpu.memory_space<vmem>> -> memref<128xi32, #tpu.memory_space<vmem>>
    %dma_start3A_1873 = arith.constant 0 : i32
    %dma_start3A_1874 = arith.constant 0 : i32
    %dma_start3A_1875 = tpu.memref_slice %arg9[%dma_start3A_1873, %dma_start3A_1874] : memref<48x128xf32, #tpu.memory_space<vmem_shared>> -> memref<48x128xf32, #tpu.memory_space<vmem_shared>>
    tpu.enqueue_indirect_dma source(%dma_start3A_1869 : memref<128x128xf32, #tpu.memory_space<vmem>>) target(%dma_start3A_1875 : memref<48x128xf32, #tpu.memory_space<vmem_shared>>) offsets(%dma_start3A_1872 : memref<128xi32, #tpu.memory_space<vmem>>) semaphore(%arg11 : memref<!tpu.dma_semaphore, #tpu.memory_space<semaphore_mem>>) {add = true}
    %dma_wait3A_1876 = arith.constant 0 : i32
    %dma_wait3A_1877 = arith.constant 0 : i32
    %dma_wait3A_1878 = arith.constant 0 : i32
    %dma_wait3A_1879 = arith.constant 0 : i32
    %dma_wait3A_1880 = tpu.memref_slice %arg5[%dma_wait3A_1876, %dma_wait3A_1878, %dma_wait3A_1879] : memref<4x128x128xf32, #tpu.memory_space<vmem>> -> memref<1x128x128xf32, #tpu.memory_space<vmem>>
    %dma_wait3A_1881 = tpu.memref_squeeze %dma_wait3A_1880 : memref<1x128x128xf32, #tpu.memory_space<vmem>> -> memref<128x128xf32, #tpu.memory_space<vmem>>
    %dma_wait3A_1882 = arith.constant 0 : i32
    %dma_wait3A_1883 = tpu.memref_slice %arg7[%dma_wait3A_1877, %dma_wait3A_1882] : memref<6x128xi32, #tpu.memory_space<vmem>> -> memref<1x128xi32, #tpu.memory_space<vmem>>
    %dma_wait3A_1884 = tpu.memref_squeeze %dma_wait3A_1883 : memref<1x128xi32, #tpu.memory_space<vmem>> -> memref<128xi32, #tpu.memory_space<vmem>>
    %dma_wait3A_1885 = arith.constant 0 : i32
    %dma_wait3A_1886 = arith.constant 0 : i32
    %dma_wait3A_1887 = tpu.memref_slice %arg9[%dma_wait3A_1885, %dma_wait3A_1886] : memref<48x128xf32, #tpu.memory_space<vmem_shared>> -> memref<48x128xf32, #tpu.memory_space<vmem_shared>>
    tpu.wait_indirect_dma semaphore(%arg11 : memref<!tpu.dma_semaphore, #tpu.memory_space<semaphore_mem>>) src(%dma_wait3A_1881 : memref<128x128xf32, #tpu.memory_space<vmem>>) dst(%dma_wait3A_1887 : memref<48x128xf32, #tpu.memory_space<vmem_shared>>)
    %add3A_1888 = arith.constant 4 : i32
    %add3A_1889 = arith.addi %mul3A_2, %add3A_1888 : i32
    %jit3A_1890 = arith.constant 32 : i32
    %div3A_1891 = arith.divsi %add3A_1889, %jit3A_1890 : i32
    %sign3A_1892 = arith.constant 0 : i32
    %sign3A_1893 = arith.cmpi sgt, %add3A_1889, %sign3A_1892 : i32
    %sign3A_1894 = arith.extui %sign3A_1893 : i1 to i32
    %sign3A_1895 = arith.constant 0 : i32
    %sign3A_1896 = arith.cmpi slt, %add3A_1889, %sign3A_1895 : i32
    %sign3A_1897 = arith.extui %sign3A_1896 : i1 to i32
    %sign3A_1898 = arith.subi %sign3A_1894, %sign3A_1897 : i32
    %sign3A_1899 = arith.constant 0 : i32
    %sign3A_1900 = arith.cmpi sgt, %jit3A_1890, %sign3A_1899 : i32
    %sign3A_1901 = arith.extui %sign3A_1900 : i1 to i32
    %sign3A_1902 = arith.constant 0 : i32
    %sign3A_1903 = arith.cmpi slt, %jit3A_1890, %sign3A_1902 : i32
    %sign3A_1904 = arith.extui %sign3A_1903 : i1 to i32
    %sign3A_1905 = arith.subi %sign3A_1901, %sign3A_1904 : i32
    %ne3A_1906 = arith.cmpi ne, %sign3A_1898, %sign3A_1905 : i32
    %rem3A_1907 = arith.remsi %add3A_1889, %jit3A_1890 : i32
    %ne3A_1908 = arith.constant 0 : i32
    %ne3A_1909 = arith.cmpi ne, %rem3A_1907, %ne3A_1908 : i32
    %and3A_1910 = arith.andi %ne3A_1906, %ne3A_1909 : i1
    %sub3A_1911 = arith.constant 1 : i32
    %sub3A_1912 = arith.subi %div3A_1891, %sub3A_1911 : i32
    %select_n3A_1913 = arith.select %and3A_1910, %sub3A_1912, %div3A_1891 : i32
    %jit3A_1914 = arith.constant 32 : i32
    %eq3A_1915 = arith.constant 0 : i32
    %eq3A_1916 = arith.cmpi eq, %jit3A_1914, %eq3A_1915 : i32
    %jit3A_1917 = arith.constant 1 : i32
    %select_n3A_1918 = arith.select %eq3A_1916, %jit3A_1917, %jit3A_1914 : i32
    %rem3A_1919 = arith.remsi %add3A_1889, %select_n3A_1918 : i32
    %ne3A_1920 = arith.constant 0 : i32
    %ne3A_1921 = arith.cmpi ne, %rem3A_1919, %ne3A_1920 : i32
    %lt3A_1922 = arith.constant 0 : i32
    %lt3A_1923 = arith.cmpi slt, %rem3A_1919, %lt3A_1922 : i32
    %lt3A_1924 = arith.constant 0 : i32
    %lt3A_1925 = arith.cmpi slt, %select_n3A_1918, %lt3A_1924 : i32
    %ne3A_1926 = arith.xori %lt3A_1923, %lt3A_1925 : i1
    %and3A_1927 = arith.andi %ne3A_1926, %ne3A_1921 : i1
    %add3A_1928 = arith.addi %rem3A_1919, %select_n3A_1918 : i32
    %select_n3A_1929 = arith.select %and3A_1927, %add3A_1928, %rem3A_1919 : i32
    %mul3A_1930 = arith.constant 128 : i32
    %mul3A_1931 = arith.muli %select_n3A_1929, %mul3A_1930 : i32
    %dma_start3A_1932 = arith.constant 0 : i32
    %dma_start3A_1933 = arith.constant 0 : i32
    %dma_start3A_1934 = arith.constant 0 : i32
    %dma_start3A_1935 = tpu.memref_slice %arg5[%dma_start3A_1932, %dma_start3A_1933, %dma_start3A_1934] : memref<4x128x128xf32, #tpu.memory_space<vmem>> -> memref<1x128x128xf32, #tpu.memory_space<vmem>>
    %dma_start3A_1936 = tpu.memref_squeeze %dma_start3A_1935 : memref<1x128x128xf32, #tpu.memory_space<vmem>> -> memref<128x128xf32, #tpu.memory_space<vmem>>
    %dma_start3A_1937 = arith.constant 0 : i32
    %dma_start3A_1938 = tpu.memref_slice %arg2[%select_n3A_1913, %mul3A_1931, %dma_start3A_1937] : memref<16x4096x128xf32, #tpu.memory_space<hbm>> -> memref<1x128x128xf32, #tpu.memory_space<hbm>>
    %dma_start3A_1939 = tpu.memref_squeeze %dma_start3A_1938 : memref<1x128x128xf32, #tpu.memory_space<hbm>> -> memref<128x128xf32, #tpu.memory_space<hbm>>
    %dma_start3A_1940 = arith.constant 0 : i32
    %dma_start3A_1941 = arith.constant 0 : i32
    %dma_start3A_1942 = tpu.memref_slice %arg5[%dma_start3A_1932, %dma_start3A_1940, %dma_start3A_1941] : memref<4x128x128xf32, #tpu.memory_space<vmem>> -> memref<1x128x128xf32, #tpu.memory_space<vmem>>
    %dma_start3A_1943 = tpu.memref_squeeze %dma_start3A_1942 : memref<1x128x128xf32, #tpu.memory_space<vmem>> -> memref<128x128xf32, #tpu.memory_space<vmem>>
    %dma_start3A_1944 = arith.constant 0 : i32
    %dma_start3A_1945 = tpu.memref_slice %arg2[%select_n3A_1913, %mul3A_1931, %dma_start3A_1944] : memref<16x4096x128xf32, #tpu.memory_space<hbm>> -> memref<1x128x128xf32, #tpu.memory_space<hbm>>
    %dma_start3A_1946 = tpu.memref_squeeze %dma_start3A_1945 : memref<1x128x128xf32, #tpu.memory_space<hbm>> -> memref<128x128xf32, #tpu.memory_space<hbm>>
    tpu.enqueue_dma source(%dma_start3A_1946 : memref<128x128xf32, #tpu.memory_space<hbm>>) target(%dma_start3A_1943 : memref<128x128xf32, #tpu.memory_space<vmem>>) target_semaphore(%arg10 : memref<!tpu.dma_semaphore, #tpu.memory_space<semaphore_mem>>)
    %dma_wait3A_1947 = arith.constant 1 : i32
    %dma_wait3A_1948 = arith.constant 0 : i32
    %dma_wait3A_1949 = arith.constant 0 : i32
    %dma_wait3A_1950 = tpu.memref_slice %arg5[%dma_wait3A_1947, %dma_wait3A_1948, %dma_wait3A_1949] : memref<4x128x128xf32, #tpu.memory_space<vmem>> -> memref<1x128x128xf32, #tpu.memory_space<vmem>>
    %dma_wait3A_1951 = tpu.memref_squeeze %dma_wait3A_1950 : memref<1x128x128xf32, #tpu.memory_space<vmem>> -> memref<128x128xf32, #tpu.memory_space<vmem>>
    %dma_wait3A_1952 = arith.constant 0 : i32
    %dma_wait3A_1953 = tpu.memref_slice %arg2[%select_n3A_1697, %mul3A_1715, %dma_wait3A_1952] : memref<16x4096x128xf32, #tpu.memory_space<hbm>> -> memref<1x128x128xf32, #tpu.memory_space<hbm>>
    %dma_wait3A_1954 = tpu.memref_squeeze %dma_wait3A_1953 : memref<1x128x128xf32, #tpu.memory_space<hbm>> -> memref<128x128xf32, #tpu.memory_space<hbm>>
    %dma_wait3A_1955 = arith.constant 0 : i32
    %dma_wait3A_1956 = arith.constant 0 : i32
    %dma_wait3A_1957 = tpu.memref_slice %arg5[%dma_wait3A_1947, %dma_wait3A_1955, %dma_wait3A_1956] : memref<4x128x128xf32, #tpu.memory_space<vmem>> -> memref<1x128x128xf32, #tpu.memory_space<vmem>>
    %dma_wait3A_1958 = tpu.memref_squeeze %dma_wait3A_1957 : memref<1x128x128xf32, #tpu.memory_space<vmem>> -> memref<128x128xf32, #tpu.memory_space<vmem>>
    %dma_wait3A_1959 = arith.constant 0 : i32
    %dma_wait3A_1960 = tpu.memref_slice %arg2[%select_n3A_1697, %mul3A_1715, %dma_wait3A_1959] : memref<16x4096x128xf32, #tpu.memory_space<hbm>> -> memref<1x128x128xf32, #tpu.memory_space<hbm>>
    %dma_wait3A_1961 = tpu.memref_squeeze %dma_wait3A_1960 : memref<1x128x128xf32, #tpu.memory_space<hbm>> -> memref<128x128xf32, #tpu.memory_space<hbm>>
    tpu.wait_dma2 semaphore(%arg10 : memref<!tpu.dma_semaphore, #tpu.memory_space<semaphore_mem>>) src(%dma_wait3A_1961 : memref<128x128xf32, #tpu.memory_space<hbm>>) dst(%dma_wait3A_1958 : memref<128x128xf32, #tpu.memory_space<vmem>>)
    %dma_start3A_1962 = arith.constant 1 : i32
    %dma_start3A_1963 = arith.constant 1 : i32
    %dma_start3A_1964 = arith.constant 0 : i32
    %dma_start3A_1965 = arith.constant 0 : i32
    %dma_start3A_1966 = tpu.memref_slice %arg5[%dma_start3A_1962, %dma_start3A_1964, %dma_start3A_1965] : memref<4x128x128xf32, #tpu.memory_space<vmem>> -> memref<1x128x128xf32, #tpu.memory_space<vmem>>
    %dma_start3A_1967 = tpu.memref_squeeze %dma_start3A_1966 : memref<1x128x128xf32, #tpu.memory_space<vmem>> -> memref<128x128xf32, #tpu.memory_space<vmem>>
    %dma_start3A_1968 = arith.constant 0 : i32
    %dma_start3A_1969 = tpu.memref_slice %arg7[%dma_start3A_1963, %dma_start3A_1968] : memref<6x128xi32, #tpu.memory_space<vmem>> -> memref<1x128xi32, #tpu.memory_space<vmem>>
    %dma_start3A_1970 = tpu.memref_squeeze %dma_start3A_1969 : memref<1x128xi32, #tpu.memory_space<vmem>> -> memref<128xi32, #tpu.memory_space<vmem>>
    %dma_start3A_1971 = arith.constant 0 : i32
    %dma_start3A_1972 = arith.constant 0 : i32
    %dma_start3A_1973 = tpu.memref_slice %arg9[%dma_start3A_1971, %dma_start3A_1972] : memref<48x128xf32, #tpu.memory_space<vmem_shared>> -> memref<48x128xf32, #tpu.memory_space<vmem_shared>>
    tpu.enqueue_indirect_dma source(%dma_start3A_1967 : memref<128x128xf32, #tpu.memory_space<vmem>>) target(%dma_start3A_1973 : memref<48x128xf32, #tpu.memory_space<vmem_shared>>) offsets(%dma_start3A_1970 : memref<128xi32, #tpu.memory_space<vmem>>) semaphore(%arg11 : memref<!tpu.dma_semaphore, #tpu.memory_space<semaphore_mem>>) {add = true}
    %dma_wait3A_1974 = arith.constant 1 : i32
    %dma_wait3A_1975 = arith.constant 1 : i32
    %dma_wait3A_1976 = arith.constant 0 : i32
    %dma_wait3A_1977 = arith.constant 0 : i32
    %dma_wait3A_1978 = tpu.memref_slice %arg5[%dma_wait3A_1974, %dma_wait3A_1976, %dma_wait3A_1977] : memref<4x128x128xf32, #tpu.memory_space<vmem>> -> memref<1x128x128xf32, #tpu.memory_space<vmem>>
    %dma_wait3A_1979 = tpu.memref_squeeze %dma_wait3A_1978 : memref<1x128x128xf32, #tpu.memory_space<vmem>> -> memref<128x128xf32, #tpu.memory_space<vmem>>
    %dma_wait3A_1980 = arith.constant 0 : i32
    %dma_wait3A_1981 = tpu.memref_slice %arg7[%dma_wait3A_1975, %dma_wait3A_1980] : memref<6x128xi32, #tpu.memory_space<vmem>> -> memref<1x128xi32, #tpu.memory_space<vmem>>
    %dma_wait3A_1982 = tpu.memref_squeeze %dma_wait3A_1981 : memref<1x128xi32, #tpu.memory_space<vmem>> -> memref<128xi32, #tpu.memory_space<vmem>>
    %dma_wait3A_1983 = arith.constant 0 : i32
    %dma_wait3A_1984 = arith.constant 0 : i32
    %dma_wait3A_1985 = tpu.memref_slice %arg9[%dma_wait3A_1983, %dma_wait3A_1984] : memref<48x128xf32, #tpu.memory_space<vmem_shared>> -> memref<48x128xf32, #tpu.memory_space<vmem_shared>>
    tpu.wait_indirect_dma semaphore(%arg11 : memref<!tpu.dma_semaphore, #tpu.memory_space<semaphore_mem>>) src(%dma_wait3A_1979 : memref<128x128xf32, #tpu.memory_space<vmem>>) dst(%dma_wait3A_1985 : memref<48x128xf32, #tpu.memory_space<vmem_shared>>)
    %add3A_1986 = arith.constant 5 : i32
    %add3A_1987 = arith.addi %mul3A_2, %add3A_1986 : i32
    %jit3A_1988 = arith.constant 32 : i32
    %div3A_1989 = arith.divsi %add3A_1987, %jit3A_1988 : i32
    %sign3A_1990 = arith.constant 0 : i32
    %sign3A_1991 = arith.cmpi sgt, %add3A_1987, %sign3A_1990 : i32
    %sign3A_1992 = arith.extui %sign3A_1991 : i1 to i32
    %sign3A_1993 = arith.constant 0 : i32
    %sign3A_1994 = arith.cmpi slt, %add3A_1987, %sign3A_1993 : i32
    %sign3A_1995 = arith.extui %sign3A_1994 : i1 to i32
    %sign3A_1996 = arith.subi %sign3A_1992, %sign3A_1995 : i32
    %sign3A_1997 = arith.constant 0 : i32
    %sign3A_1998 = arith.cmpi sgt, %jit3A_1988, %sign3A_1997 : i32
    %sign3A_1999 = arith.extui %sign3A_1998 : i1 to i32
    %sign3A_2000 = arith.constant 0 : i32
    %sign3A_2001 = arith.cmpi slt, %jit3A_1988, %sign3A_2000 : i32
    %sign3A_2002 = arith.extui %sign3A_2001 : i1 to i32
    %sign3A_2003 = arith.subi %sign3A_1999, %sign3A_2002 : i32
    %ne3A_2004 = arith.cmpi ne, %sign3A_1996, %sign3A_2003 : i32
    %rem3A_2005 = arith.remsi %add3A_1987, %jit3A_1988 : i32
    %ne3A_2006 = arith.constant 0 : i32
    %ne3A_2007 = arith.cmpi ne, %rem3A_2005, %ne3A_2006 : i32
    %and3A_2008 = arith.andi %ne3A_2004, %ne3A_2007 : i1
    %sub3A_2009 = arith.constant 1 : i32
    %sub3A_2010 = arith.subi %div3A_1989, %sub3A_2009 : i32
    %select_n3A_2011 = arith.select %and3A_2008, %sub3A_2010, %div3A_1989 : i32
    %jit3A_2012 = arith.constant 32 : i32
    %eq3A_2013 = arith.constant 0 : i32
    %eq3A_2014 = arith.cmpi eq, %jit3A_2012, %eq3A_2013 : i32
    %jit3A_2015 = arith.constant 1 : i32
    %select_n3A_2016 = arith.select %eq3A_2014, %jit3A_2015, %jit3A_2012 : i32
    %rem3A_2017 = arith.remsi %add3A_1987, %select_n3A_2016 : i32
    %ne3A_2018 = arith.constant 0 : i32
    %ne3A_2019 = arith.cmpi ne, %rem3A_2017, %ne3A_2018 : i32
    %lt3A_2020 = arith.constant 0 : i32
    %lt3A_2021 = arith.cmpi slt, %rem3A_2017, %lt3A_2020 : i32
    %lt3A_2022 = arith.constant 0 : i32
    %lt3A_2023 = arith.cmpi slt, %select_n3A_2016, %lt3A_2022 : i32
    %ne3A_2024 = arith.xori %lt3A_2021, %lt3A_2023 : i1
    %and3A_2025 = arith.andi %ne3A_2024, %ne3A_2019 : i1
    %add3A_2026 = arith.addi %rem3A_2017, %select_n3A_2016 : i32
    %select_n3A_2027 = arith.select %and3A_2025, %add3A_2026, %rem3A_2017 : i32
    %mul3A_2028 = arith.constant 128 : i32
    %mul3A_2029 = arith.muli %select_n3A_2027, %mul3A_2028 : i32
    %dma_start3A_2030 = arith.constant 1 : i32
    %dma_start3A_2031 = arith.constant 0 : i32
    %dma_start3A_2032 = arith.constant 0 : i32
    %dma_start3A_2033 = tpu.memref_slice %arg5[%dma_start3A_2030, %dma_start3A_2031, %dma_start3A_2032] : memref<4x128x128xf32, #tpu.memory_space<vmem>> -> memref<1x128x128xf32, #tpu.memory_space<vmem>>
    %dma_start3A_2034 = tpu.memref_squeeze %dma_start3A_2033 : memref<1x128x128xf32, #tpu.memory_space<vmem>> -> memref<128x128xf32, #tpu.memory_space<vmem>>
    %dma_start3A_2035 = arith.constant 0 : i32
    %dma_start3A_2036 = tpu.memref_slice %arg2[%select_n3A_2011, %mul3A_2029, %dma_start3A_2035] : memref<16x4096x128xf32, #tpu.memory_space<hbm>> -> memref<1x128x128xf32, #tpu.memory_space<hbm>>
    %dma_start3A_2037 = tpu.memref_squeeze %dma_start3A_2036 : memref<1x128x128xf32, #tpu.memory_space<hbm>> -> memref<128x128xf32, #tpu.memory_space<hbm>>
    %dma_start3A_2038 = arith.constant 0 : i32
    %dma_start3A_2039 = arith.constant 0 : i32
    %dma_start3A_2040 = tpu.memref_slice %arg5[%dma_start3A_2030, %dma_start3A_2038, %dma_start3A_2039] : memref<4x128x128xf32, #tpu.memory_space<vmem>> -> memref<1x128x128xf32, #tpu.memory_space<vmem>>
    %dma_start3A_2041 = tpu.memref_squeeze %dma_start3A_2040 : memref<1x128x128xf32, #tpu.memory_space<vmem>> -> memref<128x128xf32, #tpu.memory_space<vmem>>
    %dma_start3A_2042 = arith.constant 0 : i32
    %dma_start3A_2043 = tpu.memref_slice %arg2[%select_n3A_2011, %mul3A_2029, %dma_start3A_2042] : memref<16x4096x128xf32, #tpu.memory_space<hbm>> -> memref<1x128x128xf32, #tpu.memory_space<hbm>>
    %dma_start3A_2044 = tpu.memref_squeeze %dma_start3A_2043 : memref<1x128x128xf32, #tpu.memory_space<hbm>> -> memref<128x128xf32, #tpu.memory_space<hbm>>
    tpu.enqueue_dma source(%dma_start3A_2044 : memref<128x128xf32, #tpu.memory_space<hbm>>) target(%dma_start3A_2041 : memref<128x128xf32, #tpu.memory_space<vmem>>) target_semaphore(%arg10 : memref<!tpu.dma_semaphore, #tpu.memory_space<semaphore_mem>>)
    %dma_wait3A_2045 = arith.constant 2 : i32
    %dma_wait3A_2046 = arith.constant 0 : i32
    %dma_wait3A_2047 = arith.constant 0 : i32
    %dma_wait3A_2048 = tpu.memref_slice %arg5[%dma_wait3A_2045, %dma_wait3A_2046, %dma_wait3A_2047] : memref<4x128x128xf32, #tpu.memory_space<vmem>> -> memref<1x128x128xf32, #tpu.memory_space<vmem>>
    %dma_wait3A_2049 = tpu.memref_squeeze %dma_wait3A_2048 : memref<1x128x128xf32, #tpu.memory_space<vmem>> -> memref<128x128xf32, #tpu.memory_space<vmem>>
    %dma_wait3A_2050 = arith.constant 0 : i32
    %dma_wait3A_2051 = tpu.memref_slice %arg2[%select_n3A_1756, %mul3A_1774, %dma_wait3A_2050] : memref<16x4096x128xf32, #tpu.memory_space<hbm>> -> memref<1x128x128xf32, #tpu.memory_space<hbm>>
    %dma_wait3A_2052 = tpu.memref_squeeze %dma_wait3A_2051 : memref<1x128x128xf32, #tpu.memory_space<hbm>> -> memref<128x128xf32, #tpu.memory_space<hbm>>
    %dma_wait3A_2053 = arith.constant 0 : i32
    %dma_wait3A_2054 = arith.constant 0 : i32
    %dma_wait3A_2055 = tpu.memref_slice %arg5[%dma_wait3A_2045, %dma_wait3A_2053, %dma_wait3A_2054] : memref<4x128x128xf32, #tpu.memory_space<vmem>> -> memref<1x128x128xf32, #tpu.memory_space<vmem>>
    %dma_wait3A_2056 = tpu.memref_squeeze %dma_wait3A_2055 : memref<1x128x128xf32, #tpu.memory_space<vmem>> -> memref<128x128xf32, #tpu.memory_space<vmem>>
    %dma_wait3A_2057 = arith.constant 0 : i32
    %dma_wait3A_2058 = tpu.memref_slice %arg2[%select_n3A_1756, %mul3A_1774, %dma_wait3A_2057] : memref<16x4096x128xf32, #tpu.memory_space<hbm>> -> memref<1x128x128xf32, #tpu.memory_space<hbm>>
    %dma_wait3A_2059 = tpu.memref_squeeze %dma_wait3A_2058 : memref<1x128x128xf32, #tpu.memory_space<hbm>> -> memref<128x128xf32, #tpu.memory_space<hbm>>
    tpu.wait_dma2 semaphore(%arg10 : memref<!tpu.dma_semaphore, #tpu.memory_space<semaphore_mem>>) src(%dma_wait3A_2059 : memref<128x128xf32, #tpu.memory_space<hbm>>) dst(%dma_wait3A_2056 : memref<128x128xf32, #tpu.memory_space<vmem>>)
    %dma_start3A_2060 = arith.constant 2 : i32
    %dma_start3A_2061 = arith.constant 2 : i32
    %dma_start3A_2062 = arith.constant 0 : i32
    %dma_start3A_2063 = arith.constant 0 : i32
    %dma_start3A_2064 = tpu.memref_slice %arg5[%dma_start3A_2060, %dma_start3A_2062, %dma_start3A_2063] : memref<4x128x128xf32, #tpu.memory_space<vmem>> -> memref<1x128x128xf32, #tpu.memory_space<vmem>>
    %dma_start3A_2065 = tpu.memref_squeeze %dma_start3A_2064 : memref<1x128x128xf32, #tpu.memory_space<vmem>> -> memref<128x128xf32, #tpu.memory_space<vmem>>
    %dma_start3A_2066 = arith.constant 0 : i32
    %dma_start3A_2067 = tpu.memref_slice %arg7[%dma_start3A_2061, %dma_start3A_2066] : memref<6x128xi32, #tpu.memory_space<vmem>> -> memref<1x128xi32, #tpu.memory_space<vmem>>
    %dma_start3A_2068 = tpu.memref_squeeze %dma_start3A_2067 : memref<1x128xi32, #tpu.memory_space<vmem>> -> memref<128xi32, #tpu.memory_space<vmem>>
    %dma_start3A_2069 = arith.constant 0 : i32
    %dma_start3A_2070 = arith.constant 0 : i32
    %dma_start3A_2071 = tpu.memref_slice %arg9[%dma_start3A_2069, %dma_start3A_2070] : memref<48x128xf32, #tpu.memory_space<vmem_shared>> -> memref<48x128xf32, #tpu.memory_space<vmem_shared>>
    tpu.enqueue_indirect_dma source(%dma_start3A_2065 : memref<128x128xf32, #tpu.memory_space<vmem>>) target(%dma_start3A_2071 : memref<48x128xf32, #tpu.memory_space<vmem_shared>>) offsets(%dma_start3A_2068 : memref<128xi32, #tpu.memory_space<vmem>>) semaphore(%arg11 : memref<!tpu.dma_semaphore, #tpu.memory_space<semaphore_mem>>) {add = true}
    %dma_wait3A_2072 = arith.constant 3 : i32
    %dma_wait3A_2073 = arith.constant 0 : i32
    %dma_wait3A_2074 = arith.constant 0 : i32
    %dma_wait3A_2075 = tpu.memref_slice %arg5[%dma_wait3A_2072, %dma_wait3A_2073, %dma_wait3A_2074] : memref<4x128x128xf32, #tpu.memory_space<vmem>> -> memref<1x128x128xf32, #tpu.memory_space<vmem>>
    %dma_wait3A_2076 = tpu.memref_squeeze %dma_wait3A_2075 : memref<1x128x128xf32, #tpu.memory_space<vmem>> -> memref<128x128xf32, #tpu.memory_space<vmem>>
    %dma_wait3A_2077 = arith.constant 0 : i32
    %dma_wait3A_2078 = tpu.memref_slice %arg2[%select_n3A_1815, %mul3A_1833, %dma_wait3A_2077] : memref<16x4096x128xf32, #tpu.memory_space<hbm>> -> memref<1x128x128xf32, #tpu.memory_space<hbm>>
    %dma_wait3A_2079 = tpu.memref_squeeze %dma_wait3A_2078 : memref<1x128x128xf32, #tpu.memory_space<hbm>> -> memref<128x128xf32, #tpu.memory_space<hbm>>
    %dma_wait3A_2080 = arith.constant 0 : i32
    %dma_wait3A_2081 = arith.constant 0 : i32
    %dma_wait3A_2082 = tpu.memref_slice %arg5[%dma_wait3A_2072, %dma_wait3A_2080, %dma_wait3A_2081] : memref<4x128x128xf32, #tpu.memory_space<vmem>> -> memref<1x128x128xf32, #tpu.memory_space<vmem>>
    %dma_wait3A_2083 = tpu.memref_squeeze %dma_wait3A_2082 : memref<1x128x128xf32, #tpu.memory_space<vmem>> -> memref<128x128xf32, #tpu.memory_space<vmem>>
    %dma_wait3A_2084 = arith.constant 0 : i32
    %dma_wait3A_2085 = tpu.memref_slice %arg2[%select_n3A_1815, %mul3A_1833, %dma_wait3A_2084] : memref<16x4096x128xf32, #tpu.memory_space<hbm>> -> memref<1x128x128xf32, #tpu.memory_space<hbm>>
    %dma_wait3A_2086 = tpu.memref_squeeze %dma_wait3A_2085 : memref<1x128x128xf32, #tpu.memory_space<hbm>> -> memref<128x128xf32, #tpu.memory_space<hbm>>
    tpu.wait_dma2 semaphore(%arg10 : memref<!tpu.dma_semaphore, #tpu.memory_space<semaphore_mem>>) src(%dma_wait3A_2086 : memref<128x128xf32, #tpu.memory_space<hbm>>) dst(%dma_wait3A_2083 : memref<128x128xf32, #tpu.memory_space<vmem>>)
    %dma_start3A_2087 = arith.constant 3 : i32
    %dma_start3A_2088 = arith.constant 3 : i32
    %dma_start3A_2089 = arith.constant 0 : i32
    %dma_start3A_2090 = arith.constant 0 : i32
    %dma_start3A_2091 = tpu.memref_slice %arg5[%dma_start3A_2087, %dma_start3A_2089, %dma_start3A_2090] : memref<4x128x128xf32, #tpu.memory_space<vmem>> -> memref<1x128x128xf32, #tpu.memory_space<vmem>>
    %dma_start3A_2092 = tpu.memref_squeeze %dma_start3A_2091 : memref<1x128x128xf32, #tpu.memory_space<vmem>> -> memref<128x128xf32, #tpu.memory_space<vmem>>
    %dma_start3A_2093 = arith.constant 0 : i32
    %dma_start3A_2094 = tpu.memref_slice %arg7[%dma_start3A_2088, %dma_start3A_2093] : memref<6x128xi32, #tpu.memory_space<vmem>> -> memref<1x128xi32, #tpu.memory_space<vmem>>
    %dma_start3A_2095 = tpu.memref_squeeze %dma_start3A_2094 : memref<1x128xi32, #tpu.memory_space<vmem>> -> memref<128xi32, #tpu.memory_space<vmem>>
    %dma_start3A_2096 = arith.constant 0 : i32
    %dma_start3A_2097 = arith.constant 0 : i32
    %dma_start3A_2098 = tpu.memref_slice %arg9[%dma_start3A_2096, %dma_start3A_2097] : memref<48x128xf32, #tpu.memory_space<vmem_shared>> -> memref<48x128xf32, #tpu.memory_space<vmem_shared>>
    tpu.enqueue_indirect_dma source(%dma_start3A_2092 : memref<128x128xf32, #tpu.memory_space<vmem>>) target(%dma_start3A_2098 : memref<48x128xf32, #tpu.memory_space<vmem_shared>>) offsets(%dma_start3A_2095 : memref<128xi32, #tpu.memory_space<vmem>>) semaphore(%arg11 : memref<!tpu.dma_semaphore, #tpu.memory_space<semaphore_mem>>) {add = true}
    %dma_wait3A_2099 = arith.constant 0 : i32
    %dma_wait3A_2100 = arith.constant 0 : i32
    %dma_wait3A_2101 = arith.constant 0 : i32
    %dma_wait3A_2102 = tpu.memref_slice %arg5[%dma_wait3A_2099, %dma_wait3A_2100, %dma_wait3A_2101] : memref<4x128x128xf32, #tpu.memory_space<vmem>> -> memref<1x128x128xf32, #tpu.memory_space<vmem>>
    %dma_wait3A_2103 = tpu.memref_squeeze %dma_wait3A_2102 : memref<1x128x128xf32, #tpu.memory_space<vmem>> -> memref<128x128xf32, #tpu.memory_space<vmem>>
    %dma_wait3A_2104 = arith.constant 0 : i32
    %dma_wait3A_2105 = tpu.memref_slice %arg2[%select_n3A_1913, %mul3A_1931, %dma_wait3A_2104] : memref<16x4096x128xf32, #tpu.memory_space<hbm>> -> memref<1x128x128xf32, #tpu.memory_space<hbm>>
    %dma_wait3A_2106 = tpu.memref_squeeze %dma_wait3A_2105 : memref<1x128x128xf32, #tpu.memory_space<hbm>> -> memref<128x128xf32, #tpu.memory_space<hbm>>
    %dma_wait3A_2107 = arith.constant 0 : i32
    %dma_wait3A_2108 = arith.constant 0 : i32
    %dma_wait3A_2109 = tpu.memref_slice %arg5[%dma_wait3A_2099, %dma_wait3A_2107, %dma_wait3A_2108] : memref<4x128x128xf32, #tpu.memory_space<vmem>> -> memref<1x128x128xf32, #tpu.memory_space<vmem>>
    %dma_wait3A_2110 = tpu.memref_squeeze %dma_wait3A_2109 : memref<1x128x128xf32, #tpu.memory_space<vmem>> -> memref<128x128xf32, #tpu.memory_space<vmem>>
    %dma_wait3A_2111 = arith.constant 0 : i32
    %dma_wait3A_2112 = tpu.memref_slice %arg2[%select_n3A_1913, %mul3A_1931, %dma_wait3A_2111] : memref<16x4096x128xf32, #tpu.memory_space<hbm>> -> memref<1x128x128xf32, #tpu.memory_space<hbm>>
    %dma_wait3A_2113 = tpu.memref_squeeze %dma_wait3A_2112 : memref<1x128x128xf32, #tpu.memory_space<hbm>> -> memref<128x128xf32, #tpu.memory_space<hbm>>
    tpu.wait_dma2 semaphore(%arg10 : memref<!tpu.dma_semaphore, #tpu.memory_space<semaphore_mem>>) src(%dma_wait3A_2113 : memref<128x128xf32, #tpu.memory_space<hbm>>) dst(%dma_wait3A_2110 : memref<128x128xf32, #tpu.memory_space<vmem>>)
    %dma_start3A_2114 = arith.constant 0 : i32
    %dma_start3A_2115 = arith.constant 4 : i32
    %dma_start3A_2116 = arith.constant 0 : i32
    %dma_start3A_2117 = arith.constant 0 : i32
    %dma_start3A_2118 = tpu.memref_slice %arg5[%dma_start3A_2114, %dma_start3A_2116, %dma_start3A_2117] : memref<4x128x128xf32, #tpu.memory_space<vmem>> -> memref<1x128x128xf32, #tpu.memory_space<vmem>>
    %dma_start3A_2119 = tpu.memref_squeeze %dma_start3A_2118 : memref<1x128x128xf32, #tpu.memory_space<vmem>> -> memref<128x128xf32, #tpu.memory_space<vmem>>
    %dma_start3A_2120 = arith.constant 0 : i32
    %dma_start3A_2121 = tpu.memref_slice %arg7[%dma_start3A_2115, %dma_start3A_2120] : memref<6x128xi32, #tpu.memory_space<vmem>> -> memref<1x128xi32, #tpu.memory_space<vmem>>
    %dma_start3A_2122 = tpu.memref_squeeze %dma_start3A_2121 : memref<1x128xi32, #tpu.memory_space<vmem>> -> memref<128xi32, #tpu.memory_space<vmem>>
    %dma_start3A_2123 = arith.constant 0 : i32
    %dma_start3A_2124 = arith.constant 0 : i32
    %dma_start3A_2125 = tpu.memref_slice %arg9[%dma_start3A_2123, %dma_start3A_2124] : memref<48x128xf32, #tpu.memory_space<vmem_shared>> -> memref<48x128xf32, #tpu.memory_space<vmem_shared>>
    tpu.enqueue_indirect_dma source(%dma_start3A_2119 : memref<128x128xf32, #tpu.memory_space<vmem>>) target(%dma_start3A_2125 : memref<48x128xf32, #tpu.memory_space<vmem_shared>>) offsets(%dma_start3A_2122 : memref<128xi32, #tpu.memory_space<vmem>>) semaphore(%arg11 : memref<!tpu.dma_semaphore, #tpu.memory_space<semaphore_mem>>) {add = true}
    %dma_wait3A_2126 = arith.constant 1 : i32
    %dma_wait3A_2127 = arith.constant 0 : i32
    %dma_wait3A_2128 = arith.constant 0 : i32
    %dma_wait3A_2129 = tpu.memref_slice %arg5[%dma_wait3A_2126, %dma_wait3A_2127, %dma_wait3A_2128] : memref<4x128x128xf32, #tpu.memory_space<vmem>> -> memref<1x128x128xf32, #tpu.memory_space<vmem>>
    %dma_wait3A_2130 = tpu.memref_squeeze %dma_wait3A_2129 : memref<1x128x128xf32, #tpu.memory_space<vmem>> -> memref<128x128xf32, #tpu.memory_space<vmem>>
    %dma_wait3A_2131 = arith.constant 0 : i32
    %dma_wait3A_2132 = tpu.memref_slice %arg2[%select_n3A_2011, %mul3A_2029, %dma_wait3A_2131] : memref<16x4096x128xf32, #tpu.memory_space<hbm>> -> memref<1x128x128xf32, #tpu.memory_space<hbm>>
    %dma_wait3A_2133 = tpu.memref_squeeze %dma_wait3A_2132 : memref<1x128x128xf32, #tpu.memory_space<hbm>> -> memref<128x128xf32, #tpu.memory_space<hbm>>
    %dma_wait3A_2134 = arith.constant 0 : i32
    %dma_wait3A_2135 = arith.constant 0 : i32
    %dma_wait3A_2136 = tpu.memref_slice %arg5[%dma_wait3A_2126, %dma_wait3A_2134, %dma_wait3A_2135] : memref<4x128x128xf32, #tpu.memory_space<vmem>> -> memref<1x128x128xf32, #tpu.memory_space<vmem>>
    %dma_wait3A_2137 = tpu.memref_squeeze %dma_wait3A_2136 : memref<1x128x128xf32, #tpu.memory_space<vmem>> -> memref<128x128xf32, #tpu.memory_space<vmem>>
    %dma_wait3A_2138 = arith.constant 0 : i32
    %dma_wait3A_2139 = tpu.memref_slice %arg2[%select_n3A_2011, %mul3A_2029, %dma_wait3A_2138] : memref<16x4096x128xf32, #tpu.memory_space<hbm>> -> memref<1x128x128xf32, #tpu.memory_space<hbm>>
    %dma_wait3A_2140 = tpu.memref_squeeze %dma_wait3A_2139 : memref<1x128x128xf32, #tpu.memory_space<hbm>> -> memref<128x128xf32, #tpu.memory_space<hbm>>
    tpu.wait_dma2 semaphore(%arg10 : memref<!tpu.dma_semaphore, #tpu.memory_space<semaphore_mem>>) src(%dma_wait3A_2140 : memref<128x128xf32, #tpu.memory_space<hbm>>) dst(%dma_wait3A_2137 : memref<128x128xf32, #tpu.memory_space<vmem>>)
    %dma_start3A_2141 = arith.constant 1 : i32
    %dma_start3A_2142 = arith.constant 5 : i32
    %dma_start3A_2143 = arith.constant 0 : i32
    %dma_start3A_2144 = arith.constant 0 : i32
    %dma_start3A_2145 = tpu.memref_slice %arg5[%dma_start3A_2141, %dma_start3A_2143, %dma_start3A_2144] : memref<4x128x128xf32, #tpu.memory_space<vmem>> -> memref<1x128x128xf32, #tpu.memory_space<vmem>>
    %dma_start3A_2146 = tpu.memref_squeeze %dma_start3A_2145 : memref<1x128x128xf32, #tpu.memory_space<vmem>> -> memref<128x128xf32, #tpu.memory_space<vmem>>
    %dma_start3A_2147 = arith.constant 0 : i32
    %dma_start3A_2148 = tpu.memref_slice %arg7[%dma_start3A_2142, %dma_start3A_2147] : memref<6x128xi32, #tpu.memory_space<vmem>> -> memref<1x128xi32, #tpu.memory_space<vmem>>
    %dma_start3A_2149 = tpu.memref_squeeze %dma_start3A_2148 : memref<1x128xi32, #tpu.memory_space<vmem>> -> memref<128xi32, #tpu.memory_space<vmem>>
    %dma_start3A_2150 = arith.constant 0 : i32
    %dma_start3A_2151 = arith.constant 0 : i32
    %dma_start3A_2152 = tpu.memref_slice %arg9[%dma_start3A_2150, %dma_start3A_2151] : memref<48x128xf32, #tpu.memory_space<vmem_shared>> -> memref<48x128xf32, #tpu.memory_space<vmem_shared>>
    tpu.enqueue_indirect_dma source(%dma_start3A_2146 : memref<128x128xf32, #tpu.memory_space<vmem>>) target(%dma_start3A_2152 : memref<48x128xf32, #tpu.memory_space<vmem_shared>>) offsets(%dma_start3A_2149 : memref<128xi32, #tpu.memory_space<vmem>>) semaphore(%arg11 : memref<!tpu.dma_semaphore, #tpu.memory_space<semaphore_mem>>) {add = true}
    %dma_wait3A_2153 = arith.constant 0 : i32
    %dma_wait3A_2154 = arith.constant 4 : i32
    %dma_wait3A_2155 = arith.constant 0 : i32
    %dma_wait3A_2156 = arith.constant 0 : i32
    %dma_wait3A_2157 = tpu.memref_slice %arg5[%dma_wait3A_2153, %dma_wait3A_2155, %dma_wait3A_2156] : memref<4x128x128xf32, #tpu.memory_space<vmem>> -> memref<1x128x128xf32, #tpu.memory_space<vmem>>
    %dma_wait3A_2158 = tpu.memref_squeeze %dma_wait3A_2157 : memref<1x128x128xf32, #tpu.memory_space<vmem>> -> memref<128x128xf32, #tpu.memory_space<vmem>>
    %dma_wait3A_2159 = arith.constant 0 : i32
    %dma_wait3A_2160 = tpu.memref_slice %arg7[%dma_wait3A_2154, %dma_wait3A_2159] : memref<6x128xi32, #tpu.memory_space<vmem>> -> memref<1x128xi32, #tpu.memory_space<vmem>>
    %dma_wait3A_2161 = tpu.memref_squeeze %dma_wait3A_2160 : memref<1x128xi32, #tpu.memory_space<vmem>> -> memref<128xi32, #tpu.memory_space<vmem>>
    %dma_wait3A_2162 = arith.constant 0 : i32
    %dma_wait3A_2163 = arith.constant 0 : i32
    %dma_wait3A_2164 = tpu.memref_slice %arg9[%dma_wait3A_2162, %dma_wait3A_2163] : memref<48x128xf32, #tpu.memory_space<vmem_shared>> -> memref<48x128xf32, #tpu.memory_space<vmem_shared>>
    tpu.wait_indirect_dma semaphore(%arg11 : memref<!tpu.dma_semaphore, #tpu.memory_space<semaphore_mem>>) src(%dma_wait3A_2158 : memref<128x128xf32, #tpu.memory_space<vmem>>) dst(%dma_wait3A_2164 : memref<48x128xf32, #tpu.memory_space<vmem_shared>>)
    %dma_wait3A_2165 = arith.constant 1 : i32
    %dma_wait3A_2166 = arith.constant 5 : i32
    %dma_wait3A_2167 = arith.constant 0 : i32
    %dma_wait3A_2168 = arith.constant 0 : i32
    %dma_wait3A_2169 = tpu.memref_slice %arg5[%dma_wait3A_2165, %dma_wait3A_2167, %dma_wait3A_2168] : memref<4x128x128xf32, #tpu.memory_space<vmem>> -> memref<1x128x128xf32, #tpu.memory_space<vmem>>
    %dma_wait3A_2170 = tpu.memref_squeeze %dma_wait3A_2169 : memref<1x128x128xf32, #tpu.memory_space<vmem>> -> memref<128x128xf32, #tpu.memory_space<vmem>>
    %dma_wait3A_2171 = arith.constant 0 : i32
    %dma_wait3A_2172 = tpu.memref_slice %arg7[%dma_wait3A_2166, %dma_wait3A_2171] : memref<6x128xi32, #tpu.memory_space<vmem>> -> memref<1x128xi32, #tpu.memory_space<vmem>>
    %dma_wait3A_2173 = tpu.memref_squeeze %dma_wait3A_2172 : memref<1x128xi32, #tpu.memory_space<vmem>> -> memref<128xi32, #tpu.memory_space<vmem>>
    %dma_wait3A_2174 = arith.constant 0 : i32
    %dma_wait3A_2175 = arith.constant 0 : i32
    %dma_wait3A_2176 = tpu.memref_slice %arg9[%dma_wait3A_2174, %dma_wait3A_2175] : memref<48x128xf32, #tpu.memory_space<vmem_shared>> -> memref<48x128xf32, #tpu.memory_space<vmem_shared>>
    tpu.wait_indirect_dma semaphore(%arg11 : memref<!tpu.dma_semaphore, #tpu.memory_space<semaphore_mem>>) src(%dma_wait3A_2170 : memref<128x128xf32, #tpu.memory_space<vmem>>) dst(%dma_wait3A_2176 : memref<48x128xf32, #tpu.memory_space<vmem_shared>>)
    %dma_wait3A_2177 = arith.constant 2 : i32
    %dma_wait3A_2178 = arith.constant 2 : i32
    %dma_wait3A_2179 = arith.constant 0 : i32
    %dma_wait3A_2180 = arith.constant 0 : i32
    %dma_wait3A_2181 = tpu.memref_slice %arg5[%dma_wait3A_2177, %dma_wait3A_2179, %dma_wait3A_2180] : memref<4x128x128xf32, #tpu.memory_space<vmem>> -> memref<1x128x128xf32, #tpu.memory_space<vmem>>
    %dma_wait3A_2182 = tpu.memref_squeeze %dma_wait3A_2181 : memref<1x128x128xf32, #tpu.memory_space<vmem>> -> memref<128x128xf32, #tpu.memory_space<vmem>>
    %dma_wait3A_2183 = arith.constant 0 : i32
    %dma_wait3A_2184 = tpu.memref_slice %arg7[%dma_wait3A_2178, %dma_wait3A_2183] : memref<6x128xi32, #tpu.memory_space<vmem>> -> memref<1x128xi32, #tpu.memory_space<vmem>>
    %dma_wait3A_2185 = tpu.memref_squeeze %dma_wait3A_2184 : memref<1x128xi32, #tpu.memory_space<vmem>> -> memref<128xi32, #tpu.memory_space<vmem>>
    %dma_wait3A_2186 = arith.constant 0 : i32
    %dma_wait3A_2187 = arith.constant 0 : i32
    %dma_wait3A_2188 = tpu.memref_slice %arg9[%dma_wait3A_2186, %dma_wait3A_2187] : memref<48x128xf32, #tpu.memory_space<vmem_shared>> -> memref<48x128xf32, #tpu.memory_space<vmem_shared>>
    tpu.wait_indirect_dma semaphore(%arg11 : memref<!tpu.dma_semaphore, #tpu.memory_space<semaphore_mem>>) src(%dma_wait3A_2182 : memref<128x128xf32, #tpu.memory_space<vmem>>) dst(%dma_wait3A_2188 : memref<48x128xf32, #tpu.memory_space<vmem_shared>>)
    %dma_wait3A_2189 = arith.constant 3 : i32
    %dma_wait3A_2190 = arith.constant 3 : i32
    %dma_wait3A_2191 = arith.constant 0 : i32
    %dma_wait3A_2192 = arith.constant 0 : i32
    %dma_wait3A_2193 = tpu.memref_slice %arg5[%dma_wait3A_2189, %dma_wait3A_2191, %dma_wait3A_2192] : memref<4x128x128xf32, #tpu.memory_space<vmem>> -> memref<1x128x128xf32, #tpu.memory_space<vmem>>
    %dma_wait3A_2194 = tpu.memref_squeeze %dma_wait3A_2193 : memref<1x128x128xf32, #tpu.memory_space<vmem>> -> memref<128x128xf32, #tpu.memory_space<vmem>>
    %dma_wait3A_2195 = arith.constant 0 : i32
    %dma_wait3A_2196 = tpu.memref_slice %arg7[%dma_wait3A_2190, %dma_wait3A_2195] : memref<6x128xi32, #tpu.memory_space<vmem>> -> memref<1x128xi32, #tpu.memory_space<vmem>>
    %dma_wait3A_2197 = tpu.memref_squeeze %dma_wait3A_2196 : memref<1x128xi32, #tpu.memory_space<vmem>> -> memref<128xi32, #tpu.memory_space<vmem>>
    %dma_wait3A_2198 = arith.constant 0 : i32
    %dma_wait3A_2199 = arith.constant 0 : i32
    %dma_wait3A_2200 = tpu.memref_slice %arg9[%dma_wait3A_2198, %dma_wait3A_2199] : memref<48x128xf32, #tpu.memory_space<vmem_shared>> -> memref<48x128xf32, #tpu.memory_space<vmem_shared>>
    tpu.wait_indirect_dma semaphore(%arg11 : memref<!tpu.dma_semaphore, #tpu.memory_space<semaphore_mem>>) src(%dma_wait3A_2194 : memref<128x128xf32, #tpu.memory_space<vmem>>) dst(%dma_wait3A_2200 : memref<48x128xf32, #tpu.memory_space<vmem_shared>>)
    %barrier3A_2201 = arith.constant 0 : index
    tpu.barrier barrier_id(%barrier3A_2201)
    %lt3A_2202 = arith.constant 6 : i32
    %lt3A_2203 = arith.cmpi slt, %arg1, %lt3A_2202 : i32
    %convert_element_type3A_2204 = arith.extui %lt3A_2203 : i1 to i32
    %cond3A_2205 = arith.constant 0 : i32
    %cond3A_2206 = arith.cmpi ne, %convert_element_type3A_2204, %cond3A_2205 : i32
    scf.if %cond3A_2206 {
      %mul3A_2207 = arith.constant 8 : i32
      %mul3A_2208 = arith.muli %arg1, %mul3A_2207 : i32
      "tpu.region"() ({
        %run_scoped3A = tpu.sem_alloc : memref<!tpu.dma_semaphore, #tpu.memory_space<semaphore_mem>>
        %dma_start3A_2216 = arith.constant 0 : i32
        %dma_start3A_2217 = tpu.memref_slice %arg9[%mul3A_2208, %dma_start3A_2216] : memref<48x128xf32, #tpu.memory_space<vmem_shared>> -> memref<8x128xf32, #tpu.memory_space<vmem_shared>>
        %dma_start3A_2218 = arith.constant 0 : i32
        %dma_start3A_2219 = tpu.memref_slice %arg9[%mul3A_2208, %dma_start3A_2218] : memref<48x128xf32, #tpu.memory_space<vmem_shared>> -> memref<8x128xf32, #tpu.memory_space<vmem_shared>>
        tpu.enqueue_dma source(%dma_start3A_2219 : memref<8x128xf32, #tpu.memory_space<vmem_shared>>) target(%arg8 : memref<8x128xf32, #tpu.memory_space<vmem>>) target_semaphore(%run_scoped3A : memref<!tpu.dma_semaphore, #tpu.memory_space<semaphore_mem>>)
        %dma_wait3A_2220 = arith.constant 0 : i32
        %dma_wait3A_2221 = tpu.memref_slice %arg9[%mul3A_2208, %dma_wait3A_2220] : memref<48x128xf32, #tpu.memory_space<vmem_shared>> -> memref<8x128xf32, #tpu.memory_space<vmem_shared>>
        %dma_wait3A_2222 = arith.constant 0 : i32
        %dma_wait3A_2223 = tpu.memref_slice %arg9[%mul3A_2208, %dma_wait3A_2222] : memref<48x128xf32, #tpu.memory_space<vmem_shared>> -> memref<8x128xf32, #tpu.memory_space<vmem_shared>>
        tpu.wait_dma2 semaphore(%run_scoped3A : memref<!tpu.dma_semaphore, #tpu.memory_space<semaphore_mem>>) src(%dma_wait3A_2223 : memref<8x128xf32, #tpu.memory_space<vmem_shared>>) dst(%arg8 : memref<8x128xf32, #tpu.memory_space<vmem>>)
        tpu.yield
      }) : () -> ()
      %mul3A_2209 = arith.constant 3 : i32
      %mul3A_2210 = arith.muli %arg0, %mul3A_2209 : i32
      %mul3A_2211 = arith.constant 16 : i32
      %mul3A_2212 = arith.muli %mul3A_2210, %mul3A_2211 : i32
      %mul3A_2213 = arith.constant 8 : i32
      %mul3A_2214 = arith.muli %arg1, %mul3A_2213 : i32
      %add3A_2215 = arith.addi %mul3A_2212, %mul3A_2214 : i32
      "tpu.region"() ({
        %run_scoped3A = tpu.sem_alloc : memref<!tpu.dma_semaphore, #tpu.memory_space<semaphore_mem>>
        %dma_start3A_2216 = arith.constant 0 : i32
        %dma_start3A_2217 = tpu.memref_slice %arg4[%add3A_2215, %dma_start3A_2216] : memref<96x128xf32, #tpu.memory_space<hbm>> -> memref<8x128xf32, #tpu.memory_space<hbm>>
        %dma_start3A_2218 = arith.constant 0 : i32
        %dma_start3A_2219 = tpu.memref_slice %arg4[%add3A_2215, %dma_start3A_2218] : memref<96x128xf32, #tpu.memory_space<hbm>> -> memref<8x128xf32, #tpu.memory_space<hbm>>
        tpu.enqueue_dma source(%arg8 : memref<8x128xf32, #tpu.memory_space<vmem>>) target(%dma_start3A_2219 : memref<8x128xf32, #tpu.memory_space<hbm>>) target_semaphore(%run_scoped3A : memref<!tpu.dma_semaphore, #tpu.memory_space<semaphore_mem>>)
        %dma_wait3A_2220 = arith.constant 0 : i32
        %dma_wait3A_2221 = tpu.memref_slice %arg4[%add3A_2215, %dma_wait3A_2220] : memref<96x128xf32, #tpu.memory_space<hbm>> -> memref<8x128xf32, #tpu.memory_space<hbm>>
        %dma_wait3A_2222 = arith.constant 0 : i32
        %dma_wait3A_2223 = tpu.memref_slice %arg4[%add3A_2215, %dma_wait3A_2222] : memref<96x128xf32, #tpu.memory_space<hbm>> -> memref<8x128xf32, #tpu.memory_space<hbm>>
        tpu.wait_dma2 semaphore(%run_scoped3A : memref<!tpu.dma_semaphore, #tpu.memory_space<semaphore_mem>>) src(%arg8 : memref<8x128xf32, #tpu.memory_space<vmem>>) dst(%dma_wait3A_2223 : memref<8x128xf32, #tpu.memory_space<hbm>>)
        tpu.yield
      }) : () -> ()
    } else {
    }
    return
  }
}

module attributes {stable_mosaic.version = 14 : i64} {
  func.func @_tc_batch_body(%arg0: i32, %arg1: memref<1x4096x128xf32, #tpu.memory_space<vmem>>, %arg2: memref<16x4096xi32, #tpu.memory_space<vmem>>, %arg3: memref<1x16x128xf32, #tpu.memory_space<vmem>>, %arg4: memref<1x1x16xi32, #tpu.memory_space<vmem>>) attributes {dimension_semantics = [#tpu.dimension_semantics<arbitrary>], iteration_bounds = array<i64: 10>, scalar_prefetch = 0 : i64, scratch_operands = 0 : i64, tpu.core_type = #tpu.core_type<tc>, window_params = [{transform_indices = @transform_0, window_bounds = array<i64: 1, 4096, 128>}, {pipeline_mode = #tpu.pipeline_mode<synchronous>, transform_indices = @transform_1, window_bounds = array<i64: 16, 4096>}, {transform_indices = @transform_2, window_bounds = array<i64: 1, 16, 128>}, {transform_indices = @transform_3, window_bounds = array<i64: 1, 1, 16>}]} {
    %get3A = arith.constant 0 : index
    %get3A_0 = arith.constant 0 : index
    %get3A_1 = arith.constant 0 : index
    %get3A_2 = vector.load %arg1[%get3A, %get3A_0, %get3A_1] : memref<1x4096x128xf32, #tpu.memory_space<vmem>>, vector<1x4096x128xf32>
    %get3A_3 = vector.shape_cast %get3A_2 : vector<1x4096x128xf32> to vector<4096x128xf32>
    %add3A = arith.constant 6 : i32
    %add3A_4 = arith.addi %add3A, %arg0 : i32
    %get3A_5 = arith.index_cast %add3A_4 : i32 to index
    %get3A_6 = arith.constant 0 : index
    %get3A_7 = vector.load %arg2[%get3A_5, %get3A_6] : memref<16x4096xi32, #tpu.memory_space<vmem>>, vector<1x4096xi32>
    %iota3A = tpu.iota {dimensions = array<i32: 0>} : vector<16x4096xi32>
    %eq3A = vector.broadcast %get3A_7 : vector<1x4096xi32> to vector<16x4096xi32>
    %eq3A_8 = arith.cmpi eq, %eq3A, %iota3A : vector<16x4096xi32>
    %convert_element_type3A = arith.extui %eq3A_8 : vector<16x4096xi1> to vector<16x4096xi32>
    %convert_element_type3A_9 = arith.sitofp %convert_element_type3A : vector<16x4096xi32> to vector<16x4096xf32>
    %convert_element_type3A_10 = arith.truncf %convert_element_type3A_9 : vector<16x4096xf32> to vector<16x4096xbf16>
    %convert_element_type3A_11 = arith.truncf %get3A_3 : vector<4096x128xf32> to vector<4096x128xbf16>
    %convert_element_type3A_12 = arith.extf %convert_element_type3A_11 : vector<4096x128xbf16> to vector<4096x128xf32>
    %sub3A = arith.subf %get3A_3, %convert_element_type3A_12 : vector<4096x128xf32>
    %convert_element_type3A_13 = arith.truncf %sub3A : vector<4096x128xf32> to vector<4096x128xbf16>
    %dot_general3A = arith.constant dense<0.000000e+00> : vector<16x128xf32>
    %dot_general3A_14 = tpu.matmul %convert_element_type3A_10, %convert_element_type3A_11, %dot_general3A {dimension_numbers = #tpu.dot_dimension_numbers<[1], [0], [0], [1], [0, 0, 1, 1], [], []>, transpose_lhs_hint = false} : vector<16x4096xbf16>, vector<4096x128xbf16>, vector<16x128xf32> -> vector<16x128xf32>
    %dot_general3A_15 = arith.constant dense<0.000000e+00> : vector<16x128xf32>
    %dot_general3A_16 = tpu.matmul %convert_element_type3A_10, %convert_element_type3A_13, %dot_general3A_15 {dimension_numbers = #tpu.dot_dimension_numbers<[1], [0], [0], [1], [0, 0, 1, 1], [], []>, transpose_lhs_hint = false} : vector<16x4096xbf16>, vector<4096x128xbf16>, vector<16x128xf32> -> vector<16x128xf32>
    %add3A_17 = arith.addf %dot_general3A_14, %dot_general3A_16 : vector<16x128xf32>
    %broadcast_in_dim3A = vector.shape_cast %add3A_17 : vector<16x128xf32> to vector<1x16x128xf32>
    %swap3A = arith.constant 0 : index
    %swap3A_18 = arith.constant 0 : index
    %swap3A_19 = arith.constant 0 : index
    %swap3A_20 = vector.load %arg3[%swap3A, %swap3A_18, %swap3A_19] : memref<1x16x128xf32, #tpu.memory_space<vmem>>, vector<1x16x128xf32>
    tpu.vector_store %arg3[%swap3A, %swap3A_18, %swap3A_19], %broadcast_in_dim3A {strides = array<i32>} : memref<1x16x128xf32, #tpu.memory_space<vmem>>, vector<1x16x128xf32>,
    %convert_element_type3A_21 = arith.extui %eq3A_8 : vector<16x4096xi1> to vector<16x4096xi32>
    %reduce_sum3A = arith.constant dense<0> : vector<16xi32>
    %reduce_sum3A_22 = vector.multi_reduction <add>, %convert_element_type3A_21, %reduce_sum3A [1] : vector<16x4096xi32> to vector<16xi32>
    %broadcast_in_dim3A_23 = vector.shape_cast %reduce_sum3A_22 : vector<16xi32> to vector<16x1xi32>
    %reshape3A = vector.shape_cast %broadcast_in_dim3A_23 : vector<16x1xi32> to vector<1x1x16xi32>
    %swap3A_24 = arith.constant 0 : index
    %swap3A_25 = arith.constant 0 : index
    %swap3A_26 = arith.constant 0 : index
    %swap3A_27 = vector.load %arg4[%swap3A_24, %swap3A_25, %swap3A_26] : memref<1x1x16xi32, #tpu.memory_space<vmem>>, vector<1x1x16xi32>
    tpu.vector_store %arg4[%swap3A_24, %swap3A_25, %swap3A_26], %reshape3A {strides = array<i32>} : memref<1x1x16xi32, #tpu.memory_space<vmem>>, vector<1x1x16xi32>,
    return
  }
  func.func @transform_0(%arg0: i32) -> (i32, i32, i32) {
    %add3A = arith.constant 6 : i32
    %add3A_0 = arith.addi %add3A, %arg0 : i32
    %c0_i32 = arith.constant 0 : i32
    %c0_i32_1 = arith.constant 0 : i32
    %c0_i32_2 = arith.constant 0 : i32
    return %add3A_0, %c0_i32, %c0_i32_1 : i32, i32, i32
  }
  func.func @transform_1(%arg0: i32) -> (i32, i32) {
    %c0_i32 = arith.constant 0 : i32
    %c0_i32_0 = arith.constant 0 : i32
    %c0_i32_1 = arith.constant 0 : i32
    return %c0_i32, %c0_i32_0 : i32, i32
  }
  func.func @transform_2(%arg0: i32) -> (i32, i32, i32) {
    %c0_i32 = arith.constant 0 : i32
    %c0_i32_0 = arith.constant 0 : i32
    %c0_i32_1 = arith.constant 0 : i32
    return %arg0, %c0_i32, %c0_i32_0 : i32, i32, i32
  }
  func.func @transform_3(%arg0: i32) -> (i32, i32, i32) {
    %c0_i32 = arith.constant 0 : i32
    %c0_i32_0 = arith.constant 0 : i32
    %c0_i32_1 = arith.constant 0 : i32
    return %arg0, %c0_i32, %c0_i32_0 : i32, i32, i32
  }
}

module attributes {stable_mosaic.version = 14 : i64} {
  func.func @_tc_finish_body(%arg0: i32, %arg1: memref<96x128xf32, #tpu.memory_space<vmem>>, %arg2: memref<10x16x128xf32, #tpu.memory_space<vmem>>, %arg3: memref<10x1x16xi32, #tpu.memory_space<vmem>>, %arg4: memref<16x4096xi32, #tpu.memory_space<vmem>>, %arg5: memref<128x128xf32, #tpu.memory_space<vmem>>, %arg6: memref<128xf32, #tpu.memory_space<vmem>>, %arg7: memref<128xf32, #tpu.memory_space<vmem>>, %arg8: memref<128xf32, #tpu.memory_space<vmem>>, %arg9: memref<16x8x128xf32, #tpu.memory_space<vmem>>) attributes {dimension_semantics = [#tpu.dimension_semantics<arbitrary>], iteration_bounds = array<i64: 1>, scalar_prefetch = 0 : i64, scratch_operands = 0 : i64, tpu.core_type = #tpu.core_type<tc>, window_params = [{pipeline_mode = #tpu.pipeline_mode<synchronous>, transform_indices = @transform_0, window_bounds = array<i64: 96, 128>}, {pipeline_mode = #tpu.pipeline_mode<synchronous>, transform_indices = @transform_1, window_bounds = array<i64: 10, 16, 128>}, {pipeline_mode = #tpu.pipeline_mode<synchronous>, transform_indices = @transform_2, window_bounds = array<i64: 10, 1, 16>}, {pipeline_mode = #tpu.pipeline_mode<synchronous>, transform_indices = @transform_3, window_bounds = array<i64: 16, 4096>}, {pipeline_mode = #tpu.pipeline_mode<synchronous>, transform_indices = @transform_4, window_bounds = array<i64: 128, 128>}, {pipeline_mode = #tpu.pipeline_mode<synchronous>, transform_indices = @transform_5, window_bounds = array<i64: 128>}, {pipeline_mode = #tpu.pipeline_mode<synchronous>, transform_indices = @transform_6, window_bounds = array<i64: 128>}, {pipeline_mode = #tpu.pipeline_mode<synchronous>, transform_indices = @transform_7, window_bounds = array<i64: 128>}, {pipeline_mode = #tpu.pipeline_mode<synchronous>, transform_indices = @transform_8, window_bounds = array<i64: 16, 8, 128>}]} {
    %get3A = arith.constant 0 : index
    %get3A_0 = arith.constant 0 : index
    %get3A_1 = vector.load %arg1[%get3A, %get3A_0] : memref<96x128xf32, #tpu.memory_space<vmem>>, vector<96x128xf32>
    %reshape3A = vector.shape_cast %get3A_1 : vector<96x128xf32> to vector<6x16x128xf32>
    %get3A_2 = arith.constant 0 : index
    %get3A_3 = arith.constant 0 : index
    %get3A_4 = arith.constant 0 : index
    %get3A_5 = vector.load %arg2[%get3A_2, %get3A_3, %get3A_4] : memref<10x16x128xf32, #tpu.memory_space<vmem>>, vector<10x16x128xf32>
    %concatenate3A = tpu.concatenate %reshape3A, %get3A_5 in 0 : vector<6x16x128xf32>, vector<10x16x128xf32> -> vector<16x16x128xf32>
    %get3A_6 = arith.constant 0 : index
    %get3A_7 = arith.constant 0 : index
    %get3A_8 = vector.load %arg4[%get3A_6, %get3A_7] : memref<16x4096xi32, #tpu.memory_space<vmem>>, vector<6x4096xi32>
    %eq3A = arith.constant 0 : i32
    %eq3A_9 = vector.broadcast %eq3A : i32 to vector<6x4096xi32>
    %eq3A_10 = arith.cmpi eq, %get3A_8, %eq3A_9 : vector<6x4096xi32>
    %convert_element_type3A = arith.extui %eq3A_10 : vector<6x4096xi1> to vector<6x4096xi32>
    %reduce_sum3A = arith.constant dense<0> : vector<6xi32>
    %reduce_sum3A_11 = vector.multi_reduction <add>, %convert_element_type3A, %reduce_sum3A [1] : vector<6x4096xi32> to vector<6xi32>
    %broadcast_in_dim3A = vector.shape_cast %reduce_sum3A_11 : vector<6xi32> to vector<6x1xi32>
    %eq3A_12 = arith.constant 1 : i32
    %eq3A_13 = vector.broadcast %eq3A_12 : i32 to vector<6x4096xi32>
    %eq3A_14 = arith.cmpi eq, %get3A_8, %eq3A_13 : vector<6x4096xi32>
    %convert_element_type3A_15 = arith.extui %eq3A_14 : vector<6x4096xi1> to vector<6x4096xi32>
    %reduce_sum3A_16 = arith.constant dense<0> : vector<6xi32>
    %reduce_sum3A_17 = vector.multi_reduction <add>, %convert_element_type3A_15, %reduce_sum3A_16 [1] : vector<6x4096xi32> to vector<6xi32>
    %broadcast_in_dim3A_18 = vector.shape_cast %reduce_sum3A_17 : vector<6xi32> to vector<6x1xi32>
    %eq3A_19 = arith.constant 2 : i32
    %eq3A_20 = vector.broadcast %eq3A_19 : i32 to vector<6x4096xi32>
    %eq3A_21 = arith.cmpi eq, %get3A_8, %eq3A_20 : vector<6x4096xi32>
    %convert_element_type3A_22 = arith.extui %eq3A_21 : vector<6x4096xi1> to vector<6x4096xi32>
    %reduce_sum3A_23 = arith.constant dense<0> : vector<6xi32>
    %reduce_sum3A_24 = vector.multi_reduction <add>, %convert_element_type3A_22, %reduce_sum3A_23 [1] : vector<6x4096xi32> to vector<6xi32>
    %broadcast_in_dim3A_25 = vector.shape_cast %reduce_sum3A_24 : vector<6xi32> to vector<6x1xi32>
    %eq3A_26 = arith.constant 3 : i32
    %eq3A_27 = vector.broadcast %eq3A_26 : i32 to vector<6x4096xi32>
    %eq3A_28 = arith.cmpi eq, %get3A_8, %eq3A_27 : vector<6x4096xi32>
    %convert_element_type3A_29 = arith.extui %eq3A_28 : vector<6x4096xi1> to vector<6x4096xi32>
    %reduce_sum3A_30 = arith.constant dense<0> : vector<6xi32>
    %reduce_sum3A_31 = vector.multi_reduction <add>, %convert_element_type3A_29, %reduce_sum3A_30 [1] : vector<6x4096xi32> to vector<6xi32>
    %broadcast_in_dim3A_32 = vector.shape_cast %reduce_sum3A_31 : vector<6xi32> to vector<6x1xi32>
    %eq3A_33 = arith.constant 4 : i32
    %eq3A_34 = vector.broadcast %eq3A_33 : i32 to vector<6x4096xi32>
    %eq3A_35 = arith.cmpi eq, %get3A_8, %eq3A_34 : vector<6x4096xi32>
    %convert_element_type3A_36 = arith.extui %eq3A_35 : vector<6x4096xi1> to vector<6x4096xi32>
    %reduce_sum3A_37 = arith.constant dense<0> : vector<6xi32>
    %reduce_sum3A_38 = vector.multi_reduction <add>, %convert_element_type3A_36, %reduce_sum3A_37 [1] : vector<6x4096xi32> to vector<6xi32>
    %broadcast_in_dim3A_39 = vector.shape_cast %reduce_sum3A_38 : vector<6xi32> to vector<6x1xi32>
    %eq3A_40 = arith.constant 5 : i32
    %eq3A_41 = vector.broadcast %eq3A_40 : i32 to vector<6x4096xi32>
    %eq3A_42 = arith.cmpi eq, %get3A_8, %eq3A_41 : vector<6x4096xi32>
    %convert_element_type3A_43 = arith.extui %eq3A_42 : vector<6x4096xi1> to vector<6x4096xi32>
    %reduce_sum3A_44 = arith.constant dense<0> : vector<6xi32>
    %reduce_sum3A_45 = vector.multi_reduction <add>, %convert_element_type3A_43, %reduce_sum3A_44 [1] : vector<6x4096xi32> to vector<6xi32>
    %broadcast_in_dim3A_46 = vector.shape_cast %reduce_sum3A_45 : vector<6xi32> to vector<6x1xi32>
    %eq3A_47 = arith.constant 6 : i32
    %eq3A_48 = vector.broadcast %eq3A_47 : i32 to vector<6x4096xi32>
    %eq3A_49 = arith.cmpi eq, %get3A_8, %eq3A_48 : vector<6x4096xi32>
    %convert_element_type3A_50 = arith.extui %eq3A_49 : vector<6x4096xi1> to vector<6x4096xi32>
    %reduce_sum3A_51 = arith.constant dense<0> : vector<6xi32>
    %reduce_sum3A_52 = vector.multi_reduction <add>, %convert_element_type3A_50, %reduce_sum3A_51 [1] : vector<6x4096xi32> to vector<6xi32>
    %broadcast_in_dim3A_53 = vector.shape_cast %reduce_sum3A_52 : vector<6xi32> to vector<6x1xi32>
    %eq3A_54 = arith.constant 7 : i32
    %eq3A_55 = vector.broadcast %eq3A_54 : i32 to vector<6x4096xi32>
    %eq3A_56 = arith.cmpi eq, %get3A_8, %eq3A_55 : vector<6x4096xi32>
    %convert_element_type3A_57 = arith.extui %eq3A_56 : vector<6x4096xi1> to vector<6x4096xi32>
    %reduce_sum3A_58 = arith.constant dense<0> : vector<6xi32>
    %reduce_sum3A_59 = vector.multi_reduction <add>, %convert_element_type3A_57, %reduce_sum3A_58 [1] : vector<6x4096xi32> to vector<6xi32>
    %broadcast_in_dim3A_60 = vector.shape_cast %reduce_sum3A_59 : vector<6xi32> to vector<6x1xi32>
    %eq3A_61 = arith.constant 8 : i32
    %eq3A_62 = vector.broadcast %eq3A_61 : i32 to vector<6x4096xi32>
    %eq3A_63 = arith.cmpi eq, %get3A_8, %eq3A_62 : vector<6x4096xi32>
    %convert_element_type3A_64 = arith.extui %eq3A_63 : vector<6x4096xi1> to vector<6x4096xi32>
    %reduce_sum3A_65 = arith.constant dense<0> : vector<6xi32>
    %reduce_sum3A_66 = vector.multi_reduction <add>, %convert_element_type3A_64, %reduce_sum3A_65 [1] : vector<6x4096xi32> to vector<6xi32>
    %broadcast_in_dim3A_67 = vector.shape_cast %reduce_sum3A_66 : vector<6xi32> to vector<6x1xi32>
    %eq3A_68 = arith.constant 9 : i32
    %eq3A_69 = vector.broadcast %eq3A_68 : i32 to vector<6x4096xi32>
    %eq3A_70 = arith.cmpi eq, %get3A_8, %eq3A_69 : vector<6x4096xi32>
    %convert_element_type3A_71 = arith.extui %eq3A_70 : vector<6x4096xi1> to vector<6x4096xi32>
    %reduce_sum3A_72 = arith.constant dense<0> : vector<6xi32>
    %reduce_sum3A_73 = vector.multi_reduction <add>, %convert_element_type3A_71, %reduce_sum3A_72 [1] : vector<6x4096xi32> to vector<6xi32>
    %broadcast_in_dim3A_74 = vector.shape_cast %reduce_sum3A_73 : vector<6xi32> to vector<6x1xi32>
    %eq3A_75 = arith.constant 10 : i32
    %eq3A_76 = vector.broadcast %eq3A_75 : i32 to vector<6x4096xi32>
    %eq3A_77 = arith.cmpi eq, %get3A_8, %eq3A_76 : vector<6x4096xi32>
    %convert_element_type3A_78 = arith.extui %eq3A_77 : vector<6x4096xi1> to vector<6x4096xi32>
    %reduce_sum3A_79 = arith.constant dense<0> : vector<6xi32>
    %reduce_sum3A_80 = vector.multi_reduction <add>, %convert_element_type3A_78, %reduce_sum3A_79 [1] : vector<6x4096xi32> to vector<6xi32>
    %broadcast_in_dim3A_81 = vector.shape_cast %reduce_sum3A_80 : vector<6xi32> to vector<6x1xi32>
    %eq3A_82 = arith.constant 11 : i32
    %eq3A_83 = vector.broadcast %eq3A_82 : i32 to vector<6x4096xi32>
    %eq3A_84 = arith.cmpi eq, %get3A_8, %eq3A_83 : vector<6x4096xi32>
    %convert_element_type3A_85 = arith.extui %eq3A_84 : vector<6x4096xi1> to vector<6x4096xi32>
    %reduce_sum3A_86 = arith.constant dense<0> : vector<6xi32>
    %reduce_sum3A_87 = vector.multi_reduction <add>, %convert_element_type3A_85, %reduce_sum3A_86 [1] : vector<6x4096xi32> to vector<6xi32>
    %broadcast_in_dim3A_88 = vector.shape_cast %reduce_sum3A_87 : vector<6xi32> to vector<6x1xi32>
    %eq3A_89 = arith.constant 12 : i32
    %eq3A_90 = vector.broadcast %eq3A_89 : i32 to vector<6x4096xi32>
    %eq3A_91 = arith.cmpi eq, %get3A_8, %eq3A_90 : vector<6x4096xi32>
    %convert_element_type3A_92 = arith.extui %eq3A_91 : vector<6x4096xi1> to vector<6x4096xi32>
    %reduce_sum3A_93 = arith.constant dense<0> : vector<6xi32>
    %reduce_sum3A_94 = vector.multi_reduction <add>, %convert_element_type3A_92, %reduce_sum3A_93 [1] : vector<6x4096xi32> to vector<6xi32>
    %broadcast_in_dim3A_95 = vector.shape_cast %reduce_sum3A_94 : vector<6xi32> to vector<6x1xi32>
    %eq3A_96 = arith.constant 13 : i32
    %eq3A_97 = vector.broadcast %eq3A_96 : i32 to vector<6x4096xi32>
    %eq3A_98 = arith.cmpi eq, %get3A_8, %eq3A_97 : vector<6x4096xi32>
    %convert_element_type3A_99 = arith.extui %eq3A_98 : vector<6x4096xi1> to vector<6x4096xi32>
    %reduce_sum3A_100 = arith.constant dense<0> : vector<6xi32>
    %reduce_sum3A_101 = vector.multi_reduction <add>, %convert_element_type3A_99, %reduce_sum3A_100 [1] : vector<6x4096xi32> to vector<6xi32>
    %broadcast_in_dim3A_102 = vector.shape_cast %reduce_sum3A_101 : vector<6xi32> to vector<6x1xi32>
    %eq3A_103 = arith.constant 14 : i32
    %eq3A_104 = vector.broadcast %eq3A_103 : i32 to vector<6x4096xi32>
    %eq3A_105 = arith.cmpi eq, %get3A_8, %eq3A_104 : vector<6x4096xi32>
    %convert_element_type3A_106 = arith.extui %eq3A_105 : vector<6x4096xi1> to vector<6x4096xi32>
    %reduce_sum3A_107 = arith.constant dense<0> : vector<6xi32>
    %reduce_sum3A_108 = vector.multi_reduction <add>, %convert_element_type3A_106, %reduce_sum3A_107 [1] : vector<6x4096xi32> to vector<6xi32>
    %broadcast_in_dim3A_109 = vector.shape_cast %reduce_sum3A_108 : vector<6xi32> to vector<6x1xi32>
    %eq3A_110 = arith.constant 15 : i32
    %eq3A_111 = vector.broadcast %eq3A_110 : i32 to vector<6x4096xi32>
    %eq3A_112 = arith.cmpi eq, %get3A_8, %eq3A_111 : vector<6x4096xi32>
    %convert_element_type3A_113 = arith.extui %eq3A_112 : vector<6x4096xi1> to vector<6x4096xi32>
    %reduce_sum3A_114 = arith.constant dense<0> : vector<6xi32>
    %reduce_sum3A_115 = vector.multi_reduction <add>, %convert_element_type3A_113, %reduce_sum3A_114 [1] : vector<6x4096xi32> to vector<6xi32>
    %broadcast_in_dim3A_116 = vector.shape_cast %reduce_sum3A_115 : vector<6xi32> to vector<6x1xi32>
    %concatenate3A_117 = tpu.concatenate %broadcast_in_dim3A, %broadcast_in_dim3A_18, %broadcast_in_dim3A_25, %broadcast_in_dim3A_32, %broadcast_in_dim3A_39, %broadcast_in_dim3A_46, %broadcast_in_dim3A_53, %broadcast_in_dim3A_60, %broadcast_in_dim3A_67, %broadcast_in_dim3A_74, %broadcast_in_dim3A_81, %broadcast_in_dim3A_88, %broadcast_in_dim3A_95, %broadcast_in_dim3A_102, %broadcast_in_dim3A_109, %broadcast_in_dim3A_116 in 1 : vector<6x1xi32>, vector<6x1xi32>, vector<6x1xi32>, vector<6x1xi32>, vector<6x1xi32>, vector<6x1xi32>, vector<6x1xi32>, vector<6x1xi32>, vector<6x1xi32>, vector<6x1xi32>, vector<6x1xi32>, vector<6x1xi32>, vector<6x1xi32>, vector<6x1xi32>, vector<6x1xi32>, vector<6x1xi32> -> vector<6x16xi32>
    %get3A_118 = arith.constant 0 : index
    %get3A_119 = arith.constant 0 : index
    %get3A_120 = arith.constant 0 : index
    %get3A_121 = vector.load %arg3[%get3A_118, %get3A_119, %get3A_120] : memref<10x1x16xi32, #tpu.memory_space<vmem>>, vector<10x1x16xi32>
    %reshape3A_122 = vector.shape_cast %get3A_121 : vector<10x1x16xi32> to vector<10x16xi32>
    %concatenate3A_123 = tpu.concatenate %concatenate3A_117, %reshape3A_122 in 0 : vector<6x16xi32>, vector<10x16xi32> -> vector<16x16xi32>
    %get3A_124 = arith.constant 0 : index
    %get3A_125 = arith.constant 0 : index
    %get3A_126 = vector.load %arg5[%get3A_124, %get3A_125] : memref<128x128xf32, #tpu.memory_space<vmem>>, vector<128x128xf32>
    %get3A_127 = arith.constant 0 : index
    %get3A_128 = vector.load %arg6[%get3A_127] : memref<128xf32, #tpu.memory_space<vmem>>, vector<128xf32>
    %get3A_129 = arith.constant 0 : index
    %get3A_130 = vector.load %arg7[%get3A_129] : memref<128xf32, #tpu.memory_space<vmem>>, vector<128xf32>
    %get3A_131 = arith.constant 0 : index
    %get3A_132 = vector.load %arg8[%get3A_131] : memref<128xf32, #tpu.memory_space<vmem>>, vector<128xf32>
    %iota3A = tpu.iota {dimensions = array<i32: 1>} : vector<16x16xi32>
    %mul3A = arith.constant 16 : i32
    %mul3A_133 = vector.broadcast %mul3A : i32 to vector<16x16xi32>
    %mul3A_134 = arith.muli %concatenate3A_123, %mul3A_133 : vector<16x16xi32>
    %sub3A = arith.constant 15 : i32
    %sub3A_135 = vector.broadcast %sub3A : i32 to vector<16x16xi32>
    %sub3A_136 = arith.subi %sub3A_135, %iota3A : vector<16x16xi32>
    %add3A = arith.addi %mul3A_134, %sub3A_136 : vector<16x16xi32>
    %broadcast_in_dim3A_137 = vector.shape_cast %add3A : vector<16x16xi32> to vector<16x16x1xi32>
    %broadcast_in_dim3A_138 = vector.shape_cast %add3A : vector<16x16xi32> to vector<16x1x16xi32>
    %gt3A = vector.broadcast %broadcast_in_dim3A_137 : vector<16x16x1xi32> to vector<16x16x16xi32>
    %gt3A_139 = vector.broadcast %broadcast_in_dim3A_138 : vector<16x1x16xi32> to vector<16x16x16xi32>
    %gt3A_140 = arith.cmpi sgt, %gt3A, %gt3A_139 : vector<16x16x16xi32>
    %convert_element_type3A_141 = arith.extui %gt3A_140 : vector<16x16x16xi1> to vector<16x16x16xi32>
    %reduce_sum3A_142 = arith.constant dense<0> : vector<16x16xi32>
    %reduce_sum3A_143 = vector.multi_reduction <add>, %convert_element_type3A_141, %reduce_sum3A_142 [1] : vector<16x16x16xi32> to vector<16x16xi32>
    %max3A = arith.constant 1 : i32
    %max3A_144 = vector.broadcast %max3A : i32 to vector<16x16xi32>
    %max3A_145 = arith.maxsi %concatenate3A_123, %max3A_144 : vector<16x16xi32>
    %broadcast_in_dim3A_146 = vector.shape_cast %max3A_145 : vector<16x16xi32> to vector<16x16x1xi32>
    %convert_element_type3A_147 = arith.sitofp %broadcast_in_dim3A_146 : vector<16x16x1xi32> to vector<16x16x1xf32>
    %div3A = vector.broadcast %convert_element_type3A_147 : vector<16x16x1xf32> to vector<16x16x128xf32>
    %div3A_148 = arith.divf %concatenate3A, %div3A : vector<16x16x128xf32>
    %iota3A_149 = tpu.iota {dimensions = array<i32: 1>} : vector<16x8x16xi32>
    %broadcast_in_dim3A_150 = vector.shape_cast %reduce_sum3A_143 : vector<16x16xi32> to vector<16x1x16xi32>
    %eq3A_151 = vector.broadcast %broadcast_in_dim3A_150 : vector<16x1x16xi32> to vector<16x8x16xi32>
    %eq3A_152 = arith.cmpi eq, %eq3A_151, %iota3A_149 : vector<16x8x16xi32>
    %gt3A_153 = arith.constant 0 : i32
    %gt3A_154 = vector.broadcast %gt3A_153 : i32 to vector<16x16xi32>
    %gt3A_155 = arith.cmpi sgt, %concatenate3A_123, %gt3A_154 : vector<16x16xi32>
    %broadcast_in_dim3A_156 = vector.shape_cast %gt3A_155 : vector<16x16xi1> to vector<16x1x16xi1>
    %and3A = vector.broadcast %broadcast_in_dim3A_156 : vector<16x1x16xi1> to vector<16x8x16xi1>
    %and3A_157 = arith.andi %eq3A_152, %and3A : vector<16x8x16xi1>
    %convert_element_type3A_158 = arith.extui %and3A_157 : vector<16x8x16xi1> to vector<16x8x16xi32>
    %convert_element_type3A_159 = arith.sitofp %convert_element_type3A_158 : vector<16x8x16xi32> to vector<16x8x16xf32>
    %convert_element_type3A_160 = arith.truncf %convert_element_type3A_159 : vector<16x8x16xf32> to vector<16x8x16xbf16>
    %slice3A = vector.extract_strided_slice %convert_element_type3A_160 {offsets = [0, 0, 0], sizes = [1, 8, 16], strides = [1, 1, 1]} : vector<16x8x16xbf16> to vector<1x8x16xbf16>
    %squeeze3A = vector.shape_cast %slice3A : vector<1x8x16xbf16> to vector<8x16xbf16>
    %slice3A_161 = vector.extract_strided_slice %div3A_148 {offsets = [0, 0, 0], sizes = [1, 16, 128], strides = [1, 1, 1]} : vector<16x16x128xf32> to vector<1x16x128xf32>
    %squeeze3A_162 = vector.shape_cast %slice3A_161 : vector<1x16x128xf32> to vector<16x128xf32>
    %convert_element_type3A_163 = arith.truncf %squeeze3A_162 : vector<16x128xf32> to vector<16x128xbf16>
    %convert_element_type3A_164 = arith.extf %convert_element_type3A_163 : vector<16x128xbf16> to vector<16x128xf32>
    %sub3A_165 = arith.subf %squeeze3A_162, %convert_element_type3A_164 : vector<16x128xf32>
    %convert_element_type3A_166 = arith.truncf %sub3A_165 : vector<16x128xf32> to vector<16x128xbf16>
    %dot_general3A = arith.constant dense<0.000000e+00> : vector<8x128xf32>
    %dot_general3A_167 = tpu.matmul %squeeze3A, %convert_element_type3A_163, %dot_general3A {dimension_numbers = #tpu.dot_dimension_numbers<[1], [0], [0], [1], [0, 0, 1, 1], [], []>, transpose_lhs_hint = false} : vector<8x16xbf16>, vector<16x128xbf16>, vector<8x128xf32> -> vector<8x128xf32>
    %dot_general3A_168 = arith.constant dense<0.000000e+00> : vector<8x128xf32>
    %dot_general3A_169 = tpu.matmul %squeeze3A, %convert_element_type3A_166, %dot_general3A_168 {dimension_numbers = #tpu.dot_dimension_numbers<[1], [0], [0], [1], [0, 0, 1, 1], [], []>, transpose_lhs_hint = false} : vector<8x16xbf16>, vector<16x128xbf16>, vector<8x128xf32> -> vector<8x128xf32>
    %add3A_170 = arith.addf %dot_general3A_167, %dot_general3A_169 : vector<8x128xf32>
    %slice3A_171 = vector.extract_strided_slice %convert_element_type3A_160 {offsets = [1, 0, 0], sizes = [1, 8, 16], strides = [1, 1, 1]} : vector<16x8x16xbf16> to vector<1x8x16xbf16>
    %squeeze3A_172 = vector.shape_cast %slice3A_171 : vector<1x8x16xbf16> to vector<8x16xbf16>
    %slice3A_173 = vector.extract_strided_slice %div3A_148 {offsets = [1, 0, 0], sizes = [1, 16, 128], strides = [1, 1, 1]} : vector<16x16x128xf32> to vector<1x16x128xf32>
    %squeeze3A_174 = vector.shape_cast %slice3A_173 : vector<1x16x128xf32> to vector<16x128xf32>
    %convert_element_type3A_175 = arith.truncf %squeeze3A_174 : vector<16x128xf32> to vector<16x128xbf16>
    %convert_element_type3A_176 = arith.extf %convert_element_type3A_175 : vector<16x128xbf16> to vector<16x128xf32>
    %sub3A_177 = arith.subf %squeeze3A_174, %convert_element_type3A_176 : vector<16x128xf32>
    %convert_element_type3A_178 = arith.truncf %sub3A_177 : vector<16x128xf32> to vector<16x128xbf16>
    %dot_general3A_179 = arith.constant dense<0.000000e+00> : vector<8x128xf32>
    %dot_general3A_180 = tpu.matmul %squeeze3A_172, %convert_element_type3A_175, %dot_general3A_179 {dimension_numbers = #tpu.dot_dimension_numbers<[1], [0], [0], [1], [0, 0, 1, 1], [], []>, transpose_lhs_hint = false} : vector<8x16xbf16>, vector<16x128xbf16>, vector<8x128xf32> -> vector<8x128xf32>
    %dot_general3A_181 = arith.constant dense<0.000000e+00> : vector<8x128xf32>
    %dot_general3A_182 = tpu.matmul %squeeze3A_172, %convert_element_type3A_178, %dot_general3A_181 {dimension_numbers = #tpu.dot_dimension_numbers<[1], [0], [0], [1], [0, 0, 1, 1], [], []>, transpose_lhs_hint = false} : vector<8x16xbf16>, vector<16x128xbf16>, vector<8x128xf32> -> vector<8x128xf32>
    %add3A_183 = arith.addf %dot_general3A_180, %dot_general3A_182 : vector<8x128xf32>
    %slice3A_184 = vector.extract_strided_slice %convert_element_type3A_160 {offsets = [2, 0, 0], sizes = [1, 8, 16], strides = [1, 1, 1]} : vector<16x8x16xbf16> to vector<1x8x16xbf16>
    %squeeze3A_185 = vector.shape_cast %slice3A_184 : vector<1x8x16xbf16> to vector<8x16xbf16>
    %slice3A_186 = vector.extract_strided_slice %div3A_148 {offsets = [2, 0, 0], sizes = [1, 16, 128], strides = [1, 1, 1]} : vector<16x16x128xf32> to vector<1x16x128xf32>
    %squeeze3A_187 = vector.shape_cast %slice3A_186 : vector<1x16x128xf32> to vector<16x128xf32>
    %convert_element_type3A_188 = arith.truncf %squeeze3A_187 : vector<16x128xf32> to vector<16x128xbf16>
    %convert_element_type3A_189 = arith.extf %convert_element_type3A_188 : vector<16x128xbf16> to vector<16x128xf32>
    %sub3A_190 = arith.subf %squeeze3A_187, %convert_element_type3A_189 : vector<16x128xf32>
    %convert_element_type3A_191 = arith.truncf %sub3A_190 : vector<16x128xf32> to vector<16x128xbf16>
    %dot_general3A_192 = arith.constant dense<0.000000e+00> : vector<8x128xf32>
    %dot_general3A_193 = tpu.matmul %squeeze3A_185, %convert_element_type3A_188, %dot_general3A_192 {dimension_numbers = #tpu.dot_dimension_numbers<[1], [0], [0], [1], [0, 0, 1, 1], [], []>, transpose_lhs_hint = false} : vector<8x16xbf16>, vector<16x128xbf16>, vector<8x128xf32> -> vector<8x128xf32>
    %dot_general3A_194 = arith.constant dense<0.000000e+00> : vector<8x128xf32>
    %dot_general3A_195 = tpu.matmul %squeeze3A_185, %convert_element_type3A_191, %dot_general3A_194 {dimension_numbers = #tpu.dot_dimension_numbers<[1], [0], [0], [1], [0, 0, 1, 1], [], []>, transpose_lhs_hint = false} : vector<8x16xbf16>, vector<16x128xbf16>, vector<8x128xf32> -> vector<8x128xf32>
    %add3A_196 = arith.addf %dot_general3A_193, %dot_general3A_195 : vector<8x128xf32>
    %slice3A_197 = vector.extract_strided_slice %convert_element_type3A_160 {offsets = [3, 0, 0], sizes = [1, 8, 16], strides = [1, 1, 1]} : vector<16x8x16xbf16> to vector<1x8x16xbf16>
    %squeeze3A_198 = vector.shape_cast %slice3A_197 : vector<1x8x16xbf16> to vector<8x16xbf16>
    %slice3A_199 = vector.extract_strided_slice %div3A_148 {offsets = [3, 0, 0], sizes = [1, 16, 128], strides = [1, 1, 1]} : vector<16x16x128xf32> to vector<1x16x128xf32>
    %squeeze3A_200 = vector.shape_cast %slice3A_199 : vector<1x16x128xf32> to vector<16x128xf32>
    %convert_element_type3A_201 = arith.truncf %squeeze3A_200 : vector<16x128xf32> to vector<16x128xbf16>
    %convert_element_type3A_202 = arith.extf %convert_element_type3A_201 : vector<16x128xbf16> to vector<16x128xf32>
    %sub3A_203 = arith.subf %squeeze3A_200, %convert_element_type3A_202 : vector<16x128xf32>
    %convert_element_type3A_204 = arith.truncf %sub3A_203 : vector<16x128xf32> to vector<16x128xbf16>
    %dot_general3A_205 = arith.constant dense<0.000000e+00> : vector<8x128xf32>
    %dot_general3A_206 = tpu.matmul %squeeze3A_198, %convert_element_type3A_201, %dot_general3A_205 {dimension_numbers = #tpu.dot_dimension_numbers<[1], [0], [0], [1], [0, 0, 1, 1], [], []>, transpose_lhs_hint = false} : vector<8x16xbf16>, vector<16x128xbf16>, vector<8x128xf32> -> vector<8x128xf32>
    %dot_general3A_207 = arith.constant dense<0.000000e+00> : vector<8x128xf32>
    %dot_general3A_208 = tpu.matmul %squeeze3A_198, %convert_element_type3A_204, %dot_general3A_207 {dimension_numbers = #tpu.dot_dimension_numbers<[1], [0], [0], [1], [0, 0, 1, 1], [], []>, transpose_lhs_hint = false} : vector<8x16xbf16>, vector<16x128xbf16>, vector<8x128xf32> -> vector<8x128xf32>
    %add3A_209 = arith.addf %dot_general3A_206, %dot_general3A_208 : vector<8x128xf32>
    %slice3A_210 = vector.extract_strided_slice %convert_element_type3A_160 {offsets = [4, 0, 0], sizes = [1, 8, 16], strides = [1, 1, 1]} : vector<16x8x16xbf16> to vector<1x8x16xbf16>
    %squeeze3A_211 = vector.shape_cast %slice3A_210 : vector<1x8x16xbf16> to vector<8x16xbf16>
    %slice3A_212 = vector.extract_strided_slice %div3A_148 {offsets = [4, 0, 0], sizes = [1, 16, 128], strides = [1, 1, 1]} : vector<16x16x128xf32> to vector<1x16x128xf32>
    %squeeze3A_213 = vector.shape_cast %slice3A_212 : vector<1x16x128xf32> to vector<16x128xf32>
    %convert_element_type3A_214 = arith.truncf %squeeze3A_213 : vector<16x128xf32> to vector<16x128xbf16>
    %convert_element_type3A_215 = arith.extf %convert_element_type3A_214 : vector<16x128xbf16> to vector<16x128xf32>
    %sub3A_216 = arith.subf %squeeze3A_213, %convert_element_type3A_215 : vector<16x128xf32>
    %convert_element_type3A_217 = arith.truncf %sub3A_216 : vector<16x128xf32> to vector<16x128xbf16>
    %dot_general3A_218 = arith.constant dense<0.000000e+00> : vector<8x128xf32>
    %dot_general3A_219 = tpu.matmul %squeeze3A_211, %convert_element_type3A_214, %dot_general3A_218 {dimension_numbers = #tpu.dot_dimension_numbers<[1], [0], [0], [1], [0, 0, 1, 1], [], []>, transpose_lhs_hint = false} : vector<8x16xbf16>, vector<16x128xbf16>, vector<8x128xf32> -> vector<8x128xf32>
    %dot_general3A_220 = arith.constant dense<0.000000e+00> : vector<8x128xf32>
    %dot_general3A_221 = tpu.matmul %squeeze3A_211, %convert_element_type3A_217, %dot_general3A_220 {dimension_numbers = #tpu.dot_dimension_numbers<[1], [0], [0], [1], [0, 0, 1, 1], [], []>, transpose_lhs_hint = false} : vector<8x16xbf16>, vector<16x128xbf16>, vector<8x128xf32> -> vector<8x128xf32>
    %add3A_222 = arith.addf %dot_general3A_219, %dot_general3A_221 : vector<8x128xf32>
    %slice3A_223 = vector.extract_strided_slice %convert_element_type3A_160 {offsets = [5, 0, 0], sizes = [1, 8, 16], strides = [1, 1, 1]} : vector<16x8x16xbf16> to vector<1x8x16xbf16>
    %squeeze3A_224 = vector.shape_cast %slice3A_223 : vector<1x8x16xbf16> to vector<8x16xbf16>
    %slice3A_225 = vector.extract_strided_slice %div3A_148 {offsets = [5, 0, 0], sizes = [1, 16, 128], strides = [1, 1, 1]} : vector<16x16x128xf32> to vector<1x16x128xf32>
    %squeeze3A_226 = vector.shape_cast %slice3A_225 : vector<1x16x128xf32> to vector<16x128xf32>
    %convert_element_type3A_227 = arith.truncf %squeeze3A_226 : vector<16x128xf32> to vector<16x128xbf16>
    %convert_element_type3A_228 = arith.extf %convert_element_type3A_227 : vector<16x128xbf16> to vector<16x128xf32>
    %sub3A_229 = arith.subf %squeeze3A_226, %convert_element_type3A_228 : vector<16x128xf32>
    %convert_element_type3A_230 = arith.truncf %sub3A_229 : vector<16x128xf32> to vector<16x128xbf16>
    %dot_general3A_231 = arith.constant dense<0.000000e+00> : vector<8x128xf32>
    %dot_general3A_232 = tpu.matmul %squeeze3A_224, %convert_element_type3A_227, %dot_general3A_231 {dimension_numbers = #tpu.dot_dimension_numbers<[1], [0], [0], [1], [0, 0, 1, 1], [], []>, transpose_lhs_hint = false} : vector<8x16xbf16>, vector<16x128xbf16>, vector<8x128xf32> -> vector<8x128xf32>
    %dot_general3A_233 = arith.constant dense<0.000000e+00> : vector<8x128xf32>
    %dot_general3A_234 = tpu.matmul %squeeze3A_224, %convert_element_type3A_230, %dot_general3A_233 {dimension_numbers = #tpu.dot_dimension_numbers<[1], [0], [0], [1], [0, 0, 1, 1], [], []>, transpose_lhs_hint = false} : vector<8x16xbf16>, vector<16x128xbf16>, vector<8x128xf32> -> vector<8x128xf32>
    %add3A_235 = arith.addf %dot_general3A_232, %dot_general3A_234 : vector<8x128xf32>
    %slice3A_236 = vector.extract_strided_slice %convert_element_type3A_160 {offsets = [6, 0, 0], sizes = [1, 8, 16], strides = [1, 1, 1]} : vector<16x8x16xbf16> to vector<1x8x16xbf16>
    %squeeze3A_237 = vector.shape_cast %slice3A_236 : vector<1x8x16xbf16> to vector<8x16xbf16>
    %slice3A_238 = vector.extract_strided_slice %div3A_148 {offsets = [6, 0, 0], sizes = [1, 16, 128], strides = [1, 1, 1]} : vector<16x16x128xf32> to vector<1x16x128xf32>
    %squeeze3A_239 = vector.shape_cast %slice3A_238 : vector<1x16x128xf32> to vector<16x128xf32>
    %convert_element_type3A_240 = arith.truncf %squeeze3A_239 : vector<16x128xf32> to vector<16x128xbf16>
    %convert_element_type3A_241 = arith.extf %convert_element_type3A_240 : vector<16x128xbf16> to vector<16x128xf32>
    %sub3A_242 = arith.subf %squeeze3A_239, %convert_element_type3A_241 : vector<16x128xf32>
    %convert_element_type3A_243 = arith.truncf %sub3A_242 : vector<16x128xf32> to vector<16x128xbf16>
    %dot_general3A_244 = arith.constant dense<0.000000e+00> : vector<8x128xf32>
    %dot_general3A_245 = tpu.matmul %squeeze3A_237, %convert_element_type3A_240, %dot_general3A_244 {dimension_numbers = #tpu.dot_dimension_numbers<[1], [0], [0], [1], [0, 0, 1, 1], [], []>, transpose_lhs_hint = false} : vector<8x16xbf16>, vector<16x128xbf16>, vector<8x128xf32> -> vector<8x128xf32>
    %dot_general3A_246 = arith.constant dense<0.000000e+00> : vector<8x128xf32>
    %dot_general3A_247 = tpu.matmul %squeeze3A_237, %convert_element_type3A_243, %dot_general3A_246 {dimension_numbers = #tpu.dot_dimension_numbers<[1], [0], [0], [1], [0, 0, 1, 1], [], []>, transpose_lhs_hint = false} : vector<8x16xbf16>, vector<16x128xbf16>, vector<8x128xf32> -> vector<8x128xf32>
    %add3A_248 = arith.addf %dot_general3A_245, %dot_general3A_247 : vector<8x128xf32>
    %slice3A_249 = vector.extract_strided_slice %convert_element_type3A_160 {offsets = [7, 0, 0], sizes = [1, 8, 16], strides = [1, 1, 1]} : vector<16x8x16xbf16> to vector<1x8x16xbf16>
    %squeeze3A_250 = vector.shape_cast %slice3A_249 : vector<1x8x16xbf16> to vector<8x16xbf16>
    %slice3A_251 = vector.extract_strided_slice %div3A_148 {offsets = [7, 0, 0], sizes = [1, 16, 128], strides = [1, 1, 1]} : vector<16x16x128xf32> to vector<1x16x128xf32>
    %squeeze3A_252 = vector.shape_cast %slice3A_251 : vector<1x16x128xf32> to vector<16x128xf32>
    %convert_element_type3A_253 = arith.truncf %squeeze3A_252 : vector<16x128xf32> to vector<16x128xbf16>
    %convert_element_type3A_254 = arith.extf %convert_element_type3A_253 : vector<16x128xbf16> to vector<16x128xf32>
    %sub3A_255 = arith.subf %squeeze3A_252, %convert_element_type3A_254 : vector<16x128xf32>
    %convert_element_type3A_256 = arith.truncf %sub3A_255 : vector<16x128xf32> to vector<16x128xbf16>
    %dot_general3A_257 = arith.constant dense<0.000000e+00> : vector<8x128xf32>
    %dot_general3A_258 = tpu.matmul %squeeze3A_250, %convert_element_type3A_253, %dot_general3A_257 {dimension_numbers = #tpu.dot_dimension_numbers<[1], [0], [0], [1], [0, 0, 1, 1], [], []>, transpose_lhs_hint = false} : vector<8x16xbf16>, vector<16x128xbf16>, vector<8x128xf32> -> vector<8x128xf32>
    %dot_general3A_259 = arith.constant dense<0.000000e+00> : vector<8x128xf32>
    %dot_general3A_260 = tpu.matmul %squeeze3A_250, %convert_element_type3A_256, %dot_general3A_259 {dimension_numbers = #tpu.dot_dimension_numbers<[1], [0], [0], [1], [0, 0, 1, 1], [], []>, transpose_lhs_hint = false} : vector<8x16xbf16>, vector<16x128xbf16>, vector<8x128xf32> -> vector<8x128xf32>
    %add3A_261 = arith.addf %dot_general3A_258, %dot_general3A_260 : vector<8x128xf32>
    %slice3A_262 = vector.extract_strided_slice %convert_element_type3A_160 {offsets = [8, 0, 0], sizes = [1, 8, 16], strides = [1, 1, 1]} : vector<16x8x16xbf16> to vector<1x8x16xbf16>
    %squeeze3A_263 = vector.shape_cast %slice3A_262 : vector<1x8x16xbf16> to vector<8x16xbf16>
    %slice3A_264 = vector.extract_strided_slice %div3A_148 {offsets = [8, 0, 0], sizes = [1, 16, 128], strides = [1, 1, 1]} : vector<16x16x128xf32> to vector<1x16x128xf32>
    %squeeze3A_265 = vector.shape_cast %slice3A_264 : vector<1x16x128xf32> to vector<16x128xf32>
    %convert_element_type3A_266 = arith.truncf %squeeze3A_265 : vector<16x128xf32> to vector<16x128xbf16>
    %convert_element_type3A_267 = arith.extf %convert_element_type3A_266 : vector<16x128xbf16> to vector<16x128xf32>
    %sub3A_268 = arith.subf %squeeze3A_265, %convert_element_type3A_267 : vector<16x128xf32>
    %convert_element_type3A_269 = arith.truncf %sub3A_268 : vector<16x128xf32> to vector<16x128xbf16>
    %dot_general3A_270 = arith.constant dense<0.000000e+00> : vector<8x128xf32>
    %dot_general3A_271 = tpu.matmul %squeeze3A_263, %convert_element_type3A_266, %dot_general3A_270 {dimension_numbers = #tpu.dot_dimension_numbers<[1], [0], [0], [1], [0, 0, 1, 1], [], []>, transpose_lhs_hint = false} : vector<8x16xbf16>, vector<16x128xbf16>, vector<8x128xf32> -> vector<8x128xf32>
    %dot_general3A_272 = arith.constant dense<0.000000e+00> : vector<8x128xf32>
    %dot_general3A_273 = tpu.matmul %squeeze3A_263, %convert_element_type3A_269, %dot_general3A_272 {dimension_numbers = #tpu.dot_dimension_numbers<[1], [0], [0], [1], [0, 0, 1, 1], [], []>, transpose_lhs_hint = false} : vector<8x16xbf16>, vector<16x128xbf16>, vector<8x128xf32> -> vector<8x128xf32>
    %add3A_274 = arith.addf %dot_general3A_271, %dot_general3A_273 : vector<8x128xf32>
    %slice3A_275 = vector.extract_strided_slice %convert_element_type3A_160 {offsets = [9, 0, 0], sizes = [1, 8, 16], strides = [1, 1, 1]} : vector<16x8x16xbf16> to vector<1x8x16xbf16>
    %squeeze3A_276 = vector.shape_cast %slice3A_275 : vector<1x8x16xbf16> to vector<8x16xbf16>
    %slice3A_277 = vector.extract_strided_slice %div3A_148 {offsets = [9, 0, 0], sizes = [1, 16, 128], strides = [1, 1, 1]} : vector<16x16x128xf32> to vector<1x16x128xf32>
    %squeeze3A_278 = vector.shape_cast %slice3A_277 : vector<1x16x128xf32> to vector<16x128xf32>
    %convert_element_type3A_279 = arith.truncf %squeeze3A_278 : vector<16x128xf32> to vector<16x128xbf16>
    %convert_element_type3A_280 = arith.extf %convert_element_type3A_279 : vector<16x128xbf16> to vector<16x128xf32>
    %sub3A_281 = arith.subf %squeeze3A_278, %convert_element_type3A_280 : vector<16x128xf32>
    %convert_element_type3A_282 = arith.truncf %sub3A_281 : vector<16x128xf32> to vector<16x128xbf16>
    %dot_general3A_283 = arith.constant dense<0.000000e+00> : vector<8x128xf32>
    %dot_general3A_284 = tpu.matmul %squeeze3A_276, %convert_element_type3A_279, %dot_general3A_283 {dimension_numbers = #tpu.dot_dimension_numbers<[1], [0], [0], [1], [0, 0, 1, 1], [], []>, transpose_lhs_hint = false} : vector<8x16xbf16>, vector<16x128xbf16>, vector<8x128xf32> -> vector<8x128xf32>
    %dot_general3A_285 = arith.constant dense<0.000000e+00> : vector<8x128xf32>
    %dot_general3A_286 = tpu.matmul %squeeze3A_276, %convert_element_type3A_282, %dot_general3A_285 {dimension_numbers = #tpu.dot_dimension_numbers<[1], [0], [0], [1], [0, 0, 1, 1], [], []>, transpose_lhs_hint = false} : vector<8x16xbf16>, vector<16x128xbf16>, vector<8x128xf32> -> vector<8x128xf32>
    %add3A_287 = arith.addf %dot_general3A_284, %dot_general3A_286 : vector<8x128xf32>
    %slice3A_288 = vector.extract_strided_slice %convert_element_type3A_160 {offsets = [10, 0, 0], sizes = [1, 8, 16], strides = [1, 1, 1]} : vector<16x8x16xbf16> to vector<1x8x16xbf16>
    %squeeze3A_289 = vector.shape_cast %slice3A_288 : vector<1x8x16xbf16> to vector<8x16xbf16>
    %slice3A_290 = vector.extract_strided_slice %div3A_148 {offsets = [10, 0, 0], sizes = [1, 16, 128], strides = [1, 1, 1]} : vector<16x16x128xf32> to vector<1x16x128xf32>
    %squeeze3A_291 = vector.shape_cast %slice3A_290 : vector<1x16x128xf32> to vector<16x128xf32>
    %convert_element_type3A_292 = arith.truncf %squeeze3A_291 : vector<16x128xf32> to vector<16x128xbf16>
    %convert_element_type3A_293 = arith.extf %convert_element_type3A_292 : vector<16x128xbf16> to vector<16x128xf32>
    %sub3A_294 = arith.subf %squeeze3A_291, %convert_element_type3A_293 : vector<16x128xf32>
    %convert_element_type3A_295 = arith.truncf %sub3A_294 : vector<16x128xf32> to vector<16x128xbf16>
    %dot_general3A_296 = arith.constant dense<0.000000e+00> : vector<8x128xf32>
    %dot_general3A_297 = tpu.matmul %squeeze3A_289, %convert_element_type3A_292, %dot_general3A_296 {dimension_numbers = #tpu.dot_dimension_numbers<[1], [0], [0], [1], [0, 0, 1, 1], [], []>, transpose_lhs_hint = false} : vector<8x16xbf16>, vector<16x128xbf16>, vector<8x128xf32> -> vector<8x128xf32>
    %dot_general3A_298 = arith.constant dense<0.000000e+00> : vector<8x128xf32>
    %dot_general3A_299 = tpu.matmul %squeeze3A_289, %convert_element_type3A_295, %dot_general3A_298 {dimension_numbers = #tpu.dot_dimension_numbers<[1], [0], [0], [1], [0, 0, 1, 1], [], []>, transpose_lhs_hint = false} : vector<8x16xbf16>, vector<16x128xbf16>, vector<8x128xf32> -> vector<8x128xf32>
    %add3A_300 = arith.addf %dot_general3A_297, %dot_general3A_299 : vector<8x128xf32>
    %slice3A_301 = vector.extract_strided_slice %convert_element_type3A_160 {offsets = [11, 0, 0], sizes = [1, 8, 16], strides = [1, 1, 1]} : vector<16x8x16xbf16> to vector<1x8x16xbf16>
    %squeeze3A_302 = vector.shape_cast %slice3A_301 : vector<1x8x16xbf16> to vector<8x16xbf16>
    %slice3A_303 = vector.extract_strided_slice %div3A_148 {offsets = [11, 0, 0], sizes = [1, 16, 128], strides = [1, 1, 1]} : vector<16x16x128xf32> to vector<1x16x128xf32>
    %squeeze3A_304 = vector.shape_cast %slice3A_303 : vector<1x16x128xf32> to vector<16x128xf32>
    %convert_element_type3A_305 = arith.truncf %squeeze3A_304 : vector<16x128xf32> to vector<16x128xbf16>
    %convert_element_type3A_306 = arith.extf %convert_element_type3A_305 : vector<16x128xbf16> to vector<16x128xf32>
    %sub3A_307 = arith.subf %squeeze3A_304, %convert_element_type3A_306 : vector<16x128xf32>
    %convert_element_type3A_308 = arith.truncf %sub3A_307 : vector<16x128xf32> to vector<16x128xbf16>
    %dot_general3A_309 = arith.constant dense<0.000000e+00> : vector<8x128xf32>
    %dot_general3A_310 = tpu.matmul %squeeze3A_302, %convert_element_type3A_305, %dot_general3A_309 {dimension_numbers = #tpu.dot_dimension_numbers<[1], [0], [0], [1], [0, 0, 1, 1], [], []>, transpose_lhs_hint = false} : vector<8x16xbf16>, vector<16x128xbf16>, vector<8x128xf32> -> vector<8x128xf32>
    %dot_general3A_311 = arith.constant dense<0.000000e+00> : vector<8x128xf32>
    %dot_general3A_312 = tpu.matmul %squeeze3A_302, %convert_element_type3A_308, %dot_general3A_311 {dimension_numbers = #tpu.dot_dimension_numbers<[1], [0], [0], [1], [0, 0, 1, 1], [], []>, transpose_lhs_hint = false} : vector<8x16xbf16>, vector<16x128xbf16>, vector<8x128xf32> -> vector<8x128xf32>
    %add3A_313 = arith.addf %dot_general3A_310, %dot_general3A_312 : vector<8x128xf32>
    %slice3A_314 = vector.extract_strided_slice %convert_element_type3A_160 {offsets = [12, 0, 0], sizes = [1, 8, 16], strides = [1, 1, 1]} : vector<16x8x16xbf16> to vector<1x8x16xbf16>
    %squeeze3A_315 = vector.shape_cast %slice3A_314 : vector<1x8x16xbf16> to vector<8x16xbf16>
    %slice3A_316 = vector.extract_strided_slice %div3A_148 {offsets = [12, 0, 0], sizes = [1, 16, 128], strides = [1, 1, 1]} : vector<16x16x128xf32> to vector<1x16x128xf32>
    %squeeze3A_317 = vector.shape_cast %slice3A_316 : vector<1x16x128xf32> to vector<16x128xf32>
    %convert_element_type3A_318 = arith.truncf %squeeze3A_317 : vector<16x128xf32> to vector<16x128xbf16>
    %convert_element_type3A_319 = arith.extf %convert_element_type3A_318 : vector<16x128xbf16> to vector<16x128xf32>
    %sub3A_320 = arith.subf %squeeze3A_317, %convert_element_type3A_319 : vector<16x128xf32>
    %convert_element_type3A_321 = arith.truncf %sub3A_320 : vector<16x128xf32> to vector<16x128xbf16>
    %dot_general3A_322 = arith.constant dense<0.000000e+00> : vector<8x128xf32>
    %dot_general3A_323 = tpu.matmul %squeeze3A_315, %convert_element_type3A_318, %dot_general3A_322 {dimension_numbers = #tpu.dot_dimension_numbers<[1], [0], [0], [1], [0, 0, 1, 1], [], []>, transpose_lhs_hint = false} : vector<8x16xbf16>, vector<16x128xbf16>, vector<8x128xf32> -> vector<8x128xf32>
    %dot_general3A_324 = arith.constant dense<0.000000e+00> : vector<8x128xf32>
    %dot_general3A_325 = tpu.matmul %squeeze3A_315, %convert_element_type3A_321, %dot_general3A_324 {dimension_numbers = #tpu.dot_dimension_numbers<[1], [0], [0], [1], [0, 0, 1, 1], [], []>, transpose_lhs_hint = false} : vector<8x16xbf16>, vector<16x128xbf16>, vector<8x128xf32> -> vector<8x128xf32>
    %add3A_326 = arith.addf %dot_general3A_323, %dot_general3A_325 : vector<8x128xf32>
    %slice3A_327 = vector.extract_strided_slice %convert_element_type3A_160 {offsets = [13, 0, 0], sizes = [1, 8, 16], strides = [1, 1, 1]} : vector<16x8x16xbf16> to vector<1x8x16xbf16>
    %squeeze3A_328 = vector.shape_cast %slice3A_327 : vector<1x8x16xbf16> to vector<8x16xbf16>
    %slice3A_329 = vector.extract_strided_slice %div3A_148 {offsets = [13, 0, 0], sizes = [1, 16, 128], strides = [1, 1, 1]} : vector<16x16x128xf32> to vector<1x16x128xf32>
    %squeeze3A_330 = vector.shape_cast %slice3A_329 : vector<1x16x128xf32> to vector<16x128xf32>
    %convert_element_type3A_331 = arith.truncf %squeeze3A_330 : vector<16x128xf32> to vector<16x128xbf16>
    %convert_element_type3A_332 = arith.extf %convert_element_type3A_331 : vector<16x128xbf16> to vector<16x128xf32>
    %sub3A_333 = arith.subf %squeeze3A_330, %convert_element_type3A_332 : vector<16x128xf32>
    %convert_element_type3A_334 = arith.truncf %sub3A_333 : vector<16x128xf32> to vector<16x128xbf16>
    %dot_general3A_335 = arith.constant dense<0.000000e+00> : vector<8x128xf32>
    %dot_general3A_336 = tpu.matmul %squeeze3A_328, %convert_element_type3A_331, %dot_general3A_335 {dimension_numbers = #tpu.dot_dimension_numbers<[1], [0], [0], [1], [0, 0, 1, 1], [], []>, transpose_lhs_hint = false} : vector<8x16xbf16>, vector<16x128xbf16>, vector<8x128xf32> -> vector<8x128xf32>
    %dot_general3A_337 = arith.constant dense<0.000000e+00> : vector<8x128xf32>
    %dot_general3A_338 = tpu.matmul %squeeze3A_328, %convert_element_type3A_334, %dot_general3A_337 {dimension_numbers = #tpu.dot_dimension_numbers<[1], [0], [0], [1], [0, 0, 1, 1], [], []>, transpose_lhs_hint = false} : vector<8x16xbf16>, vector<16x128xbf16>, vector<8x128xf32> -> vector<8x128xf32>
    %add3A_339 = arith.addf %dot_general3A_336, %dot_general3A_338 : vector<8x128xf32>
    %slice3A_340 = vector.extract_strided_slice %convert_element_type3A_160 {offsets = [14, 0, 0], sizes = [1, 8, 16], strides = [1, 1, 1]} : vector<16x8x16xbf16> to vector<1x8x16xbf16>
    %squeeze3A_341 = vector.shape_cast %slice3A_340 : vector<1x8x16xbf16> to vector<8x16xbf16>
    %slice3A_342 = vector.extract_strided_slice %div3A_148 {offsets = [14, 0, 0], sizes = [1, 16, 128], strides = [1, 1, 1]} : vector<16x16x128xf32> to vector<1x16x128xf32>
    %squeeze3A_343 = vector.shape_cast %slice3A_342 : vector<1x16x128xf32> to vector<16x128xf32>
    %convert_element_type3A_344 = arith.truncf %squeeze3A_343 : vector<16x128xf32> to vector<16x128xbf16>
    %convert_element_type3A_345 = arith.extf %convert_element_type3A_344 : vector<16x128xbf16> to vector<16x128xf32>
    %sub3A_346 = arith.subf %squeeze3A_343, %convert_element_type3A_345 : vector<16x128xf32>
    %convert_element_type3A_347 = arith.truncf %sub3A_346 : vector<16x128xf32> to vector<16x128xbf16>
    %dot_general3A_348 = arith.constant dense<0.000000e+00> : vector<8x128xf32>
    %dot_general3A_349 = tpu.matmul %squeeze3A_341, %convert_element_type3A_344, %dot_general3A_348 {dimension_numbers = #tpu.dot_dimension_numbers<[1], [0], [0], [1], [0, 0, 1, 1], [], []>, transpose_lhs_hint = false} : vector<8x16xbf16>, vector<16x128xbf16>, vector<8x128xf32> -> vector<8x128xf32>
    %dot_general3A_350 = arith.constant dense<0.000000e+00> : vector<8x128xf32>
    %dot_general3A_351 = tpu.matmul %squeeze3A_341, %convert_element_type3A_347, %dot_general3A_350 {dimension_numbers = #tpu.dot_dimension_numbers<[1], [0], [0], [1], [0, 0, 1, 1], [], []>, transpose_lhs_hint = false} : vector<8x16xbf16>, vector<16x128xbf16>, vector<8x128xf32> -> vector<8x128xf32>
    %add3A_352 = arith.addf %dot_general3A_349, %dot_general3A_351 : vector<8x128xf32>
    %slice3A_353 = vector.extract_strided_slice %convert_element_type3A_160 {offsets = [15, 0, 0], sizes = [1, 8, 16], strides = [1, 1, 1]} : vector<16x8x16xbf16> to vector<1x8x16xbf16>
    %squeeze3A_354 = vector.shape_cast %slice3A_353 : vector<1x8x16xbf16> to vector<8x16xbf16>
    %slice3A_355 = vector.extract_strided_slice %div3A_148 {offsets = [15, 0, 0], sizes = [1, 16, 128], strides = [1, 1, 1]} : vector<16x16x128xf32> to vector<1x16x128xf32>
    %squeeze3A_356 = vector.shape_cast %slice3A_355 : vector<1x16x128xf32> to vector<16x128xf32>
    %convert_element_type3A_357 = arith.truncf %squeeze3A_356 : vector<16x128xf32> to vector<16x128xbf16>
    %convert_element_type3A_358 = arith.extf %convert_element_type3A_357 : vector<16x128xbf16> to vector<16x128xf32>
    %sub3A_359 = arith.subf %squeeze3A_356, %convert_element_type3A_358 : vector<16x128xf32>
    %convert_element_type3A_360 = arith.truncf %sub3A_359 : vector<16x128xf32> to vector<16x128xbf16>
    %dot_general3A_361 = arith.constant dense<0.000000e+00> : vector<8x128xf32>
    %dot_general3A_362 = tpu.matmul %squeeze3A_354, %convert_element_type3A_357, %dot_general3A_361 {dimension_numbers = #tpu.dot_dimension_numbers<[1], [0], [0], [1], [0, 0, 1, 1], [], []>, transpose_lhs_hint = false} : vector<8x16xbf16>, vector<16x128xbf16>, vector<8x128xf32> -> vector<8x128xf32>
    %dot_general3A_363 = arith.constant dense<0.000000e+00> : vector<8x128xf32>
    %dot_general3A_364 = tpu.matmul %squeeze3A_354, %convert_element_type3A_360, %dot_general3A_363 {dimension_numbers = #tpu.dot_dimension_numbers<[1], [0], [0], [1], [0, 0, 1, 1], [], []>, transpose_lhs_hint = false} : vector<8x16xbf16>, vector<16x128xbf16>, vector<8x128xf32> -> vector<8x128xf32>
    %add3A_365 = arith.addf %dot_general3A_362, %dot_general3A_364 : vector<8x128xf32>
    %concatenate3A_366 = tpu.concatenate %add3A_170, %add3A_183, %add3A_196, %add3A_209, %add3A_222, %add3A_235, %add3A_248, %add3A_261, %add3A_274, %add3A_287, %add3A_300, %add3A_313, %add3A_326, %add3A_339, %add3A_352, %add3A_365 in 0 : vector<8x128xf32>, vector<8x128xf32>, vector<8x128xf32>, vector<8x128xf32>, vector<8x128xf32>, vector<8x128xf32>, vector<8x128xf32>, vector<8x128xf32>, vector<8x128xf32>, vector<8x128xf32>, vector<8x128xf32>, vector<8x128xf32>, vector<8x128xf32>, vector<8x128xf32>, vector<8x128xf32>, vector<8x128xf32> -> vector<128x128xf32>
    %convert_element_type3A_367 = arith.truncf %concatenate3A_366 : vector<128x128xf32> to vector<128x128xbf16>
    %convert_element_type3A_368 = arith.extf %convert_element_type3A_367 : vector<128x128xbf16> to vector<128x128xf32>
    %sub3A_369 = arith.subf %concatenate3A_366, %convert_element_type3A_368 : vector<128x128xf32>
    %convert_element_type3A_370 = arith.truncf %sub3A_369 : vector<128x128xf32> to vector<128x128xbf16>
    %convert_element_type3A_371 = arith.truncf %get3A_126 : vector<128x128xf32> to vector<128x128xbf16>
    %convert_element_type3A_372 = arith.extf %convert_element_type3A_371 : vector<128x128xbf16> to vector<128x128xf32>
    %sub3A_373 = arith.subf %get3A_126, %convert_element_type3A_372 : vector<128x128xf32>
    %convert_element_type3A_374 = arith.truncf %sub3A_373 : vector<128x128xf32> to vector<128x128xbf16>
    %dot_general3A_375 = arith.constant dense<0.000000e+00> : vector<128x128xf32>
    %dot_general3A_376 = tpu.matmul %convert_element_type3A_367, %convert_element_type3A_371, %dot_general3A_375 {dimension_numbers = #tpu.dot_dimension_numbers<[1], [1], [0], [0], [0, 0, 1, 0], [], []>, transpose_lhs_hint = false} : vector<128x128xbf16>, vector<128x128xbf16>, vector<128x128xf32> -> vector<128x128xf32>
    %dot_general3A_377 = arith.constant dense<0.000000e+00> : vector<128x128xf32>
    %dot_general3A_378 = tpu.matmul %convert_element_type3A_367, %convert_element_type3A_374, %dot_general3A_377 {dimension_numbers = #tpu.dot_dimension_numbers<[1], [1], [0], [0], [0, 0, 1, 0], [], []>, transpose_lhs_hint = false} : vector<128x128xbf16>, vector<128x128xbf16>, vector<128x128xf32> -> vector<128x128xf32>
    %add3A_379 = arith.addf %dot_general3A_376, %dot_general3A_378 : vector<128x128xf32>
    %dot_general3A_380 = arith.constant dense<0.000000e+00> : vector<128x128xf32>
    %dot_general3A_381 = tpu.matmul %convert_element_type3A_370, %convert_element_type3A_371, %dot_general3A_380 {dimension_numbers = #tpu.dot_dimension_numbers<[1], [1], [0], [0], [0, 0, 1, 0], [], []>, transpose_lhs_hint = false} : vector<128x128xbf16>, vector<128x128xbf16>, vector<128x128xf32> -> vector<128x128xf32>
    %add3A_382 = arith.addf %add3A_379, %dot_general3A_381 : vector<128x128xf32>
    %broadcast_in_dim3A_383 = vector.shape_cast %get3A_128 : vector<128xf32> to vector<1x128xf32>
    %add3A_384 = vector.broadcast %broadcast_in_dim3A_383 : vector<1x128xf32> to vector<128x128xf32>
    %add3A_385 = arith.addf %add3A_382, %add3A_384 : vector<128x128xf32>
    %reduce_sum3A_386 = arith.constant dense<0.000000e+00> : vector<128xf32>
    %reduce_sum3A_387 = vector.multi_reduction <add>, %add3A_385, %reduce_sum3A_386 [1] : vector<128x128xf32> to vector<128xf32>
    %broadcast_in_dim3A_388 = vector.shape_cast %reduce_sum3A_387 : vector<128xf32> to vector<128x1xf32>
    %div3A_389 = arith.constant 1.280000e+02 : f32
    %div3A_390 = vector.broadcast %div3A_389 : f32 to vector<128x1xf32>
    %div3A_391 = arith.divf %broadcast_in_dim3A_388, %div3A_390 : vector<128x1xf32>
    %sub3A_392 = vector.broadcast %div3A_391 : vector<128x1xf32> to vector<128x128xf32>
    %sub3A_393 = arith.subf %add3A_385, %sub3A_392 : vector<128x128xf32>
    %mul3A_394 = arith.mulf %sub3A_393, %sub3A_393 : vector<128x128xf32>
    %reduce_sum3A_395 = arith.constant dense<0.000000e+00> : vector<128xf32>
    %reduce_sum3A_396 = vector.multi_reduction <add>, %mul3A_394, %reduce_sum3A_395 [1] : vector<128x128xf32> to vector<128xf32>
    %broadcast_in_dim3A_397 = vector.shape_cast %reduce_sum3A_396 : vector<128xf32> to vector<128x1xf32>
    %div3A_398 = arith.constant 1.280000e+02 : f32
    %div3A_399 = vector.broadcast %div3A_398 : f32 to vector<128x1xf32>
    %div3A_400 = arith.divf %broadcast_in_dim3A_397, %div3A_399 : vector<128x1xf32>
    %add3A_401 = arith.constant 9.99999974E-6 : f32
    %add3A_402 = vector.broadcast %add3A_401 : f32 to vector<128x1xf32>
    %add3A_403 = arith.addf %div3A_400, %add3A_402 : vector<128x1xf32>
    %rsqrt3A = math.rsqrt %add3A_403 : vector<128x1xf32>
    %mul3A_404 = vector.broadcast %rsqrt3A : vector<128x1xf32> to vector<128x128xf32>
    %mul3A_405 = arith.mulf %sub3A_393, %mul3A_404 : vector<128x128xf32>
    %broadcast_in_dim3A_406 = vector.shape_cast %get3A_130 : vector<128xf32> to vector<1x128xf32>
    %mul3A_407 = vector.broadcast %broadcast_in_dim3A_406 : vector<1x128xf32> to vector<128x128xf32>
    %mul3A_408 = arith.mulf %mul3A_405, %mul3A_407 : vector<128x128xf32>
    %broadcast_in_dim3A_409 = vector.shape_cast %get3A_132 : vector<128xf32> to vector<1x128xf32>
    %add3A_410 = vector.broadcast %broadcast_in_dim3A_409 : vector<1x128xf32> to vector<128x128xf32>
    %add3A_411 = arith.addf %mul3A_408, %add3A_410 : vector<128x128xf32>
    %reshape3A_412 = vector.shape_cast %add3A_411 : vector<128x128xf32> to vector<16x8x128xf32>
    %swap3A = arith.constant 0 : index
    %swap3A_413 = arith.constant 0 : index
    %swap3A_414 = arith.constant 0 : index
    %swap3A_415 = vector.load %arg9[%swap3A, %swap3A_413, %swap3A_414] : memref<16x8x128xf32, #tpu.memory_space<vmem>>, vector<16x8x128xf32>
    tpu.vector_store %arg9[%swap3A, %swap3A_413, %swap3A_414], %reshape3A_412 {strides = array<i32>} : memref<16x8x128xf32, #tpu.memory_space<vmem>>, vector<16x8x128xf32>,
    return
  }
  func.func @transform_0(%arg0: i32) -> (i32, i32) {
    %c0_i32 = arith.constant 0 : i32
    %c0_i32_0 = arith.constant 0 : i32
    %c0_i32_1 = arith.constant 0 : i32
    return %c0_i32, %c0_i32_0 : i32, i32
  }
  func.func @transform_1(%arg0: i32) -> (i32, i32, i32) {
    %c0_i32 = arith.constant 0 : i32
    %c0_i32_0 = arith.constant 0 : i32
    %c0_i32_1 = arith.constant 0 : i32
    %c0_i32_2 = arith.constant 0 : i32
    return %c0_i32, %c0_i32_0, %c0_i32_1 : i32, i32, i32
  }
  func.func @transform_2(%arg0: i32) -> (i32, i32, i32) {
    %c0_i32 = arith.constant 0 : i32
    %c0_i32_0 = arith.constant 0 : i32
    %c0_i32_1 = arith.constant 0 : i32
    %c0_i32_2 = arith.constant 0 : i32
    return %c0_i32, %c0_i32_0, %c0_i32_1 : i32, i32, i32
  }
  func.func @transform_3(%arg0: i32) -> (i32, i32) {
    %c0_i32 = arith.constant 0 : i32
    %c0_i32_0 = arith.constant 0 : i32
    %c0_i32_1 = arith.constant 0 : i32
    return %c0_i32, %c0_i32_0 : i32, i32
  }
  func.func @transform_4(%arg0: i32) -> (i32, i32) {
    %c0_i32 = arith.constant 0 : i32
    %c0_i32_0 = arith.constant 0 : i32
    %c0_i32_1 = arith.constant 0 : i32
    return %c0_i32, %c0_i32_0 : i32, i32
  }
  func.func @transform_5(%arg0: i32) -> i32 {
    %c0_i32 = arith.constant 0 : i32
    %c0_i32_0 = arith.constant 0 : i32
    return %c0_i32 : i32
  }
  func.func @transform_6(%arg0: i32) -> i32 {
    %c0_i32 = arith.constant 0 : i32
    %c0_i32_0 = arith.constant 0 : i32
    return %c0_i32 : i32
  }
  func.func @transform_7(%arg0: i32) -> i32 {
    %c0_i32 = arith.constant 0 : i32
    %c0_i32_0 = arith.constant 0 : i32
    return %c0_i32 : i32
  }
  func.func @transform_8(%arg0: i32) -> (i32, i32, i32) {
    %c0_i32 = arith.constant 0 : i32
    %c0_i32_0 = arith.constant 0 : i32
    %c0_i32_1 = arith.constant 0 : i32
    %c0_i32_2 = arith.constant 0 : i32
    return %c0_i32, %c0_i32_0, %c0_i32_1 : i32, i32, i32
  }
}

</mosaic_0001>

<sc_bundles>
// kernel: kernel.5.cloned.1.call-start
scs
__scs_entry_jumppad:
0x0: {  	(pc) =	sbr.rel $0x88, $3  }
0x1: {  	(tag) =	ssettag $0x0;
	lr =	simm.s32 $0x1  }
0x2: {  	[smem:$0x3F9B] =	sst lr;
	_ =	strace $0xD0000000  }
0x3: {  	_ = 	snop  }
0x4: {  	_ = 	snop  }
0x5: {  	_ = 	snop  }
0x6: {  	_ = 	snop  }
0x7: {  	_ = 	snop  }
__scs_overlays_trampoline_lowered:
0x8: {  	[smem:$0x3FAA] =	sst s0  }
0x9: {  	[smem:$0x3FAB] =	sst s1  }
0xa: {  	[smem:$0x3FAC] =	sst s2  }
0xb: {  	[smem:$0x3FAD] =	sst s3  }
0xc: {  	[smem:$0x3FAE] =	sst s4  }
0xd: {  	[smem:$0x3FAF] =	sst s5  }
0xe: {  	[smem:$0x3FB0] =	sst s6  }
0xf: {  	[smem:$0x3FB1] =	sst s7  }
0x10: {  	[smem:$0x3FB2] =	sst s8  }
0x11: {  	[smem:$0x3FB3] =	sst s9;
	s0 =	simm.s32 @!p0 $0x0  }
0x12: {  	s1 =	sld [smem:$0x3F99];
	s0 =	simm.s32 @p0 $0x1  }
0x13: {  	[smem:$0x3FB4] =	sst s0;
	s0 =	simm.s32 @!p1 $0x0  }
0x14: {  	s2 =	sld [smem:$0x3F98];
	s0 =	simm.s32 @p1 $0x1  }
0x15: {  	[smem:$0x3FB5] =	sst s0;
	s0 =	simm.s32 @!p2 $0x0  }
0x16: {  	s3 =	sld [smem:$0x3FDB];
	s0 =	simm.s32 @p2 $0x1  }
0x17: {  	s4 =	simm.s32 $0x1BF5;
	[smem:$0x3FB7] =	sst s0  }
0x18: {  	s0 =	sld [smem:$0x3F9A];
	_ =	swait.ge [sflag:s4], $0x0  }
0x19: {  	s7 =	sld [smem:$0x3F9B]  }
0x1a: {  	s8 =	sadd.s32 $0xFFFFE003, lr  }
0x1b: {  	s9 =	sadd.s32 $0xFFFFFEF7, lr;
	s5 =	simm.s32 $0xFFFFFFFF;
	p2 =	slt.u32 s8, $0xFFFFF086  }
0x1c: {  	p1 =	slt.u32 s9, $0xF7A;
	s5 =	simm.s32 @!p2 $0x0  }
0x1d: {  	s5 =	simm.s32 @p1 $0x1;
	p0 =	seq.s32 s7, s2  }
0x1e: {  	s7 =	smul.u32 @!p0 $0xF7A, s2;
	p2 =	seq.s32 @!p0 s5, $0x0  }
0x1f: {  	s9 =	smul.u32 $0xF7A, s1;
	s8 =	simm.s32 @!p0 $0x1BF5;
	p2 =	por !p2, p0  }
0x20: {  	[sflag:s8] =	ssyncset.s32 @!p0 $0xFFFFF086;
	s6 =	sadd.s32 @!p0 s3, s7;
	s7 =	simm.s32 @!p0 $0x108  }
0x21: {  	s3 =	sadd.s32 s3, s9;
	s6 =	sadd.s32 @!p0 $0x88, s6;
	s7 =	simm.s32 @p2 $0x1082  }
0x22: {  	[simem:s7], [sflag:s8] =	dma.local @!p0 [hbm:s6], $0xF7A  }
0x23: {  	s9 =	sor.u32 $0xD0000000, s2;
	s6 =	simm.s32 $0x108;
	_ =	swait.ge @!p0 [sflag:s8], $0x0  }
0x24: {  	s3 =	sadd.s32 $0x88, s3;
	s6 =	simm.s32 @!p1 $0x1082;
	[sflag:s4] =	ssyncset.s32 $0xFFFFF086  }
0x25: {  	[simem:s6], [sflag:s4] =	dma.local [hbm:s3], $0xF7A  }
0x26: {  	[smem:$0x3F9B] =	sst s1;
	(tag) =	ssettag s2;
	_ =	strace s9  }
0x27: {  	s1 =	sld [smem:$0x3FAB]  }
0x28: {  	s2 =	sld [smem:$0x3FAC]  }
0x29: {  	s4 =	sld [smem:$0x3FAE]  }
0x2a: {  	p0 =	seq.s32 s5, $0x0;
	s5 =	sld [smem:$0x3FAF]  }
0x2b: {  	s6 =	sld [smem:$0x3FB0]  }
0x2c: {  	s7 =	sld [smem:$0x3FB1]  }
0x2d: {  	s3 =	simm.s32 $0x108;
	s8 =	sld [smem:$0x3FB2]  }
0x2e: {  	s3 =	simm.s32 @!p0 $0x1082;
	s9 =	sld [smem:$0x3FB3]  }
0x2f: {  	lr =	sadd.s32 s0, s3;
	s0 =	sld [smem:$0x3FAA]  }
0x30: {  	s3 =	sld [smem:$0x3FAD]  }
0x31: {  	[smem:$0x3FB6] =	sst s10  }
0x32: {  	s10 =	sld [smem:$0x3FB4];
	_ =	sdelay $0x3  }
0x33: {  	p0 =	seq.s32 s10, $0x1;
	s10 =	sld [smem:$0x3FB6];
	_ =	sdelay $0x3  }
0x34: {  	[smem:$0x3FB6] =	sst s10  }
0x35: {  	s10 =	sld [smem:$0x3FB5];
	_ =	sdelay $0x3  }
0x36: {  	p1 =	seq.s32 s10, $0x1;
	s10 =	sld [smem:$0x3FB6];
	_ =	sdelay $0x3  }
0x37: {  	[smem:$0x3FB6] =	sst s10  }
0x38: {  	s10 =	sld [smem:$0x3FB7]  }
0x39: {  	_ = 	snop;
	(pc) =	sbr.ind lr, $3  }
0x3a: {  	_ = 	snop  }
0x3b: {  	_ = 	snop  }
0x3c: {  	p2 =	seq.s32 s10, $0x1;
	s10 =	sld [smem:$0x3FB6]  }
0x3d: {  	_ =	shalt  }
0x3e: {  	_ =	shalt  }
0x3f: {  	_ =	shalt  }
0x40: {  	_ =	shalt  }
0x41: {  	_ =	shalt  }
0x42: {  	_ =	shalt  }
0x43: {  	_ =	shalt  }
0x44: {  	_ =	shalt  }
0x45: {  	_ =	shalt  }
0x46: {  	_ =	shalt  }
0x47: {  	_ =	shalt  }
0x48: {  	_ =	shalt  }
0x49: {  	_ =	shalt  }
0x4a: {  	_ =	shalt  }
0x4b: {  	_ =	shalt  }
0x4c: {  	_ =	shalt  }
0x4d: {  	_ =	shalt  }
0x4e: {  	_ =	shalt  }
0x4f: {  	_ =	shalt  }
0x50: {  	_ =	shalt  }
0x51: {  	_ =	shalt  }
0x52: {  	_ =	shalt  }
0x53: {  	_ =	shalt  }
0x54: {  	_ =	shalt  }
0x55: {  	_ =	shalt  }
0x56: {  	_ =	shalt  }
0x57: {  	_ =	shalt  }
0x58: {  	_ =	shalt  }
0x59: {  	_ =	shalt  }
0x5a: {  	_ =	shalt  }
0x5b: {  	_ =	shalt  }
0x5c: {  	_ =	shalt  }
0x5d: {  	_ =	shalt  }
0x5e: {  	_ =	shalt  }
0x5f: {  	_ =	shalt  }
0x60: {  	_ =	shalt  }
0x61: {  	_ =	shalt  }
0x62: {  	_ =	shalt  }
0x63: {  	_ =	shalt  }
0x64: {  	_ =	shalt  }
0x65: {  	_ =	shalt  }
0x66: {  	_ =	shalt  }
0x67: {  	_ =	shalt  }
0x68: {  	_ =	shalt  }
0x69: {  	_ =	shalt  }
0x6a: {  	_ =	shalt  }
0x6b: {  	_ =	shalt  }
0x6c: {  	_ =	shalt  }
0x6d: {  	_ =	shalt  }
0x6e: {  	_ =	shalt  }
0x6f: {  	_ =	shalt  }
0x70: {  	_ =	shalt  }
0x71: {  	_ =	shalt  }
0x72: {  	_ =	shalt  }
0x73: {  	_ =	shalt  }
0x74: {  	_ =	shalt  }
0x75: {  	_ =	shalt  }
0x76: {  	_ =	shalt  }
0x77: {  	_ =	shalt  }
0x78: {  	_ =	shalt  }
0x79: {  	_ =	shalt  }
0x7a: {  	_ =	shalt  }
0x7b: {  	_ =	shalt  }
0x7c: {  	_ =	shalt  }
0x7d: {  	_ =	shalt  }
0x7e: {  	_ =	shalt  }
0x7f: {  	_ =	shalt  }
0x80: {  	_ =	shalt  }
0x81: {  	_ =	shalt  }
0x82: {  	_ =	shalt  }
0x83: {  	_ =	shalt  }
0x84: {  	_ =	shalt  }
0x85: {  	_ =	shalt  }
0x86: {  	_ =	shalt  }
0x87: {  	_ =	shalt  }
.Lfunc_end0:
.L_simem_size_0:
called_computation_lowered:
.L_overlay_start_0:
0x88: {  	s2 =	sld [smem:$0x3FD9]  }
0x89: {  	s3 =	sld [smem:$0x3FFE];
	_ =	sdelay $0x1  }
0x8a: {  	s1 =	srdreg.scid  }
0x8b: {  	s0 =	sand.u32 $0x1, s1  }
0x8c: {  	s18 =	sshll.u32 s0, $0xA;
	s2 =	sadd.s32 s3, s2  }
0x8d: {  	s2 =	sadd.s32 s2, s18  }
0x8e: {  	[smem:$0x3FC2] =	sst s2  }
0x8f: {  	_ = 	snop  }
0x90: {  	s2 =	sld [smem:$0x3FC9]  }
0x91: {  	s19 =	sld [smem:$0x3FC8]  }
0x92: {  	s4 =	sld [smem:$0x3FD0];
	(tm) =	ssettm $0x1  }
0x93: {  	s5 =	sld [smem:$0x3FFB];
	_ =	sdelay $0x3  }
0x94: {  	_ =	strace s5  }
0x95: {  	s5 =	sld [smem:$0x3FFC];
	_ =	sdelay $0x3  }
0x96: {  	_ =	strace s5  }
0x97: {  	s5 =	sld [smem:$0x3FFD];
	_ =	sdelay $0x3  }
0x98: {  	_ =	strace s5  }
0x99: {  	_ =	strace $0x8FFFFFFF  }
0x9a: {  	s20 =	sld [smem:$0x3FDB];
	_ =	sdelay $0x1  }
0x9b: {  	s6 =	simm.s32 $_scs_section_size  }
0x9c: {  	s7 =	simm.s32 $_size__tile_overlayer_lowered;
	s8 =	simm.s32 $_tile_overlayer_lowered  }
0x9d: {  	s23 =	simm.s32 $0x1BFF;
	s22 =	sshll.u32 s8, $0x1;
	s5 =	sadd.s32 s6, s20  }
0x9e: {  	s9 =	simm.s32 $0x0;
	s21 =	sshll.u32 s7, $0x1;
	s7 =	sadd.s32 s22, s5  }
0x9f: {  	[timem:s9], [sflag:s23] =	dma.local [hbm:s7], s21  }
0xa0: {  	_ =	swait.ge [sflag:s23], s21  }
0xa1: {  	s6 =	ssub.s32 $0x0, s21;
	[sflag:s23] =	ssyncset.done $0x0  }
0xa2: {  	[sflag:s23] =	ssyncadd.s32 s6;
	_ =	sdelay $0x1  }
0xa3: {  	s24 =	simm.s32 $0x1B8B  }
0xa4: {  	_ =	swait.ge [sflag:s24], $0x1  }
0xa5: {  	[sflag:s24] =	ssyncset.done $0x0  }
0xa6: {  	s25 =	simm.s32 $0x1B8E;
	[sflag:s24] =	ssyncadd.s32 $0xFFFFFFFF  }
0xa7: {  	s26 =	simm.s32 $execute0_lowered;
	[smem:$0x3FD2] =	sst s25  }
0xa8: {  	s6 =	sshll.u32 s26, $0x1;
	_ =	strace $0x80000046;
	[dreg:$0x1] =	wrdreg $0xFFFFFFFF  }
0xa9: {  	s28 =	simm.s32 $_size_execute0_lowered;
	s5 =	sadd.s32 s5, s6;
	[dreg:$0x0] =	wrdreg $0x0  }
0xaa: {  	s6 =	sshll.u32 s28, $0x1;
	[dreg:$0x2] =	wrdreg s5  }
0xab: {  	[dreg:$0x3] =	wrdreg s6  }
0xac: {  	[dreg:$0x4] =	wrdreg $0xC0  }
0xad: {  	_ =	task [dreg:s9], $0x5FFFF  }
0xae: {  	[dreg:$0x1] =	wrdreg $0xFFFFFFFF  }
0xaf: {  	[dreg:$0x0] =	wrdreg $0x60  }
0xb0: {  	[dreg:$0x2] =	wrdreg s2  }
0xb1: {  	[dreg:$0x3] =	wrdreg s19  }
0xb2: {  	[dreg:$0x4] =	wrdreg s4  }
0xb3: {  	[dreg:$0x5] =	wrdreg $0x10B000  }
0xb4: {  	[dreg:$0x6] =	wrdreg $0x9  }
0xb5: {  	_ =	task.clear_ibuf [dreg:s9], $0x7FFFF;
	_ =	strace $0x90000046  }
0xb6: {  	s29 =	simm.s32 $0x9;
	_ =	strace $0x80000048  }
0xb7: {  	_ =	swait.ge [sflag:s29], $0x1  }
0xb8: {  	[sflag:s29] =	ssyncadd.s32 $0xFFFFFFFF  }
0xb9: {  	_ =	strace $0x90000048  }
0xba: {  	_ =	sfence  }
0xbb: {  	s30 =	sld [smem:$0x0];
	_ =	sdelay $0x2  }
0xbc: {  	s31 =	sshll.u32 s1, $0xD;
	s1 =	sshrl.u32 s1, $0x2  }
0xbd: {  	s3 =	sand.u32 $0x4000, s31;
	s1 =	sadd.s32 s1, s30  }
0xbe: {  	s0 =	sor.u32 s3, s0;
	s1 =	sshll.u32 s1, $0x11  }
0xbf: {  	s0 =	sor.u32 s1, s0  }
0xc0: {  	s0 =	sadd.s32 $0x8F2B, s0  }
0xc1: {  	[sflag:s0] =	ssyncadd.remote.s32 $0x1  }
0xc2: {  	_ =	sfence.sel $0xFFFF  }
0xc3: {  	[dreg:$0x0] =	wrdreg $0xFFFFFFFF;
	(pc) =	sbr.abs _section_cstart, $3  }
0xc4: {  	[dreg:$0x1] =	wrdreg $0xFFFFFFFF  }
0xc5: {  	_ =	task.clear_ibuf [dreg:s9], $0x2FFFF;
	_ =	strace $0x9FFFFFFF  }
0xc6: {  	(tm) =	ssettm $0x7FFFFFFF  }
0xc7: {  	_ =	shalt  }
tec
execute0_lowered:
.L_overlay_start_1:
0x0: {  	(tag) =	ssettag $0x1  }
0x1: {  	s0 =	srdreg.scid  }
0x2: {  	s8 =	sand.u32 $0x1, s0  }
0x3: {  	s7 =	rddreg [dreg:$0x0];
	s17 =	stileid.u32;
	s1 =	sshll.u32 s8, $0x4  }
0x4: {  	s11 =	rddreg [dreg:$0x1];
	s9 =	stileid.u32;
	s1 =	sor.u32 s17, s1  }
0x5: {  	s2 =	rddreg [dreg:$0x3];
	s3 =	simm.s32 $0x0;
	s12 =	smul.u32 $0x6, s1  }
0x6: {  	[smem:$0x7FF] =	sst s3;
	s30 =	ssub.s32 $0x2, s8;
	s5 =	smul.u32 $0x300, s1  }
0x7: {  	_ =	strace $0x80000047;
	s8 =	smul.u32 $0x6, s8;
	s1 =	sshrl.u32 s30, $0x1  }
0x8: {  	s1 =	ssub.s32 s30, s1;
	s4 =	sshrl.u32 s12, $0x5;
	s10 =	sand.u32 $0xF00, s5  }
0x9: {  	s15 =	sadd.s32 $0x2, s12;
	s23 =	sadd.s32 $0x4, s12;
	s28 =	sadd.s32 $0x5, s12  }
0xa: {  	p0 =	slt.u32 s12, $0x60;
	s13 =	sshll.u32 s4, $0x4;
	s6 =	sadd.s32 s11, s10  }
0xb: {  	s14 =	sor.u32 $0x80, s10;
	s5 =	sshrl.u32 s15, $0x5;
	s18 =	sand.u32 $0x70, s13  }
0xc: {  	s16 =	sshll.u32 s15, $0x7;
	s19 =	sadd.s32 s11, s14;
	s6 =	sadd.s32 s18, s6  }
0xd: {  	s24 =	sshll.u32 s23, $0x7;
	[dreg:$0x5] =	wrdreg s6;
	s6 =	sadd.s32 s18, s19  }
0xe: {  	[dreg:$0x6] =	wrdreg s6;
	s6 =	sand.u32 $0xF00, s16;
	s16 =	sshll.u32 s5, $0x4  }
0xf: {  	s19 =	sadd.s32 $0x3, s12;
	s17 =	sand.u32 $0x70, s16;
	s18 =	sadd.s32 s11, s6  }
0x10: {  	s20 =	sshll.u32 s19, $0x7;
	s17 =	sadd.s32 s17, s18;
	s18 =	sshrl.u32 s19, $0x5  }
0x11: {  	[dreg:$0x7] =	wrdreg s17;
	s17 =	sand.u32 $0xF80, s20;
	s20 =	sshll.u32 s18, $0x4  }
0x12: {  	s29 =	sshll.u32 s28, $0x7;
	s21 =	sand.u32 $0x70, s20;
	s22 =	sadd.s32 s11, s17  }
0x13: {  	s29 =	sand.u32 $0xF80, s29;
	s21 =	sadd.s32 s21, s22;
	s22 =	sshrl.u32 s23, $0x5  }
0x14: {  	[dreg:$0x8] =	wrdreg s21;
	s21 =	sand.u32 $0xF00, s24;
	s24 =	sshll.u32 s22, $0x4  }
0x15: {  	s14 =	sshll.u32 s14, $0x7;
	s25 =	sand.u32 $0x70, s24;
	s26 =	sadd.s32 s11, s21  }
0x16: {  	s5 =	sshll.u32 s5, $0x10;
	s25 =	sadd.s32 s25, s26;
	s26 =	sshrl.u32 s28, $0x5  }
0x17: {  	s6 =	sshll.u32 s6, $0x4;
	s5 =	sadd.s32 s7, s5;
	s31 =	sshll.u32 s26, $0x4  }
0x18: {  	s5 =	sadd.s32 s6, s5;
	s11 =	sadd.s32 s11, s29;
	s0 =	sand.u32 $0x70, s31  }
0x19: {  	s30 =	sadd.s32 $0xFFFFFFD0, s20;
	[dreg:$0x9] =	wrdreg s25;
	s0 =	sadd.s32 s0, s11  }
0x1a: {  	s25 =	sadd.s32 $0xFFFFFFD0, s16;
	[dreg:$0xa] =	wrdreg s0;
	s0 =	sadd.s32 $0xFFFFFFD0, s13  }
0x1b: {  	s11 =	sadd.s32 $0xFFFFFFD0, s24;
	s0 =	smov.u32 @p0 s13;
	p0 =	slt.u32 s15, $0x60  }
0x1c: {  	s25 =	smov.u32 @p0 s16;
	p0 =	slt.u32 s19, $0x60;
	s16 =	sshll.u32 s18, $0x10  }
0x1d: {  	s18 =	sshll.u32 s17, $0x4;
	s19 =	sshll.u32 s22, $0x10;
	s22 =	sshll.u32 s29, $0x4  }
0x1e: {  	s17 =	simm.s32 $0x2;
	s29 =	simm.s32 $0x10580;
	s30 =	smov.u32 @p0 s20  }
0x1f: {  	p0 =	slt.u32 s23, $0x60;
	s20 =	sshll.u32 s4, $0x13;
	s23 =	sshll.u32 s10, $0x7  }
0x20: {  	v1 =	vmov s25;
	s25 =	simm.s32 $0x10400;
	s11 =	smov.u32 @p0 s24;
	s24 =	sshll.u32 s9, $0xA  }
0x21: {  	s9 =	sor.u32 s23, s20;
	s12 =	sor.u32 s20, s14;
	p0 =	slt.u32 s28, $0x60  }
0x22: {  	s28 =	sadd.s32 $0xFFFFFFD0, s31;
	s20 =	sshll.u32 s21, $0x4;
	s21 =	sshll.u32 s26, $0x10  }
0x23: {  	s23 =	stileid.u32;
	s14 =	simm.s32 $0x10180;
	s4 =	sadd.s32 s24, s2  }
0x24: {  	s13 =	sshrl.u32 s9, $0x3;
	s12 =	sshrl.u32 s12, $0x3;
	s28 =	smov.u32 @p0 s31  }
0x25: {  	s24 =	sadd.s32 s23, s8;
	s31 =	rddreg [dreg:$0x2];
	p0 =	sgt.u32 s23, $0x5  }
0x26: {  	s23 =	simm.s32 $0x10300;
	s10 =	sadd.s32 s7, s13;
	s15 =	sadd.s32 s7, s12  }
0x27: {  	s13 =	sadd.s32 s7, s21;
	s26 =	sshll.u32 s24, $0x7;
	s12 =	simm.s32 $0x10080  }
0x28: {  	s21 =	simm.s32 $0x1;
	s24 =	simm.s32 $0x10380;
	[dreg:$0xb] =	wrdreg s10  }
0x29: {  	v4 =	vmov s28;
	s28 =	simm.s32 $0x10500;
	[dreg:$0xc] =	wrdreg s15;
	s10 =	sadd.s32 s7, s16  }
0x2a: {  	s8 =	sadd.s32 s22, s13;
	s9 =	sadd.s32 s31, s26;
	s13 =	simm.s32 $0x10100  }
0x2b: {  	s15 =	simm.s32 $0x10200;
	s16 =	simm.s32 $0x10280;
	s22 =	simm.s32 $0x80  }
0x2c: {  	s26 =	simm.s32 $0x10480;
	s6 =	sadd.s32 s18, s10;
	s10 =	sadd.s32 s7, s19  }
0x2d: {  	v5 =	vimm.f32 $0.0e+00;
	s18 =	simm.s32 $0x4000;
	s19 =	simm.s32 $0x8000;
	s7 =	sadd.s32 s20, s10  }
0x2e: {  	v0 =	vmov s0;
	v2 =	vmov s30;
	v3 =	vmov s11;
	s10 =	smax.u32 s1, $0x1;
	s1 =	simm.s32 $0x10000;
	s20 =	simm.s32 $0xC000  }
.LBB2_1:
0x2f: {  	[tilespmem:$0x10700] =	vst v5  }
0x30: {  	[tilespmem:$0x10710] =	vst v5  }
0x31: {  	[tilespmem:$0x10720] =	vst v5  }
0x32: {  	[tilespmem:$0x10730] =	vst v5  }
0x33: {  	[tilespmem:$0x10740] =	vst v5  }
0x34: {  	[tilespmem:$0x10750] =	vst v5  }
0x35: {  	[tilespmem:$0x10760] =	vst v5  }
0x36: {  	[tilespmem:$0x10770] =	vst v5  }
0x37: {  	[tilespmem:$0x10780] =	vst v5  }
0x38: {  	[tilespmem:$0x10790] =	vst v5  }
0x39: {  	[tilespmem:$0x107A0] =	vst v5  }
0x3a: {  	[tilespmem:$0x107B0] =	vst v5  }
0x3b: {  	[tilespmem:$0x107C0] =	vst v5  }
0x3c: {  	[tilespmem:$0x107D0] =	vst v5  }
0x3d: {  	[tilespmem:$0x107E0] =	vst v5  }
0x3e: {  	[tilespmem:$0x107F0] =	vst v5  }
0x3f: {  	[tilespmem:$0x10800] =	vst v5  }
0x40: {  	[tilespmem:$0x10810] =	vst v5  }
0x41: {  	[tilespmem:$0x10820] =	vst v5  }
0x42: {  	[tilespmem:$0x10830] =	vst v5  }
0x43: {  	[tilespmem:$0x10840] =	vst v5  }
0x44: {  	[tilespmem:$0x10850] =	vst v5  }
0x45: {  	[tilespmem:$0x10860] =	vst v5  }
0x46: {  	[tilespmem:$0x10870] =	vst v5  }
0x47: {  	[tilespmem:$0x10880] =	vst v5  }
0x48: {  	[tilespmem:$0x10890] =	vst v5  }
0x49: {  	[tilespmem:$0x108A0] =	vst v5  }
0x4a: {  	[tilespmem:$0x108B0] =	vst v5  }
0x4b: {  	[tilespmem:$0x108C0] =	vst v5  }
0x4c: {  	[tilespmem:$0x108D0] =	vst v5  }
0x4d: {  	[tilespmem:$0x108E0] =	vst v5  }
0x4e: {  	[tilespmem:$0x108F0] =	vst v5  }
0x4f: {  	[tilespmem:$0x10900] =	vst v5  }
0x50: {  	[tilespmem:$0x10910] =	vst v5  }
0x51: {  	[tilespmem:$0x10920] =	vst v5  }
0x52: {  	[tilespmem:$0x10930] =	vst v5  }
0x53: {  	[tilespmem:$0x10940] =	vst v5  }
0x54: {  	[tilespmem:$0x10950] =	vst v5  }
0x55: {  	[tilespmem:$0x10960] =	vst v5  }
0x56: {  	[tilespmem:$0x10970] =	vst v5  }
0x57: {  	[tilespmem:$0x10980] =	vst v5  }
0x58: {  	[tilespmem:$0x10990] =	vst v5  }
0x59: {  	[tilespmem:$0x109A0] =	vst v5  }
0x5a: {  	[tilespmem:$0x109B0] =	vst v5  }
0x5b: {  	[tilespmem:$0x109C0] =	vst v5  }
0x5c: {  	[tilespmem:$0x109D0] =	vst v5  }
0x5d: {  	[tilespmem:$0x109E0] =	vst v5  }
0x5e: {  	[tilespmem:$0x109F0] =	vst v5  }
0x5f: {  	[tilespmem:$0x10A00] =	vst v5  }
0x60: {  	[tilespmem:$0x10A10] =	vst v5  }
0x61: {  	[tilespmem:$0x10A20] =	vst v5  }
0x62: {  	[tilespmem:$0x10A30] =	vst v5  }
0x63: {  	[tilespmem:$0x10A40] =	vst v5  }
0x64: {  	[tilespmem:$0x10A50] =	vst v5  }
0x65: {  	[tilespmem:$0x10A60] =	vst v5  }
0x66: {  	[tilespmem:$0x10A70] =	vst v5  }
0x67: {  	[tilespmem:$0x10A80] =	vst v5  }
0x68: {  	[tilespmem:$0x10A90] =	vst v5  }
0x69: {  	[tilespmem:$0x10AA0] =	vst v5  }
0x6a: {  	[tilespmem:$0x10AB0] =	vst v5  }
0x6b: {  	[tilespmem:$0x10AC0] =	vst v5  }
0x6c: {  	[tilespmem:$0x10AD0] =	vst v5  }
0x6d: {  	[tilespmem:$0x10AE0] =	vst v5  }
0x6e: {  	[tilespmem:$0x10AF0] =	vst v5;
	s31 =	simm.s32 @!p0 $0x10700;
	s30 =	simm.s32 @!p0 $0x3  }
0x6f: {  	[spmem:s4] =	stream.linear.scatter @!p0 [tilespmem:s31], [sflag:$0x3], $0x400, $0x38;
	[tilespmem:$0x10C80] =	vst v63  }
0x70: {  	_ =	swait.ge @!p0 [sflag:s30], $0x400  }
0x71: {  	[sflag:s30] =	ssyncset.done @!p0 $0x0  }
0x72: {  	s0 =	rddreg [dreg:$0x5];
	[sflag:s30] =	ssyncadd.s32 @!p0 $0xFFFFFC00  }
0x73: {  	[tilespmem:s1], [sflag:$0x2] =	stream.linear.gather [hbm4b:s0+s3], $0x80, $0x38;
	[tilespmem:$0x10C80] =	vst v63  }
0x74: {  	s11 =	rddreg [dreg:$0x6]  }
0x75: {  	[tilespmem:s12], [sflag:$0x2] =	stream.linear.gather [hbm4b:s11+s3], $0x80, $0x38;
	[tilespmem:$0x10C80] =	vst v63  }
0x76: {  	s0 =	rddreg [dreg:$0x7]  }
0x77: {  	[tilespmem:s13], [sflag:$0x2] =	stream.linear.gather [hbm4b:s0+s3], $0x80, $0x38;
	[tilespmem:$0x10C80] =	vst v63  }
0x78: {  	s11 =	rddreg [dreg:$0x8]  }
0x79: {  	[tilespmem:s14], [sflag:$0x2] =	stream.linear.gather [hbm4b:s11+s3], $0x80, $0x38;
	[tilespmem:$0x10C80] =	vst v63  }
0x7a: {  	s0 =	rddreg [dreg:$0x9]  }
0x7b: {  	[tilespmem:s15], [sflag:$0x2] =	stream.linear.gather [hbm4b:s0+s3], $0x80, $0x38;
	[tilespmem:$0x10C80] =	vst v63  }
0x7c: {  	s11 =	rddreg [dreg:$0xa]  }
0x7d: {  	[tilespmem:s16], [sflag:$0x2] =	stream.linear.gather [hbm4b:s11+s3], $0x80, $0x38;
	[tilespmem:$0x10C80] =	vst v63  }
0x7e: {  	_ =	swait.ge [sflag:s17], $0x80  }
0x7f: {  	[sflag:s17] =	ssyncset.done $0x0  }
0x80: {  	[sflag:s17] =	ssyncadd.s32 $0xFFFFFF80  }
0x81: {  	_ =	swait.ge [sflag:s17], $0x80  }
0x82: {  	[sflag:s17] =	ssyncset.done $0x0  }
0x83: {  	[sflag:s17] =	ssyncadd.s32 $0xFFFFFF80  }
0x84: {  	_ =	swait.ge [sflag:s17], $0x80  }
0x85: {  	[sflag:s17] =	ssyncset.done $0x0  }
0x86: {  	[sflag:s17] =	ssyncadd.s32 $0xFFFFFF80  }
0x87: {  	_ =	swait.ge [sflag:s17], $0x80  }
0x88: {  	[sflag:s17] =	ssyncset.done $0x0  }
0x89: {  	[sflag:s17] =	ssyncadd.s32 $0xFFFFFF80  }
0x8a: {  	_ =	swait.ge [sflag:s17], $0x80  }
0x8b: {  	[sflag:s17] =	ssyncset.done $0x0  }
0x8c: {  	[sflag:s17] =	ssyncadd.s32 $0xFFFFFF80  }
0x8d: {  	_ =	swait.ge [sflag:s17], $0x80  }
0x8e: {  	[sflag:s17] =	ssyncset.done $0x0  }
0x8f: {  	[sflag:s17] =	ssyncadd.s32 $0xFFFFFF80  }
0x90: {  	v6 =	vld [tilespmem:$0x10000]  }
0x91: {  	v7 =	vld [tilespmem:$0x10010]  }
0x92: {  	v8 =	vld [tilespmem:$0x10020]  }
0x93: {  	v9 =	vld [tilespmem:$0x10030]  }
0x94: {  	v10 =	vld [tilespmem:$0x10040]  }
0x95: {  	v11 =	vld [tilespmem:$0x10050];
	v6 =	vadd.s32 v0, v6  }
0x96: {  	[tilespmem:$0x10300] =	vst v6;
	v6 =	vadd.s32 v0, v7;
	v7 =	vld [tilespmem:$0x10060]  }
0x97: {  	v31 =	vld [tilespmem:$0x10070];
	[tilespmem:$0x10310] =	vst v6;
	v6 =	vadd.s32 v0, v8  }
0x98: {  	v32 =	vld [tilespmem:$0x10080];
	[tilespmem:$0x10320] =	vst v6;
	v6 =	vadd.s32 v0, v9  }
0x99: {  	v33 =	vld [tilespmem:$0x10090];
	[tilespmem:$0x10330] =	vst v6;
	v6 =	vadd.s32 v0, v10  }
0x9a: {  	v34 =	vld [tilespmem:$0x100A0];
	[tilespmem:$0x10340] =	vst v6;
	v6 =	vadd.s32 v0, v11  }
0x9b: {  	[tilespmem:$0x10350] =	vst v6;
	v6 =	vadd.s32 v0, v7;
	v7 =	vld [tilespmem:$0x100B0]  }
0x9c: {  	v35 =	vld [tilespmem:$0x100C0];
	[tilespmem:$0x10360] =	vst v6;
	v6 =	vadd.s32 v0, v31  }
0x9d: {  	v36 =	vld [tilespmem:$0x100D0];
	[tilespmem:$0x10370] =	vst v6;
	v6 =	vadd.s32 v0, v32  }
0x9e: {  	v37 =	vld [tilespmem:$0x100E0];
	[tilespmem:$0x10380] =	vst v6;
	v6 =	vadd.s32 v0, v33  }
0x9f: {  	v38 =	vld [tilespmem:$0x100F0];
	[tilespmem:$0x10390] =	vst v6;
	v6 =	vadd.s32 v0, v34  }
0xa0: {  	[tilespmem:$0x103A0] =	vst v6;
	v6 =	vadd.s32 v0, v7;
	v7 =	vld [tilespmem:$0x10100]  }
0xa1: {  	v39 =	vld [tilespmem:$0x10110];
	[tilespmem:$0x103B0] =	vst v6;
	v6 =	vadd.s32 v0, v35  }
0xa2: {  	v40 =	vld [tilespmem:$0x10120];
	[tilespmem:$0x103C0] =	vst v6;
	v6 =	vadd.s32 v0, v36  }
0xa3: {  	v41 =	vld [tilespmem:$0x10130];
	[tilespmem:$0x103D0] =	vst v6;
	v6 =	vadd.s32 v0, v37  }
0xa4: {  	v42 =	vld [tilespmem:$0x10140];
	[tilespmem:$0x103E0] =	vst v6;
	v6 =	vadd.s32 v0, v38  }
0xa5: {  	[tilespmem:$0x103F0] =	vst v6;
	v6 =	vadd.s32 v1, v7;
	v7 =	vld [tilespmem:$0x10150]  }
0xa6: {  	v43 =	vld [tilespmem:$0x10160];
	[tilespmem:$0x10400] =	vst v6;
	v6 =	vadd.s32 v1, v39  }
0xa7: {  	v44 =	vld [tilespmem:$0x10170];
	[tilespmem:$0x10410] =	vst v6;
	v6 =	vadd.s32 v1, v40  }
0xa8: {  	v45 =	vld [tilespmem:$0x10180];
	[tilespmem:$0x10420] =	vst v6;
	v6 =	vadd.s32 v1, v41  }
0xa9: {  	v46 =	vld [tilespmem:$0x10190];
	[tilespmem:$0x10430] =	vst v6;
	v6 =	vadd.s32 v1, v42  }
0xaa: {  	[tilespmem:$0x10440] =	vst v6;
	v6 =	vadd.s32 v1, v7;
	v7 =	vld [tilespmem:$0x101A0]  }
0xab: {  	v47 =	vld [tilespmem:$0x101B0];
	[tilespmem:$0x10450] =	vst v6;
	v6 =	vadd.s32 v1, v43  }
0xac: {  	v48 =	vld [tilespmem:$0x101C0];
	[tilespmem:$0x10460] =	vst v6;
	v6 =	vadd.s32 v1, v44  }
0xad: {  	v49 =	vld [tilespmem:$0x101D0];
	[tilespmem:$0x10470] =	vst v6;
	v6 =	vadd.s32 v2, v45  }
0xae: {  	v50 =	vld [tilespmem:$0x101E0];
	[tilespmem:$0x10480] =	vst v6;
	v6 =	vadd.s32 v2, v46  }
0xaf: {  	[tilespmem:$0x10490] =	vst v6;
	v6 =	vadd.s32 v2, v7;
	v7 =	vld [tilespmem:$0x101F0]  }
0xb0: {  	v51 =	vld [tilespmem:$0x10200];
	[tilespmem:$0x104A0] =	vst v6;
	v6 =	vadd.s32 v2, v47  }
0xb1: {  	v52 =	vld [tilespmem:$0x10210];
	[tilespmem:$0x104B0] =	vst v6;
	v6 =	vadd.s32 v2, v48  }
0xb2: {  	v53 =	vld [tilespmem:$0x10220];
	[tilespmem:$0x104C0] =	vst v6;
	v6 =	vadd.s32 v2, v49  }
0xb3: {  	v54 =	vld [tilespmem:$0x10230];
	[tilespmem:$0x104D0] =	vst v6;
	v6 =	vadd.s32 v2, v50  }
0xb4: {  	[tilespmem:$0x104E0] =	vst v6;
	v6 =	vadd.s32 v2, v7;
	v7 =	vld [tilespmem:$0x10240]  }
0xb5: {  	v55 =	vld [tilespmem:$0x10250];
	[tilespmem:$0x104F0] =	vst v6;
	v6 =	vadd.s32 v3, v51  }
0xb6: {  	v56 =	vld [tilespmem:$0x10260];
	[tilespmem:$0x10500] =	vst v6;
	v6 =	vadd.s32 v3, v52  }
0xb7: {  	v57 =	vld [tilespmem:$0x10270];
	[tilespmem:$0x10510] =	vst v6;
	v6 =	vadd.s32 v3, v53  }
0xb8: {  	v58 =	vld [tilespmem:$0x10280];
	[tilespmem:$0x10520] =	vst v6;
	v6 =	vadd.s32 v3, v54  }
0xb9: {  	[tilespmem:$0x10530] =	vst v6;
	v6 =	vadd.s32 v3, v7;
	v7 =	vld [tilespmem:$0x10290]  }
0xba: {  	v59 =	vld [tilespmem:$0x102A0];
	[tilespmem:$0x10540] =	vst v6;
	v6 =	vadd.s32 v3, v55  }
0xbb: {  	v60 =	vld [tilespmem:$0x102B0];
	[tilespmem:$0x10550] =	vst v6;
	v6 =	vadd.s32 v3, v56  }
0xbc: {  	v61 =	vld [tilespmem:$0x102C0];
	[tilespmem:$0x10560] =	vst v6;
	v6 =	vadd.s32 v3, v57  }
0xbd: {  	v62 =	vld [tilespmem:$0x102D0];
	[tilespmem:$0x10570] =	vst v6;
	v6 =	vadd.s32 v4, v58  }
0xbe: {  	[tilespmem:$0x10580] =	vst v6;
	v6 =	vadd.s32 v4, v7;
	v7 =	vld [tilespmem:$0x102E0]  }
0xbf: {  	v63 =	vld [tilespmem:$0x102F0];
	[tilespmem:$0x10590] =	vst v6;
	v6 =	vadd.s32 v4, v59  }
0xc0: {  	[tilespmem:$0x105A0] =	vst v6;
	v6 =	vadd.s32 v4, v60  }
0xc1: {  	[tilespmem:$0x105B0] =	vst v6;
	v6 =	vadd.s32 v4, v61  }
0xc2: {  	[tilespmem:$0x105C0] =	vst v6;
	v6 =	vadd.s32 v4, v62  }
0xc3: {  	[tilespmem:$0x105D0] =	vst v6;
	v6 =	vadd.s32 v4, v7  }
0xc4: {  	[tilespmem:$0x105E0] =	vst v6;
	v6 =	vadd.s32 v4, v63  }
0xc5: {  	[tilespmem:$0x105F0] =	vst v6  }
0xc6: {  	[bflag:$0x0] =	sbarrier.arrive $0xFFFF  }
0xc7: {  	s0 =	rddreg [dreg:$0xb]  }
0xc8: {  	[tilespmem:s3], [sflag:$0x1] =	stream.linear.gather [hbm4b:s0+s3], $0x4000, $0x38;
	[tilespmem:$0x10C80] =	vst v63  }
0xc9: {  	s11 =	rddreg [dreg:$0xc]  }
0xca: {  	[tilespmem:s18], [sflag:$0x1] =	stream.linear.gather [hbm4b:s11+s3], $0x4000, $0x38;
	[tilespmem:$0x10C80] =	vst v63  }
0xcb: {  	_ = 	snop  }
0xcc: {  	[tilespmem:s19], [sflag:$0x1] =	stream.linear.gather [hbm4b:s5+s3], $0x4000, $0x38;
	[tilespmem:$0x10C80] =	vst v63  }
0xcd: {  	_ = 	snop  }
0xce: {  	[tilespmem:s20], [sflag:$0x1] =	stream.linear.gather [hbm4b:s6+s3], $0x4000, $0x38;
	[tilespmem:$0x10C80] =	vst v63  }
0xcf: {  	_ =	swait.ge [sflag:s21], $0x4000  }
0xd0: {  	[sflag:s21] =	ssyncset.done $0x0  }
0xd1: {  	[sflag:s21] =	ssyncadd.s32 $0xFFFFC000  }
0xd2: {  	[spmem:s2] =	stream.indirect.scatter.add.f32 [tilespmem:s3], [sflag:$0x2], $0x80, s23, s22, $0xb8;
	[tilespmem:$0x10C80] =	vst v63  }
0xd3: {  	_ =	swait.ge [sflag:s17], $0x4000  }
0xd4: {  	[sflag:s17] =	ssyncset.done $0x0  }
0xd5: {  	[sflag:s17] =	ssyncadd.s32 $0xFFFFC000  }
0xd6: {  	[tilespmem:s3], [sflag:$0x1] =	stream.linear.gather [hbm4b:s7+s3], $0x4000, $0x38;
	[tilespmem:$0x10C80] =	vst v63  }
0xd7: {  	_ =	swait.ge [sflag:s21], $0x4000  }
0xd8: {  	[sflag:s21] =	ssyncset.done $0x0  }
0xd9: {  	[sflag:s21] =	ssyncadd.s32 $0xFFFFC000  }
0xda: {  	[spmem:s2] =	stream.indirect.scatter.add.f32 [tilespmem:s18], [sflag:$0x2], $0x80, s24, s22, $0xb8;
	[tilespmem:$0x10C80] =	vst v63  }
0xdb: {  	_ =	swait.ge [sflag:s17], $0x4000  }
0xdc: {  	[sflag:s17] =	ssyncset.done $0x0  }
0xdd: {  	[sflag:s17] =	ssyncadd.s32 $0xFFFFC000  }
0xde: {  	[tilespmem:s18], [sflag:$0x1] =	stream.linear.gather [hbm4b:s8+s3], $0x4000, $0x38;
	[tilespmem:$0x10C80] =	vst v63  }
0xdf: {  	_ =	swait.ge [sflag:s21], $0x4000  }
0xe0: {  	[sflag:s21] =	ssyncset.done $0x0  }
0xe1: {  	[sflag:s21] =	ssyncadd.s32 $0xFFFFC000  }
0xe2: {  	[spmem:s2] =	stream.indirect.scatter.add.f32 [tilespmem:s19], [sflag:$0x2], $0x80, s25, s22, $0xb8;
	[tilespmem:$0x10C80] =	vst v63  }
0xe3: {  	_ =	swait.ge [sflag:s21], $0x4000  }
0xe4: {  	[sflag:s21] =	ssyncset.done $0x0  }
0xe5: {  	[sflag:s21] =	ssyncadd.s32 $0xFFFFC000  }
0xe6: {  	[spmem:s2] =	stream.indirect.scatter.add.f32 [tilespmem:s20], [sflag:$0x2], $0x80, s26, s22, $0xb8;
	[tilespmem:$0x10C80] =	vst v63  }
0xe7: {  	_ =	swait.ge [sflag:s21], $0x4000  }
0xe8: {  	[sflag:s21] =	ssyncset.done $0x0  }
0xe9: {  	[sflag:s21] =	ssyncadd.s32 $0xFFFFC000  }
0xea: {  	[spmem:s2] =	stream.indirect.scatter.add.f32 [tilespmem:s3], [sflag:$0x2], $0x80, s28, s22, $0xb8;
	[tilespmem:$0x10C80] =	vst v63  }
0xeb: {  	_ =	swait.ge [sflag:s21], $0x4000  }
0xec: {  	[sflag:s21] =	ssyncset.done $0x0  }
0xed: {  	[sflag:s21] =	ssyncadd.s32 $0xFFFFC000  }
0xee: {  	[spmem:s2] =	stream.indirect.scatter.add.f32 [tilespmem:s18], [sflag:$0x2], $0x80, s29, s22, $0xb8;
	[tilespmem:$0x10C80] =	vst v63  }
0xef: {  	_ =	swait.ge [sflag:s17], $0x4000  }
0xf0: {  	[sflag:s17] =	ssyncset.done $0x0  }
0xf1: {  	[sflag:s17] =	ssyncadd.s32 $0xFFFFC000  }
0xf2: {  	_ =	swait.ge [sflag:s17], $0x4000  }
0xf3: {  	[sflag:s17] =	ssyncset.done $0x0  }
0xf4: {  	[sflag:s17] =	ssyncadd.s32 $0xFFFFC000  }
0xf5: {  	_ =	swait.ge [sflag:s17], $0x4000  }
0xf6: {  	[sflag:s17] =	ssyncset.done $0x0  }
0xf7: {  	[sflag:s17] =	ssyncadd.s32 $0xFFFFC000  }
0xf8: {  	_ =	swait.ge [sflag:s17], $0x4000  }
0xf9: {  	[sflag:s17] =	ssyncset.done $0x0  }
0xfa: {  	[sflag:s17] =	ssyncadd.s32 $0xFFFFC000  }
0xfb: {  	[bflag:$0x0] =	sbarrier.arrive $0xFFFF  }
0xfc: {  	[tilespmem:s31], [sflag:$0x3] =	stream.linear.gather @!p0 [spmem:s4], $0x400, $0x38;
	[tilespmem:$0x10C80] =	vst v63  }
0xfd: {  	s10 =	sadd.s32 $0xFFFFFFFF, s10;
	_ =	swait.ge @!p0 [sflag:s30], $0x400  }
0xfe: {  	p1 =	sne.s32 s10, $0x0;
	[sflag:s30] =	ssyncset.done @!p0 $0x0  }
.Ltmp0:
0xff: {  	s0 =	simm.s32 @!p0 $0x0;
	[sflag:s30] =	ssyncadd.s32 @!p0 $0xFFFFFC00;
	(pc) =	sbr.rel @p1 .LBB2_1-.Ltmp0, $4  }
0x100: {  	[hbm4b:s9+s0] =	stream.linear.scatter @!p0 [tilespmem:s31], [sflag:$0x3], $0x400, $0x38;
	[tilespmem:$0x10C80] =	vst v63  }
0x101: {  	_ =	swait.ge @!p0 [sflag:s30], $0x400  }
0x102: {  	[sflag:s30] =	ssyncset.done @!p0 $0x0  }
0x103: {  	[sflag:s30] =	ssyncadd.s32 @!p0 $0xFFFFFC00  }
0x104: {  	_ =	sfence.sel $0x180000  }
0x105: {  	[bflag:$0x0] =	sbarrier.arrive $0xFFFF  }
0x106: {  	_ =	strace $0x90000047  }
0x107: {  	s0 =	stileid.u32;
	[bflag:$0x2] =	sbarrier.arrive $0xFFFF  }
0x108: {  	p0 =	sne.s32 s0, $0x0;
	s0 =	rddreg [dreg:$0x4]  }
0x109: {  	s0 =	sadd.s32 @!p0 $0x100000, s0  }
0x10a: {  	[sflag:s0] =	ssyncadd.tile.s32 @!p0 $0x1;
	_ =	shalt  }
.Lfunc_end2:
_tile_overlayer_lowered:
.L_overlay_start_2:
0x10b: {  	(tag) =	ssettag $0x2  }
0x10c: {  	s0 =	rddreg [dreg:$0x0];
	s2 =	stileid.u32  }
0x10d: {  	s1 =	rddreg [dreg:$0x1];
	p0 =	sne.s32 s2, $0x0  }
0x10e: {  	s3 =	rddreg [dreg:$0x2];
	[bflag:$0x3] =	sbarrier.arrive $0xFFFF;
	s2 =	simm.s32 @!p0 $0x1C03  }
0x10f: {  	[timem:s3], [sflag:s2] =	dma.local @!p0 [hbm:s0], s1  }
0x110: {  	s0 =	simm.s32 @!p0 $0x3  }
0x111: {  	_ =	swait.ge @!p0 [sflag:s0], s1  }
0x112: {  	s1 =	ssub.s32 @!p0 $0x0, s1;
	[sflag:s0] =	ssyncset.done @!p0 $0x0  }
0x113: {  	[sflag:s0] =	ssyncadd.s32 @!p0 s1  }
0x114: {  	[bflag:$0x3] =	sbarrier.arrive $0xFFFF  }
0x115: {  	_ =	shalt  }

</sc_bundles>
